<compile_context>
chip_gen: v7x
topology: tpu7x:2x2x1
jax: 0.10.2.dev20260603
libtpu: 0.0.44.dev20260713+nightly
codegen_flags: <defaults>
</compile_context>

<pallas_src>
import jax
import jax.numpy as jnp
from jax import lax
from jax.experimental import pallas as pl
from jax.experimental.pallas import tpu as pltpu
from jax.experimental.pallas import tpu_sc as plsc

D_MODEL = 64
N_BATCH = 4096
SEQ = 200
NUM_CORES = 2
NUM_SUBCORES = 16
NUM_WORKERS = NUM_CORES * NUM_SUBCORES
BLK = N_BATCH // NUM_WORKERS
LANES = 16
NBUF = 2
TRW = 129


def _embed_body(xt_hbm, table_hbm, out_hbm, idx_t, rows0, rows1, tr0, tr1,
                gsem, ssem):
    rows_b = (rows0, rows1)
    tr_b = (tr0, tr1)
    wid = lax.axis_index("s") * NUM_CORES + lax.axis_index("c")
    b0 = wid * BLK

    iota = lax.broadcasted_iota(jnp.int32, (LANES,), 0)
    dvecs = [iota + g * LANES for g in range(D_MODEL // LANES)]

    pltpu.sync_copy(xt_hbm.at[:, pl.ds(b0, BLK)], idx_t)

    def gather_cp(s, b):
        return pltpu.make_async_copy(
            table_hbm.at[idx_t.at[s]], rows_b[b], gsem.at[b])

    def store_cp(s, b, r8):
        return pltpu.make_async_copy(
            tr_b[b].at[pl.ds(r8 * 8, 8), pl.ds(0, 128)],
            out_hbm.at[s, r8, wid], ssem.at[b])

    UNROLL = 4

    def transpose_rows(b):
        def lstep(lq, carry):
            vals = []
            for u in range(UNROLL):
                l = lq * UNROLL + u
                sp = jnp.full((LANES,), l, dtype=jnp.int32)
                for g in range(D_MODEL // LANES):
                    vals.append(
                        (rows_b[b][l, pl.ds(g * LANES, LANES)], dvecs[g], sp))
            for v, dv, sp in vals:
                plsc.store_scatter(tr_b[b], [dv, sp], v)
            return carry

        lax.fori_loop(0, BLK // UNROLL, lstep, 0)

    for b in range(NBUF):
        gather_cp(b, b).start()

    def step(g, carry):
        for b in range(NBUF):
            s = g * NBUF + b
            gather_cp(s, b).wait()

            @pl.when(s >= NBUF)
            def _():
                for r8 in range(D_MODEL // 8):
                    store_cp(s, b, r8).wait()

            transpose_rows(b)

            @pl.when(s + NBUF < SEQ)
            def _():
                gather_cp(s + NBUF, b).start()

            for r8 in range(D_MODEL // 8):
                store_cp(s, b, r8).start()

        return carry

    lax.fori_loop(0, SEQ // NBUF, step, 0)

    for b in range(NBUF):
        for r8 in range(D_MODEL // 8):
            store_cp(SEQ - NBUF + b, b, r8).wait()


@jax.jit
def kernel(x, weight):
    xt = (x.astype(jnp.int32) * 2).T
    table = jnp.pad(weight, ((0, 0), (0, 64))).reshape(2000000, 64)
    mesh = plsc.VectorSubcoreMesh(core_axis_name="c", subcore_axis_name="s")
    out5 = pl.kernel(
        _embed_body,
        out_type=jax.ShapeDtypeStruct(
            (SEQ, D_MODEL // 8, NUM_WORKERS, 8, 128), jnp.float32),
        mesh=mesh,
        scratch_types=[
            pltpu.VMEM((SEQ, BLK), jnp.int32),
            pltpu.VMEM((BLK, D_MODEL), jnp.float32),
            pltpu.VMEM((BLK, D_MODEL), jnp.float32),
            pltpu.VMEM((D_MODEL, TRW), jnp.float32),
            pltpu.VMEM((D_MODEL, TRW), jnp.float32),
            pltpu.SemaphoreType.DMA((NBUF,)),
            pltpu.SemaphoreType.DMA((NBUF,)),
        ],
        compiler_params=pltpu.CompilerParams(
            use_tc_tiling_on_sc=False, needs_layout_passes=False),
    )(xt, table)
    return out5.transpose(2, 4, 0, 1, 3).reshape(N_BATCH, SEQ, D_MODEL)

# --- scband reference (transcript-rebuilt; emitter-appended) ---
"""Pipeline reference for scband-embedding-4097398800492 (READ-ONLY COPY).

The authoritative reference and input builder live on the scoring server;
editing this copy changes nothing except your own understanding.
"""

import jax, jax.numpy as jnp
import numpy as np

VOCAB_SIZE = 1000000
D_MODEL = 64

def setup_inputs(seed: int = 0) -> dict:
    key = jax.random.key(seed)
    k_idx, k_w = jax.random.split(key)
    x = jax.random.randint(k_idx, (4096, 200), 0, VOCAB_SIZE, dtype=jnp.int64 if jax.config.jax_enable_x64 else jnp.int32)
    # trunc_normal_(mean=0, std=1, a=-3, b=3)
    weight = jax.random.truncated_normal(k_w, -3.0, 3.0, (VOCAB_SIZE, D_MODEL), dtype=jnp.float32)
    return {"x": x, "weight": weight}

def reference(x, weight):
    # Embedding lookup: gather rows of the table by token id.
    return jnp.take(weight, x, axis=0)

if __name__ == "__main__":
    import jax
    _d = setup_inputs()
    print(jax.jit(kernel)(*tuple(_d.values())))

</pallas_src>

<mosaic_0001>
#map = affine_map<(d0, d1) -> (0, 0)>
#map1 = affine_map<(d0, d1) -> (0, 0, 0, 0, 0)>
module attributes {stable_mosaic.version = 14 : i64} {
  func.func @_embed_body(%arg0: i32, %arg1: i32, %arg2: memref<200x4096xi32, #tpu.memory_space<hbm>>, %arg3: memref<2000000x64xf32, #tpu.memory_space<hbm>>, %arg4: memref<200x8x32x8x128xf32, #tpu.memory_space<hbm>>, %arg5: memref<200x128xi32, #tpu.memory_space<vmem>>, %arg6: memref<128x64xf32, #tpu.memory_space<vmem>>, %arg7: memref<128x64xf32, #tpu.memory_space<vmem>>, %arg8: memref<64x129xf32, #tpu.memory_space<vmem>>, %arg9: memref<64x129xf32, #tpu.memory_space<vmem>>, %arg10: memref<2x!tpu.dma_semaphore, #tpu.memory_space<semaphore_mem>>, %arg11: memref<2x!tpu.dma_semaphore, #tpu.memory_space<semaphore_mem>>) attributes {dimension_semantics = [#tpu.dimension_semantics<core_parallel>, #tpu.dimension_semantics<subcore_parallel>], iteration_bounds = array<i64: 2, 16>, scalar_prefetch = 0 : i64, scratch_operands = 7 : i64, tpu.core_type = #tpu.core_type<sc_vector_subcore>, window_params = [{transform_indices = #map}, {transform_indices = #map}, {transform_indices = #map1}]} {
    %mul3A = arith.constant 2 : i32
    %mul3A_0 = arith.muli %arg1, %mul3A : i32
    %add3A = arith.addi %mul3A_0, %arg0 : i32
    %mul3A_1 = arith.constant 128 : i32
    %mul3A_2 = arith.muli %add3A, %mul3A_1 : i32
    %iota3A = tpu.iota {dimensions = array<i32: 0>} : vector<16xi32>
    %add3A_3 = arith.constant 0 : i32
    %add3A_4 = vector.broadcast %add3A_3 : i32 to vector<16xi32>
    %add3A_5 = arith.addi %iota3A, %add3A_4 : vector<16xi32>
    %add3A_6 = arith.constant 16 : i32
    %add3A_7 = vector.broadcast %add3A_6 : i32 to vector<16xi32>
    %add3A_8 = arith.addi %iota3A, %add3A_7 : vector<16xi32>
    %add3A_9 = arith.constant 32 : i32
    %add3A_10 = vector.broadcast %add3A_9 : i32 to vector<16xi32>
    %add3A_11 = arith.addi %iota3A, %add3A_10 : vector<16xi32>
    %add3A_12 = arith.constant 48 : i32
    %add3A_13 = vector.broadcast %add3A_12 : i32 to vector<16xi32>
    %add3A_14 = arith.addi %iota3A, %add3A_13 : vector<16xi32>
    "tpu.region"() ({
      %run_scoped3A = tpu.sem_alloc : memref<!tpu.dma_semaphore, #tpu.memory_space<semaphore_mem>>
      %dma_start3A_342 = arith.constant 0 : i32
      %dma_start3A_343 = tpu.memref_slice %arg2[%dma_start3A_342, %mul3A_2] : memref<200x4096xi32, #tpu.memory_space<hbm>> -> memref<200x128xi32, #tpu.memory_space<hbm>>
      %dma_start3A_344 = arith.constant 0 : i32
      %dma_start3A_345 = tpu.memref_slice %arg2[%dma_start3A_344, %mul3A_2] : memref<200x4096xi32, #tpu.memory_space<hbm>> -> memref<200x128xi32, #tpu.memory_space<hbm>>
      tpu.enqueue_dma source(%dma_start3A_345 : memref<200x128xi32, #tpu.memory_space<hbm>>) target(%arg5 : memref<200x128xi32, #tpu.memory_space<vmem>>) target_semaphore(%run_scoped3A : memref<!tpu.dma_semaphore, #tpu.memory_space<semaphore_mem>>)
      %dma_wait3A_346 = arith.constant 0 : i32
      %dma_wait3A_347 = tpu.memref_slice %arg2[%dma_wait3A_346, %mul3A_2] : memref<200x4096xi32, #tpu.memory_space<hbm>> -> memref<200x128xi32, #tpu.memory_space<hbm>>
      %dma_wait3A_348 = arith.constant 0 : i32
      %dma_wait3A_349 = tpu.memref_slice %arg2[%dma_wait3A_348, %mul3A_2] : memref<200x4096xi32, #tpu.memory_space<hbm>> -> memref<200x128xi32, #tpu.memory_space<hbm>>
      tpu.wait_dma2 semaphore(%run_scoped3A : memref<!tpu.dma_semaphore, #tpu.memory_space<semaphore_mem>>) src(%dma_wait3A_349 : memref<200x128xi32, #tpu.memory_space<hbm>>) dst(%arg5 : memref<200x128xi32, #tpu.memory_space<vmem>>)
      tpu.yield
    }) : () -> ()
    %dma_start3A = arith.constant 0 : i32
    %dma_start3A_15 = arith.constant 0 : i32
    %dma_start3A_16 = arith.constant 0 : i32
    %dma_start3A_17 = tpu.memref_slice %arg5[%dma_start3A, %dma_start3A_16] : memref<200x128xi32, #tpu.memory_space<vmem>> -> memref<1x128xi32, #tpu.memory_space<vmem>>
    %dma_start3A_18 = tpu.memref_squeeze %dma_start3A_17 : memref<1x128xi32, #tpu.memory_space<vmem>> -> memref<128xi32, #tpu.memory_space<vmem>>
    %dma_start3A_19 = arith.constant 0 : i32
    %dma_start3A_20 = arith.constant 0 : i32
    %dma_start3A_21 = tpu.memref_slice %arg3[%dma_start3A_19, %dma_start3A_20] : memref<2000000x64xf32, #tpu.memory_space<hbm>> -> memref<2000000x64xf32, #tpu.memory_space<hbm>>
    %dma_start3A_22 = tpu.memref_slice %arg10[%dma_start3A_15] : memref<2x!tpu.dma_semaphore, #tpu.memory_space<semaphore_mem>> -> memref<1x!tpu.dma_semaphore, #tpu.memory_space<semaphore_mem>>
    %dma_start3A_23 = tpu.memref_squeeze %dma_start3A_22 : memref<1x!tpu.dma_semaphore, #tpu.memory_space<semaphore_mem>> -> memref<!tpu.dma_semaphore, #tpu.memory_space<semaphore_mem>>
    tpu.enqueue_indirect_dma source(%dma_start3A_21 : memref<2000000x64xf32, #tpu.memory_space<hbm>>) target(%arg6 : memref<128x64xf32, #tpu.memory_space<vmem>>) offsets(%dma_start3A_18 : memref<128xi32, #tpu.memory_space<vmem>>) semaphore(%dma_start3A_23 : memref<!tpu.dma_semaphore, #tpu.memory_space<semaphore_mem>>)
    %dma_start3A_24 = arith.constant 1 : i32
    %dma_start3A_25 = arith.constant 1 : i32
    %dma_start3A_26 = arith.constant 0 : i32
    %dma_start3A_27 = tpu.memref_slice %arg5[%dma_start3A_24, %dma_start3A_26] : memref<200x128xi32, #tpu.memory_space<vmem>> -> memref<1x128xi32, #tpu.memory_space<vmem>>
    %dma_start3A_28 = tpu.memref_squeeze %dma_start3A_27 : memref<1x128xi32, #tpu.memory_space<vmem>> -> memref<128xi32, #tpu.memory_space<vmem>>
    %dma_start3A_29 = arith.constant 0 : i32
    %dma_start3A_30 = arith.constant 0 : i32
    %dma_start3A_31 = tpu.memref_slice %arg3[%dma_start3A_29, %dma_start3A_30] : memref<2000000x64xf32, #tpu.memory_space<hbm>> -> memref<2000000x64xf32, #tpu.memory_space<hbm>>
    %dma_start3A_32 = tpu.memref_slice %arg10[%dma_start3A_25] : memref<2x!tpu.dma_semaphore, #tpu.memory_space<semaphore_mem>> -> memref<1x!tpu.dma_semaphore, #tpu.memory_space<semaphore_mem>>
    %dma_start3A_33 = tpu.memref_squeeze %dma_start3A_32 : memref<1x!tpu.dma_semaphore, #tpu.memory_space<semaphore_mem>> -> memref<!tpu.dma_semaphore, #tpu.memory_space<semaphore_mem>>
    tpu.enqueue_indirect_dma source(%dma_start3A_31 : memref<2000000x64xf32, #tpu.memory_space<hbm>>) target(%arg7 : memref<128x64xf32, #tpu.memory_space<vmem>>) offsets(%dma_start3A_28 : memref<128xi32, #tpu.memory_space<vmem>>) semaphore(%dma_start3A_33 : memref<!tpu.dma_semaphore, #tpu.memory_space<semaphore_mem>>)
    %scan3A = arith.constant 0 : i32
    %scan3A_34 = arith.constant 0 : i32
    %scan3A_35 = arith.constant 100 : i32
    %scan3A_36 = arith.addi %scan3A_34, %scan3A_35 : i32
    %scan3A_37 = arith.constant 1 : i32
    scf.for %scan3A_342 = %scan3A_34 to %scan3A_36 step %scan3A_37  : i32 {
      %mul3A_343 = arith.constant 2 : i32
      %mul3A_344 = arith.muli %scan3A_342, %mul3A_343 : i32
      %add3A_345 = arith.constant 0 : i32
      %add3A_346 = arith.addi %mul3A_344, %add3A_345 : i32
      %dma_wait3A_347 = arith.constant 0 : i32
      %dma_wait3A_348 = arith.constant 0 : i32
      %dma_wait3A_349 = tpu.memref_slice %arg5[%add3A_346, %dma_wait3A_348] : memref<200x128xi32, #tpu.memory_space<vmem>> -> memref<1x128xi32, #tpu.memory_space<vmem>>
      %dma_wait3A_350 = tpu.memref_squeeze %dma_wait3A_349 : memref<1x128xi32, #tpu.memory_space<vmem>> -> memref<128xi32, #tpu.memory_space<vmem>>
      %dma_wait3A_351 = arith.constant 0 : i32
      %dma_wait3A_352 = arith.constant 0 : i32
      %dma_wait3A_353 = tpu.memref_slice %arg3[%dma_wait3A_351, %dma_wait3A_352] : memref<2000000x64xf32, #tpu.memory_space<hbm>> -> memref<2000000x64xf32, #tpu.memory_space<hbm>>
      %dma_wait3A_354 = tpu.memref_slice %arg10[%dma_wait3A_347] : memref<2x!tpu.dma_semaphore, #tpu.memory_space<semaphore_mem>> -> memref<1x!tpu.dma_semaphore, #tpu.memory_space<semaphore_mem>>
      %dma_wait3A_355 = tpu.memref_squeeze %dma_wait3A_354 : memref<1x!tpu.dma_semaphore, #tpu.memory_space<semaphore_mem>> -> memref<!tpu.dma_semaphore, #tpu.memory_space<semaphore_mem>>
      tpu.wait_indirect_dma semaphore(%dma_wait3A_355 : memref<!tpu.dma_semaphore, #tpu.memory_space<semaphore_mem>>) src(%dma_wait3A_353 : memref<2000000x64xf32, #tpu.memory_space<hbm>>) dst(%arg6 : memref<128x64xf32, #tpu.memory_space<vmem>>)
      %ge3A = arith.constant 2 : i32
      %ge3A_356 = arith.cmpi sge, %add3A_346, %ge3A : i32
      %convert_element_type3A = arith.extui %ge3A_356 : i1 to i32
      %cond3A = arith.constant 0 : i32
      %cond3A_357 = arith.cmpi ne, %convert_element_type3A, %cond3A : i32
      scf.if %cond3A_357 {
        %dma_wait3A_689 = arith.constant 0 : i32
        %dma_wait3A_690 = arith.constant 0 : i32
        %dma_wait3A_691 = arith.constant 0 : i32
        %dma_wait3A_692 = arith.constant 0 : i32
        %dma_wait3A_693 = tpu.memref_slice %arg8[%dma_wait3A_691, %dma_wait3A_692] : memref<64x129xf32, #tpu.memory_space<vmem>> -> memref<8x128xf32, #tpu.memory_space<vmem>>
        %dma_wait3A_694 = arith.constant 0 : i32
        %dma_wait3A_695 = arith.constant 0 : i32
        %dma_wait3A_696 = tpu.memref_slice %arg4[%add3A_346, %dma_wait3A_689, %add3A, %dma_wait3A_694, %dma_wait3A_695] : memref<200x8x32x8x128xf32, #tpu.memory_space<hbm>> -> memref<1x1x1x8x128xf32, #tpu.memory_space<hbm>>
        %dma_wait3A_697 = tpu.memref_squeeze %dma_wait3A_696 : memref<1x1x1x8x128xf32, #tpu.memory_space<hbm>> -> memref<8x128xf32, #tpu.memory_space<hbm>>
        %dma_wait3A_698 = tpu.memref_slice %arg11[%dma_wait3A_690] : memref<2x!tpu.dma_semaphore, #tpu.memory_space<semaphore_mem>> -> memref<1x!tpu.dma_semaphore, #tpu.memory_space<semaphore_mem>>
        %dma_wait3A_699 = tpu.memref_squeeze %dma_wait3A_698 : memref<1x!tpu.dma_semaphore, #tpu.memory_space<semaphore_mem>> -> memref<!tpu.dma_semaphore, #tpu.memory_space<semaphore_mem>>
        %dma_wait3A_700 = arith.constant 0 : i32
        %dma_wait3A_701 = arith.constant 0 : i32
        %dma_wait3A_702 = tpu.memref_slice %arg4[%add3A_346, %dma_wait3A_689, %add3A, %dma_wait3A_700, %dma_wait3A_701] : memref<200x8x32x8x128xf32, #tpu.memory_space<hbm>> -> memref<1x1x1x8x128xf32, #tpu.memory_space<hbm>>
        %dma_wait3A_703 = tpu.memref_squeeze %dma_wait3A_702 : memref<1x1x1x8x128xf32, #tpu.memory_space<hbm>> -> memref<8x128xf32, #tpu.memory_space<hbm>>
        %dma_wait3A_704 = arith.constant 0 : i32
        %dma_wait3A_705 = arith.constant 0 : i32
        %dma_wait3A_706 = tpu.memref_slice %arg8[%dma_wait3A_704, %dma_wait3A_705] : memref<64x129xf32, #tpu.memory_space<vmem>> -> memref<8x128xf32, #tpu.memory_space<vmem>>
        tpu.wait_dma2 semaphore(%dma_wait3A_699 : memref<!tpu.dma_semaphore, #tpu.memory_space<semaphore_mem>>) src(%dma_wait3A_706 : memref<8x128xf32, #tpu.memory_space<vmem>>) dst(%dma_wait3A_703 : memref<8x128xf32, #tpu.memory_space<hbm>>)
        %dma_wait3A_707 = arith.constant 1 : i32
        %dma_wait3A_708 = arith.constant 0 : i32
        %dma_wait3A_709 = arith.constant 8 : i32
        %dma_wait3A_710 = arith.constant 0 : i32
        %dma_wait3A_711 = tpu.memref_slice %arg8[%dma_wait3A_709, %dma_wait3A_710] : memref<64x129xf32, #tpu.memory_space<vmem>> -> memref<8x128xf32, #tpu.memory_space<vmem>>
        %dma_wait3A_712 = arith.constant 0 : i32
        %dma_wait3A_713 = arith.constant 0 : i32
        %dma_wait3A_714 = tpu.memref_slice %arg4[%add3A_346, %dma_wait3A_707, %add3A, %dma_wait3A_712, %dma_wait3A_713] : memref<200x8x32x8x128xf32, #tpu.memory_space<hbm>> -> memref<1x1x1x8x128xf32, #tpu.memory_space<hbm>>
        %dma_wait3A_715 = tpu.memref_squeeze %dma_wait3A_714 : memref<1x1x1x8x128xf32, #tpu.memory_space<hbm>> -> memref<8x128xf32, #tpu.memory_space<hbm>>
        %dma_wait3A_716 = tpu.memref_slice %arg11[%dma_wait3A_708] : memref<2x!tpu.dma_semaphore, #tpu.memory_space<semaphore_mem>> -> memref<1x!tpu.dma_semaphore, #tpu.memory_space<semaphore_mem>>
        %dma_wait3A_717 = tpu.memref_squeeze %dma_wait3A_716 : memref<1x!tpu.dma_semaphore, #tpu.memory_space<semaphore_mem>> -> memref<!tpu.dma_semaphore, #tpu.memory_space<semaphore_mem>>
        %dma_wait3A_718 = arith.constant 0 : i32
        %dma_wait3A_719 = arith.constant 0 : i32
        %dma_wait3A_720 = tpu.memref_slice %arg4[%add3A_346, %dma_wait3A_707, %add3A, %dma_wait3A_718, %dma_wait3A_719] : memref<200x8x32x8x128xf32, #tpu.memory_space<hbm>> -> memref<1x1x1x8x128xf32, #tpu.memory_space<hbm>>
        %dma_wait3A_721 = tpu.memref_squeeze %dma_wait3A_720 : memref<1x1x1x8x128xf32, #tpu.memory_space<hbm>> -> memref<8x128xf32, #tpu.memory_space<hbm>>
        %dma_wait3A_722 = arith.constant 8 : i32
        %dma_wait3A_723 = arith.constant 0 : i32
        %dma_wait3A_724 = tpu.memref_slice %arg8[%dma_wait3A_722, %dma_wait3A_723] : memref<64x129xf32, #tpu.memory_space<vmem>> -> memref<8x128xf32, #tpu.memory_space<vmem>>
        tpu.wait_dma2 semaphore(%dma_wait3A_717 : memref<!tpu.dma_semaphore, #tpu.memory_space<semaphore_mem>>) src(%dma_wait3A_724 : memref<8x128xf32, #tpu.memory_space<vmem>>) dst(%dma_wait3A_721 : memref<8x128xf32, #tpu.memory_space<hbm>>)
        %dma_wait3A_725 = arith.constant 2 : i32
        %dma_wait3A_726 = arith.constant 0 : i32
        %dma_wait3A_727 = arith.constant 16 : i32
        %dma_wait3A_728 = arith.constant 0 : i32
        %dma_wait3A_729 = tpu.memref_slice %arg8[%dma_wait3A_727, %dma_wait3A_728] : memref<64x129xf32, #tpu.memory_space<vmem>> -> memref<8x128xf32, #tpu.memory_space<vmem>>
        %dma_wait3A_730 = arith.constant 0 : i32
        %dma_wait3A_731 = arith.constant 0 : i32
        %dma_wait3A_732 = tpu.memref_slice %arg4[%add3A_346, %dma_wait3A_725, %add3A, %dma_wait3A_730, %dma_wait3A_731] : memref<200x8x32x8x128xf32, #tpu.memory_space<hbm>> -> memref<1x1x1x8x128xf32, #tpu.memory_space<hbm>>
        %dma_wait3A_733 = tpu.memref_squeeze %dma_wait3A_732 : memref<1x1x1x8x128xf32, #tpu.memory_space<hbm>> -> memref<8x128xf32, #tpu.memory_space<hbm>>
        %dma_wait3A_734 = tpu.memref_slice %arg11[%dma_wait3A_726] : memref<2x!tpu.dma_semaphore, #tpu.memory_space<semaphore_mem>> -> memref<1x!tpu.dma_semaphore, #tpu.memory_space<semaphore_mem>>
        %dma_wait3A_735 = tpu.memref_squeeze %dma_wait3A_734 : memref<1x!tpu.dma_semaphore, #tpu.memory_space<semaphore_mem>> -> memref<!tpu.dma_semaphore, #tpu.memory_space<semaphore_mem>>
        %dma_wait3A_736 = arith.constant 0 : i32
        %dma_wait3A_737 = arith.constant 0 : i32
        %dma_wait3A_738 = tpu.memref_slice %arg4[%add3A_346, %dma_wait3A_725, %add3A, %dma_wait3A_736, %dma_wait3A_737] : memref<200x8x32x8x128xf32, #tpu.memory_space<hbm>> -> memref<1x1x1x8x128xf32, #tpu.memory_space<hbm>>
        %dma_wait3A_739 = tpu.memref_squeeze %dma_wait3A_738 : memref<1x1x1x8x128xf32, #tpu.memory_space<hbm>> -> memref<8x128xf32, #tpu.memory_space<hbm>>
        %dma_wait3A_740 = arith.constant 16 : i32
        %dma_wait3A_741 = arith.constant 0 : i32
        %dma_wait3A_742 = tpu.memref_slice %arg8[%dma_wait3A_740, %dma_wait3A_741] : memref<64x129xf32, #tpu.memory_space<vmem>> -> memref<8x128xf32, #tpu.memory_space<vmem>>
        tpu.wait_dma2 semaphore(%dma_wait3A_735 : memref<!tpu.dma_semaphore, #tpu.memory_space<semaphore_mem>>) src(%dma_wait3A_742 : memref<8x128xf32, #tpu.memory_space<vmem>>) dst(%dma_wait3A_739 : memref<8x128xf32, #tpu.memory_space<hbm>>)
        %dma_wait3A_743 = arith.constant 3 : i32
        %dma_wait3A_744 = arith.constant 0 : i32
        %dma_wait3A_745 = arith.constant 24 : i32
        %dma_wait3A_746 = arith.constant 0 : i32
        %dma_wait3A_747 = tpu.memref_slice %arg8[%dma_wait3A_745, %dma_wait3A_746] : memref<64x129xf32, #tpu.memory_space<vmem>> -> memref<8x128xf32, #tpu.memory_space<vmem>>
        %dma_wait3A_748 = arith.constant 0 : i32
        %dma_wait3A_749 = arith.constant 0 : i32
        %dma_wait3A_750 = tpu.memref_slice %arg4[%add3A_346, %dma_wait3A_743, %add3A, %dma_wait3A_748, %dma_wait3A_749] : memref<200x8x32x8x128xf32, #tpu.memory_space<hbm>> -> memref<1x1x1x8x128xf32, #tpu.memory_space<hbm>>
        %dma_wait3A_751 = tpu.memref_squeeze %dma_wait3A_750 : memref<1x1x1x8x128xf32, #tpu.memory_space<hbm>> -> memref<8x128xf32, #tpu.memory_space<hbm>>
        %dma_wait3A_752 = tpu.memref_slice %arg11[%dma_wait3A_744] : memref<2x!tpu.dma_semaphore, #tpu.memory_space<semaphore_mem>> -> memref<1x!tpu.dma_semaphore, #tpu.memory_space<semaphore_mem>>
        %dma_wait3A_753 = tpu.memref_squeeze %dma_wait3A_752 : memref<1x!tpu.dma_semaphore, #tpu.memory_space<semaphore_mem>> -> memref<!tpu.dma_semaphore, #tpu.memory_space<semaphore_mem>>
        %dma_wait3A_754 = arith.constant 0 : i32
        %dma_wait3A_755 = arith.constant 0 : i32
        %dma_wait3A_756 = tpu.memref_slice %arg4[%add3A_346, %dma_wait3A_743, %add3A, %dma_wait3A_754, %dma_wait3A_755] : memref<200x8x32x8x128xf32, #tpu.memory_space<hbm>> -> memref<1x1x1x8x128xf32, #tpu.memory_space<hbm>>
        %dma_wait3A_757 = tpu.memref_squeeze %dma_wait3A_756 : memref<1x1x1x8x128xf32, #tpu.memory_space<hbm>> -> memref<8x128xf32, #tpu.memory_space<hbm>>
        %dma_wait3A_758 = arith.constant 24 : i32
        %dma_wait3A_759 = arith.constant 0 : i32
        %dma_wait3A_760 = tpu.memref_slice %arg8[%dma_wait3A_758, %dma_wait3A_759] : memref<64x129xf32, #tpu.memory_space<vmem>> -> memref<8x128xf32, #tpu.memory_space<vmem>>
        tpu.wait_dma2 semaphore(%dma_wait3A_753 : memref<!tpu.dma_semaphore, #tpu.memory_space<semaphore_mem>>) src(%dma_wait3A_760 : memref<8x128xf32, #tpu.memory_space<vmem>>) dst(%dma_wait3A_757 : memref<8x128xf32, #tpu.memory_space<hbm>>)
        %dma_wait3A_761 = arith.constant 4 : i32
        %dma_wait3A_762 = arith.constant 0 : i32
        %dma_wait3A_763 = arith.constant 32 : i32
        %dma_wait3A_764 = arith.constant 0 : i32
        %dma_wait3A_765 = tpu.memref_slice %arg8[%dma_wait3A_763, %dma_wait3A_764] : memref<64x129xf32, #tpu.memory_space<vmem>> -> memref<8x128xf32, #tpu.memory_space<vmem>>
        %dma_wait3A_766 = arith.constant 0 : i32
        %dma_wait3A_767 = arith.constant 0 : i32
        %dma_wait3A_768 = tpu.memref_slice %arg4[%add3A_346, %dma_wait3A_761, %add3A, %dma_wait3A_766, %dma_wait3A_767] : memref<200x8x32x8x128xf32, #tpu.memory_space<hbm>> -> memref<1x1x1x8x128xf32, #tpu.memory_space<hbm>>
        %dma_wait3A_769 = tpu.memref_squeeze %dma_wait3A_768 : memref<1x1x1x8x128xf32, #tpu.memory_space<hbm>> -> memref<8x128xf32, #tpu.memory_space<hbm>>
        %dma_wait3A_770 = tpu.memref_slice %arg11[%dma_wait3A_762] : memref<2x!tpu.dma_semaphore, #tpu.memory_space<semaphore_mem>> -> memref<1x!tpu.dma_semaphore, #tpu.memory_space<semaphore_mem>>
        %dma_wait3A_771 = tpu.memref_squeeze %dma_wait3A_770 : memref<1x!tpu.dma_semaphore, #tpu.memory_space<semaphore_mem>> -> memref<!tpu.dma_semaphore, #tpu.memory_space<semaphore_mem>>
        %dma_wait3A_772 = arith.constant 0 : i32
        %dma_wait3A_773 = arith.constant 0 : i32
        %dma_wait3A_774 = tpu.memref_slice %arg4[%add3A_346, %dma_wait3A_761, %add3A, %dma_wait3A_772, %dma_wait3A_773] : memref<200x8x32x8x128xf32, #tpu.memory_space<hbm>> -> memref<1x1x1x8x128xf32, #tpu.memory_space<hbm>>
        %dma_wait3A_775 = tpu.memref_squeeze %dma_wait3A_774 : memref<1x1x1x8x128xf32, #tpu.memory_space<hbm>> -> memref<8x128xf32, #tpu.memory_space<hbm>>
        %dma_wait3A_776 = arith.constant 32 : i32
        %dma_wait3A_777 = arith.constant 0 : i32
        %dma_wait3A_778 = tpu.memref_slice %arg8[%dma_wait3A_776, %dma_wait3A_777] : memref<64x129xf32, #tpu.memory_space<vmem>> -> memref<8x128xf32, #tpu.memory_space<vmem>>
        tpu.wait_dma2 semaphore(%dma_wait3A_771 : memref<!tpu.dma_semaphore, #tpu.memory_space<semaphore_mem>>) src(%dma_wait3A_778 : memref<8x128xf32, #tpu.memory_space<vmem>>) dst(%dma_wait3A_775 : memref<8x128xf32, #tpu.memory_space<hbm>>)
        %dma_wait3A_779 = arith.constant 5 : i32
        %dma_wait3A_780 = arith.constant 0 : i32
        %dma_wait3A_781 = arith.constant 40 : i32
        %dma_wait3A_782 = arith.constant 0 : i32
        %dma_wait3A_783 = tpu.memref_slice %arg8[%dma_wait3A_781, %dma_wait3A_782] : memref<64x129xf32, #tpu.memory_space<vmem>> -> memref<8x128xf32, #tpu.memory_space<vmem>>
        %dma_wait3A_784 = arith.constant 0 : i32
        %dma_wait3A_785 = arith.constant 0 : i32
        %dma_wait3A_786 = tpu.memref_slice %arg4[%add3A_346, %dma_wait3A_779, %add3A, %dma_wait3A_784, %dma_wait3A_785] : memref<200x8x32x8x128xf32, #tpu.memory_space<hbm>> -> memref<1x1x1x8x128xf32, #tpu.memory_space<hbm>>
        %dma_wait3A_787 = tpu.memref_squeeze %dma_wait3A_786 : memref<1x1x1x8x128xf32, #tpu.memory_space<hbm>> -> memref<8x128xf32, #tpu.memory_space<hbm>>
        %dma_wait3A_788 = tpu.memref_slice %arg11[%dma_wait3A_780] : memref<2x!tpu.dma_semaphore, #tpu.memory_space<semaphore_mem>> -> memref<1x!tpu.dma_semaphore, #tpu.memory_space<semaphore_mem>>
        %dma_wait3A_789 = tpu.memref_squeeze %dma_wait3A_788 : memref<1x!tpu.dma_semaphore, #tpu.memory_space<semaphore_mem>> -> memref<!tpu.dma_semaphore, #tpu.memory_space<semaphore_mem>>
        %dma_wait3A_790 = arith.constant 0 : i32
        %dma_wait3A_791 = arith.constant 0 : i32
        %dma_wait3A_792 = tpu.memref_slice %arg4[%add3A_346, %dma_wait3A_779, %add3A, %dma_wait3A_790, %dma_wait3A_791] : memref<200x8x32x8x128xf32, #tpu.memory_space<hbm>> -> memref<1x1x1x8x128xf32, #tpu.memory_space<hbm>>
        %dma_wait3A_793 = tpu.memref_squeeze %dma_wait3A_792 : memref<1x1x1x8x128xf32, #tpu.memory_space<hbm>> -> memref<8x128xf32, #tpu.memory_space<hbm>>
        %dma_wait3A_794 = arith.constant 40 : i32
        %dma_wait3A_795 = arith.constant 0 : i32
        %dma_wait3A_796 = tpu.memref_slice %arg8[%dma_wait3A_794, %dma_wait3A_795] : memref<64x129xf32, #tpu.memory_space<vmem>> -> memref<8x128xf32, #tpu.memory_space<vmem>>
        tpu.wait_dma2 semaphore(%dma_wait3A_789 : memref<!tpu.dma_semaphore, #tpu.memory_space<semaphore_mem>>) src(%dma_wait3A_796 : memref<8x128xf32, #tpu.memory_space<vmem>>) dst(%dma_wait3A_793 : memref<8x128xf32, #tpu.memory_space<hbm>>)
        %dma_wait3A_797 = arith.constant 6 : i32
        %dma_wait3A_798 = arith.constant 0 : i32
        %dma_wait3A_799 = arith.constant 48 : i32
        %dma_wait3A_800 = arith.constant 0 : i32
        %dma_wait3A_801 = tpu.memref_slice %arg8[%dma_wait3A_799, %dma_wait3A_800] : memref<64x129xf32, #tpu.memory_space<vmem>> -> memref<8x128xf32, #tpu.memory_space<vmem>>
        %dma_wait3A_802 = arith.constant 0 : i32
        %dma_wait3A_803 = arith.constant 0 : i32
        %dma_wait3A_804 = tpu.memref_slice %arg4[%add3A_346, %dma_wait3A_797, %add3A, %dma_wait3A_802, %dma_wait3A_803] : memref<200x8x32x8x128xf32, #tpu.memory_space<hbm>> -> memref<1x1x1x8x128xf32, #tpu.memory_space<hbm>>
        %dma_wait3A_805 = tpu.memref_squeeze %dma_wait3A_804 : memref<1x1x1x8x128xf32, #tpu.memory_space<hbm>> -> memref<8x128xf32, #tpu.memory_space<hbm>>
        %dma_wait3A_806 = tpu.memref_slice %arg11[%dma_wait3A_798] : memref<2x!tpu.dma_semaphore, #tpu.memory_space<semaphore_mem>> -> memref<1x!tpu.dma_semaphore, #tpu.memory_space<semaphore_mem>>
        %dma_wait3A_807 = tpu.memref_squeeze %dma_wait3A_806 : memref<1x!tpu.dma_semaphore, #tpu.memory_space<semaphore_mem>> -> memref<!tpu.dma_semaphore, #tpu.memory_space<semaphore_mem>>
        %dma_wait3A_808 = arith.constant 0 : i32
        %dma_wait3A_809 = arith.constant 0 : i32
        %dma_wait3A_810 = tpu.memref_slice %arg4[%add3A_346, %dma_wait3A_797, %add3A, %dma_wait3A_808, %dma_wait3A_809] : memref<200x8x32x8x128xf32, #tpu.memory_space<hbm>> -> memref<1x1x1x8x128xf32, #tpu.memory_space<hbm>>
        %dma_wait3A_811 = tpu.memref_squeeze %dma_wait3A_810 : memref<1x1x1x8x128xf32, #tpu.memory_space<hbm>> -> memref<8x128xf32, #tpu.memory_space<hbm>>
        %dma_wait3A_812 = arith.constant 48 : i32
        %dma_wait3A_813 = arith.constant 0 : i32
        %dma_wait3A_814 = tpu.memref_slice %arg8[%dma_wait3A_812, %dma_wait3A_813] : memref<64x129xf32, #tpu.memory_space<vmem>> -> memref<8x128xf32, #tpu.memory_space<vmem>>
        tpu.wait_dma2 semaphore(%dma_wait3A_807 : memref<!tpu.dma_semaphore, #tpu.memory_space<semaphore_mem>>) src(%dma_wait3A_814 : memref<8x128xf32, #tpu.memory_space<vmem>>) dst(%dma_wait3A_811 : memref<8x128xf32, #tpu.memory_space<hbm>>)
        %dma_wait3A_815 = arith.constant 7 : i32
        %dma_wait3A_816 = arith.constant 0 : i32
        %dma_wait3A_817 = arith.constant 56 : i32
        %dma_wait3A_818 = arith.constant 0 : i32
        %dma_wait3A_819 = tpu.memref_slice %arg8[%dma_wait3A_817, %dma_wait3A_818] : memref<64x129xf32, #tpu.memory_space<vmem>> -> memref<8x128xf32, #tpu.memory_space<vmem>>
        %dma_wait3A_820 = arith.constant 0 : i32
        %dma_wait3A_821 = arith.constant 0 : i32
        %dma_wait3A_822 = tpu.memref_slice %arg4[%add3A_346, %dma_wait3A_815, %add3A, %dma_wait3A_820, %dma_wait3A_821] : memref<200x8x32x8x128xf32, #tpu.memory_space<hbm>> -> memref<1x1x1x8x128xf32, #tpu.memory_space<hbm>>
        %dma_wait3A_823 = tpu.memref_squeeze %dma_wait3A_822 : memref<1x1x1x8x128xf32, #tpu.memory_space<hbm>> -> memref<8x128xf32, #tpu.memory_space<hbm>>
        %dma_wait3A_824 = tpu.memref_slice %arg11[%dma_wait3A_816] : memref<2x!tpu.dma_semaphore, #tpu.memory_space<semaphore_mem>> -> memref<1x!tpu.dma_semaphore, #tpu.memory_space<semaphore_mem>>
        %dma_wait3A_825 = tpu.memref_squeeze %dma_wait3A_824 : memref<1x!tpu.dma_semaphore, #tpu.memory_space<semaphore_mem>> -> memref<!tpu.dma_semaphore, #tpu.memory_space<semaphore_mem>>
        %dma_wait3A_826 = arith.constant 0 : i32
        %dma_wait3A_827 = arith.constant 0 : i32
        %dma_wait3A_828 = tpu.memref_slice %arg4[%add3A_346, %dma_wait3A_815, %add3A, %dma_wait3A_826, %dma_wait3A_827] : memref<200x8x32x8x128xf32, #tpu.memory_space<hbm>> -> memref<1x1x1x8x128xf32, #tpu.memory_space<hbm>>
        %dma_wait3A_829 = tpu.memref_squeeze %dma_wait3A_828 : memref<1x1x1x8x128xf32, #tpu.memory_space<hbm>> -> memref<8x128xf32, #tpu.memory_space<hbm>>
        %dma_wait3A_830 = arith.constant 56 : i32
        %dma_wait3A_831 = arith.constant 0 : i32
        %dma_wait3A_832 = tpu.memref_slice %arg8[%dma_wait3A_830, %dma_wait3A_831] : memref<64x129xf32, #tpu.memory_space<vmem>> -> memref<8x128xf32, #tpu.memory_space<vmem>>
        tpu.wait_dma2 semaphore(%dma_wait3A_825 : memref<!tpu.dma_semaphore, #tpu.memory_space<semaphore_mem>>) src(%dma_wait3A_832 : memref<8x128xf32, #tpu.memory_space<vmem>>) dst(%dma_wait3A_829 : memref<8x128xf32, #tpu.memory_space<hbm>>)
      } else {
      }
      %scan3A_358 = arith.constant 0 : i32
      %scan3A_359 = arith.constant 0 : i32
      %scan3A_360 = arith.constant 32 : i32
      %scan3A_361 = arith.addi %scan3A_359, %scan3A_360 : i32
      %scan3A_362 = arith.constant 1 : i32
      scf.for %scan3A_689 = %scan3A_359 to %scan3A_361 step %scan3A_362  : i32 {
        %mul3A_690 = arith.constant 4 : i32
        %mul3A_691 = arith.muli %scan3A_689, %mul3A_690 : i32
        %add3A_692 = arith.constant 0 : i32
        %add3A_693 = arith.addi %mul3A_691, %add3A_692 : i32
        %broadcast_in_dim3A = vector.broadcast %add3A_693 : i32 to vector<16xi32>
        %get3A = arith.index_cast %add3A_693 : i32 to index
        %get3A_694 = arith.constant 0 : index
        %get3A_695 = tpu.vector_load %arg6[%get3A, %get3A_694] {strides = array<i32>} : memref<128x64xf32, #tpu.memory_space<vmem>>, vector<16xf32>,
        %get3A_696 = arith.index_cast %add3A_693 : i32 to index
        %get3A_697 = arith.constant 16 : index
        %get3A_698 = tpu.vector_load %arg6[%get3A_696, %get3A_697] {strides = array<i32>} : memref<128x64xf32, #tpu.memory_space<vmem>>, vector<16xf32>,
        %get3A_699 = arith.index_cast %add3A_693 : i32 to index
        %get3A_700 = arith.constant 32 : index
        %get3A_701 = tpu.vector_load %arg6[%get3A_699, %get3A_700] {strides = array<i32>} : memref<128x64xf32, #tpu.memory_space<vmem>>, vector<16xf32>,
        %get3A_702 = arith.index_cast %add3A_693 : i32 to index
        %get3A_703 = arith.constant 48 : index
        %get3A_704 = tpu.vector_load %arg6[%get3A_702, %get3A_703] {strides = array<i32>} : memref<128x64xf32, #tpu.memory_space<vmem>>, vector<16xf32>,
        %mul3A_705 = arith.constant 4 : i32
        %mul3A_706 = arith.muli %scan3A_689, %mul3A_705 : i32
        %add3A_707 = arith.constant 1 : i32
        %add3A_708 = arith.addi %mul3A_706, %add3A_707 : i32
        %broadcast_in_dim3A_709 = vector.broadcast %add3A_708 : i32 to vector<16xi32>
        %get3A_710 = arith.index_cast %add3A_708 : i32 to index
        %get3A_711 = arith.constant 0 : index
        %get3A_712 = tpu.vector_load %arg6[%get3A_710, %get3A_711] {strides = array<i32>} : memref<128x64xf32, #tpu.memory_space<vmem>>, vector<16xf32>,
        %get3A_713 = arith.index_cast %add3A_708 : i32 to index
        %get3A_714 = arith.constant 16 : index
        %get3A_715 = tpu.vector_load %arg6[%get3A_713, %get3A_714] {strides = array<i32>} : memref<128x64xf32, #tpu.memory_space<vmem>>, vector<16xf32>,
        %get3A_716 = arith.index_cast %add3A_708 : i32 to index
        %get3A_717 = arith.constant 32 : index
        %get3A_718 = tpu.vector_load %arg6[%get3A_716, %get3A_717] {strides = array<i32>} : memref<128x64xf32, #tpu.memory_space<vmem>>, vector<16xf32>,
        %get3A_719 = arith.index_cast %add3A_708 : i32 to index
        %get3A_720 = arith.constant 48 : index
        %get3A_721 = tpu.vector_load %arg6[%get3A_719, %get3A_720] {strides = array<i32>} : memref<128x64xf32, #tpu.memory_space<vmem>>, vector<16xf32>,
        %mul3A_722 = arith.constant 4 : i32
        %mul3A_723 = arith.muli %scan3A_689, %mul3A_722 : i32
        %add3A_724 = arith.constant 2 : i32
        %add3A_725 = arith.addi %mul3A_723, %add3A_724 : i32
        %broadcast_in_dim3A_726 = vector.broadcast %add3A_725 : i32 to vector<16xi32>
        %get3A_727 = arith.index_cast %add3A_725 : i32 to index
        %get3A_728 = arith.constant 0 : index
        %get3A_729 = tpu.vector_load %arg6[%get3A_727, %get3A_728] {strides = array<i32>} : memref<128x64xf32, #tpu.memory_space<vmem>>, vector<16xf32>,
        %get3A_730 = arith.index_cast %add3A_725 : i32 to index
        %get3A_731 = arith.constant 16 : index
        %get3A_732 = tpu.vector_load %arg6[%get3A_730, %get3A_731] {strides = array<i32>} : memref<128x64xf32, #tpu.memory_space<vmem>>, vector<16xf32>,
        %get3A_733 = arith.index_cast %add3A_725 : i32 to index
        %get3A_734 = arith.constant 32 : index
        %get3A_735 = tpu.vector_load %arg6[%get3A_733, %get3A_734] {strides = array<i32>} : memref<128x64xf32, #tpu.memory_space<vmem>>, vector<16xf32>,
        %get3A_736 = arith.index_cast %add3A_725 : i32 to index
        %get3A_737 = arith.constant 48 : index
        %get3A_738 = tpu.vector_load %arg6[%get3A_736, %get3A_737] {strides = array<i32>} : memref<128x64xf32, #tpu.memory_space<vmem>>, vector<16xf32>,
        %mul3A_739 = arith.constant 4 : i32
        %mul3A_740 = arith.muli %scan3A_689, %mul3A_739 : i32
        %add3A_741 = arith.constant 3 : i32
        %add3A_742 = arith.addi %mul3A_740, %add3A_741 : i32
        %broadcast_in_dim3A_743 = vector.broadcast %add3A_742 : i32 to vector<16xi32>
        %get3A_744 = arith.index_cast %add3A_742 : i32 to index
        %get3A_745 = arith.constant 0 : index
        %get3A_746 = tpu.vector_load %arg6[%get3A_744, %get3A_745] {strides = array<i32>} : memref<128x64xf32, #tpu.memory_space<vmem>>, vector<16xf32>,
        %get3A_747 = arith.index_cast %add3A_742 : i32 to index
        %get3A_748 = arith.constant 16 : index
        %get3A_749 = tpu.vector_load %arg6[%get3A_747, %get3A_748] {strides = array<i32>} : memref<128x64xf32, #tpu.memory_space<vmem>>, vector<16xf32>,
        %get3A_750 = arith.index_cast %add3A_742 : i32 to index
        %get3A_751 = arith.constant 32 : index
        %get3A_752 = tpu.vector_load %arg6[%get3A_750, %get3A_751] {strides = array<i32>} : memref<128x64xf32, #tpu.memory_space<vmem>>, vector<16xf32>,
        %get3A_753 = arith.index_cast %add3A_742 : i32 to index
        %get3A_754 = arith.constant 48 : index
        %get3A_755 = tpu.vector_load %arg6[%get3A_753, %get3A_754] {strides = array<i32>} : memref<128x64xf32, #tpu.memory_space<vmem>>, vector<16xf32>,
        tpu.vector_store_idx %arg8[%add3A_5, %broadcast_in_dim3A], %get3A_695 : memref<64x129xf32, #tpu.memory_space<vmem>>[vector<16xi32>, vector<16xi32>], vector<16xf32>,
        tpu.vector_store_idx %arg8[%add3A_8, %broadcast_in_dim3A], %get3A_698 : memref<64x129xf32, #tpu.memory_space<vmem>>[vector<16xi32>, vector<16xi32>], vector<16xf32>,
        tpu.vector_store_idx %arg8[%add3A_11, %broadcast_in_dim3A], %get3A_701 : memref<64x129xf32, #tpu.memory_space<vmem>>[vector<16xi32>, vector<16xi32>], vector<16xf32>,
        tpu.vector_store_idx %arg8[%add3A_14, %broadcast_in_dim3A], %get3A_704 : memref<64x129xf32, #tpu.memory_space<vmem>>[vector<16xi32>, vector<16xi32>], vector<16xf32>,
        tpu.vector_store_idx %arg8[%add3A_5, %broadcast_in_dim3A_709], %get3A_712 : memref<64x129xf32, #tpu.memory_space<vmem>>[vector<16xi32>, vector<16xi32>], vector<16xf32>,
        tpu.vector_store_idx %arg8[%add3A_8, %broadcast_in_dim3A_709], %get3A_715 : memref<64x129xf32, #tpu.memory_space<vmem>>[vector<16xi32>, vector<16xi32>], vector<16xf32>,
        tpu.vector_store_idx %arg8[%add3A_11, %broadcast_in_dim3A_709], %get3A_718 : memref<64x129xf32, #tpu.memory_space<vmem>>[vector<16xi32>, vector<16xi32>], vector<16xf32>,
        tpu.vector_store_idx %arg8[%add3A_14, %broadcast_in_dim3A_709], %get3A_721 : memref<64x129xf32, #tpu.memory_space<vmem>>[vector<16xi32>, vector<16xi32>], vector<16xf32>,
        tpu.vector_store_idx %arg8[%add3A_5, %broadcast_in_dim3A_726], %get3A_729 : memref<64x129xf32, #tpu.memory_space<vmem>>[vector<16xi32>, vector<16xi32>], vector<16xf32>,
        tpu.vector_store_idx %arg8[%add3A_8, %broadcast_in_dim3A_726], %get3A_732 : memref<64x129xf32, #tpu.memory_space<vmem>>[vector<16xi32>, vector<16xi32>], vector<16xf32>,
        tpu.vector_store_idx %arg8[%add3A_11, %broadcast_in_dim3A_726], %get3A_735 : memref<64x129xf32, #tpu.memory_space<vmem>>[vector<16xi32>, vector<16xi32>], vector<16xf32>,
        tpu.vector_store_idx %arg8[%add3A_14, %broadcast_in_dim3A_726], %get3A_738 : memref<64x129xf32, #tpu.memory_space<vmem>>[vector<16xi32>, vector<16xi32>], vector<16xf32>,
        tpu.vector_store_idx %arg8[%add3A_5, %broadcast_in_dim3A_743], %get3A_746 : memref<64x129xf32, #tpu.memory_space<vmem>>[vector<16xi32>, vector<16xi32>], vector<16xf32>,
        tpu.vector_store_idx %arg8[%add3A_8, %broadcast_in_dim3A_743], %get3A_749 : memref<64x129xf32, #tpu.memory_space<vmem>>[vector<16xi32>, vector<16xi32>], vector<16xf32>,
        tpu.vector_store_idx %arg8[%add3A_11, %broadcast_in_dim3A_743], %get3A_752 : memref<64x129xf32, #tpu.memory_space<vmem>>[vector<16xi32>, vector<16xi32>], vector<16xf32>,
        tpu.vector_store_idx %arg8[%add3A_14, %broadcast_in_dim3A_743], %get3A_755 : memref<64x129xf32, #tpu.memory_space<vmem>>[vector<16xi32>, vector<16xi32>], vector<16xf32>,
      }
      %scan3A_363 = arith.constant 32 : i32
      %add3A_364 = arith.constant 2 : i32
      %add3A_365 = arith.addi %add3A_346, %add3A_364 : i32
      %lt3A = arith.constant 200 : i32
      %lt3A_366 = arith.cmpi slt, %add3A_365, %lt3A : i32
      %convert_element_type3A_367 = arith.extui %lt3A_366 : i1 to i32
      %cond3A_368 = arith.constant 0 : i32
      %cond3A_369 = arith.cmpi ne, %convert_element_type3A_367, %cond3A_368 : i32
      scf.if %cond3A_369 {
        %add3A_689 = arith.constant 2 : i32
        %add3A_690 = arith.addi %add3A_346, %add3A_689 : i32
        %dma_start3A_691 = arith.constant 0 : i32
        %dma_start3A_692 = arith.constant 0 : i32
        %dma_start3A_693 = tpu.memref_slice %arg5[%add3A_690, %dma_start3A_692] : memref<200x128xi32, #tpu.memory_space<vmem>> -> memref<1x128xi32, #tpu.memory_space<vmem>>
        %dma_start3A_694 = tpu.memref_squeeze %dma_start3A_693 : memref<1x128xi32, #tpu.memory_space<vmem>> -> memref<128xi32, #tpu.memory_space<vmem>>
        %dma_start3A_695 = arith.constant 0 : i32
        %dma_start3A_696 = arith.constant 0 : i32
        %dma_start3A_697 = tpu.memref_slice %arg3[%dma_start3A_695, %dma_start3A_696] : memref<2000000x64xf32, #tpu.memory_space<hbm>> -> memref<2000000x64xf32, #tpu.memory_space<hbm>>
        %dma_start3A_698 = tpu.memref_slice %arg10[%dma_start3A_691] : memref<2x!tpu.dma_semaphore, #tpu.memory_space<semaphore_mem>> -> memref<1x!tpu.dma_semaphore, #tpu.memory_space<semaphore_mem>>
        %dma_start3A_699 = tpu.memref_squeeze %dma_start3A_698 : memref<1x!tpu.dma_semaphore, #tpu.memory_space<semaphore_mem>> -> memref<!tpu.dma_semaphore, #tpu.memory_space<semaphore_mem>>
        tpu.enqueue_indirect_dma source(%dma_start3A_697 : memref<2000000x64xf32, #tpu.memory_space<hbm>>) target(%arg6 : memref<128x64xf32, #tpu.memory_space<vmem>>) offsets(%dma_start3A_694 : memref<128xi32, #tpu.memory_space<vmem>>) semaphore(%dma_start3A_699 : memref<!tpu.dma_semaphore, #tpu.memory_space<semaphore_mem>>)
      } else {
      }
      %dma_start3A_370 = arith.constant 0 : i32
      %dma_start3A_371 = arith.constant 0 : i32
      %dma_start3A_372 = arith.constant 0 : i32
      %dma_start3A_373 = arith.constant 0 : i32
      %dma_start3A_374 = tpu.memref_slice %arg8[%dma_start3A_372, %dma_start3A_373] : memref<64x129xf32, #tpu.memory_space<vmem>> -> memref<8x128xf32, #tpu.memory_space<vmem>>
      %dma_start3A_375 = arith.constant 0 : i32
      %dma_start3A_376 = arith.constant 0 : i32
      %dma_start3A_377 = tpu.memref_slice %arg4[%add3A_346, %dma_start3A_370, %add3A, %dma_start3A_375, %dma_start3A_376] : memref<200x8x32x8x128xf32, #tpu.memory_space<hbm>> -> memref<1x1x1x8x128xf32, #tpu.memory_space<hbm>>
      %dma_start3A_378 = tpu.memref_squeeze %dma_start3A_377 : memref<1x1x1x8x128xf32, #tpu.memory_space<hbm>> -> memref<8x128xf32, #tpu.memory_space<hbm>>
      %dma_start3A_379 = tpu.memref_slice %arg11[%dma_start3A_371] : memref<2x!tpu.dma_semaphore, #tpu.memory_space<semaphore_mem>> -> memref<1x!tpu.dma_semaphore, #tpu.memory_space<semaphore_mem>>
      %dma_start3A_380 = tpu.memref_squeeze %dma_start3A_379 : memref<1x!tpu.dma_semaphore, #tpu.memory_space<semaphore_mem>> -> memref<!tpu.dma_semaphore, #tpu.memory_space<semaphore_mem>>
      %dma_start3A_381 = arith.constant 0 : i32
      %dma_start3A_382 = arith.constant 0 : i32
      %dma_start3A_383 = tpu.memref_slice %arg4[%add3A_346, %dma_start3A_370, %add3A, %dma_start3A_381, %dma_start3A_382] : memref<200x8x32x8x128xf32, #tpu.memory_space<hbm>> -> memref<1x1x1x8x128xf32, #tpu.memory_space<hbm>>
      %dma_start3A_384 = tpu.memref_squeeze %dma_start3A_383 : memref<1x1x1x8x128xf32, #tpu.memory_space<hbm>> -> memref<8x128xf32, #tpu.memory_space<hbm>>
      %dma_start3A_385 = arith.constant 0 : i32
      %dma_start3A_386 = arith.constant 0 : i32
      %dma_start3A_387 = tpu.memref_slice %arg8[%dma_start3A_385, %dma_start3A_386] : memref<64x129xf32, #tpu.memory_space<vmem>> -> memref<8x128xf32, #tpu.memory_space<vmem>>
      tpu.enqueue_dma source(%dma_start3A_387 : memref<8x128xf32, #tpu.memory_space<vmem>>) target(%dma_start3A_384 : memref<8x128xf32, #tpu.memory_space<hbm>>) target_semaphore(%dma_start3A_380 : memref<!tpu.dma_semaphore, #tpu.memory_space<semaphore_mem>>)
      %dma_start3A_388 = arith.constant 1 : i32
      %dma_start3A_389 = arith.constant 0 : i32
      %dma_start3A_390 = arith.constant 8 : i32
      %dma_start3A_391 = arith.constant 0 : i32
      %dma_start3A_392 = tpu.memref_slice %arg8[%dma_start3A_390, %dma_start3A_391] : memref<64x129xf32, #tpu.memory_space<vmem>> -> memref<8x128xf32, #tpu.memory_space<vmem>>
      %dma_start3A_393 = arith.constant 0 : i32
      %dma_start3A_394 = arith.constant 0 : i32
      %dma_start3A_395 = tpu.memref_slice %arg4[%add3A_346, %dma_start3A_388, %add3A, %dma_start3A_393, %dma_start3A_394] : memref<200x8x32x8x128xf32, #tpu.memory_space<hbm>> -> memref<1x1x1x8x128xf32, #tpu.memory_space<hbm>>
      %dma_start3A_396 = tpu.memref_squeeze %dma_start3A_395 : memref<1x1x1x8x128xf32, #tpu.memory_space<hbm>> -> memref<8x128xf32, #tpu.memory_space<hbm>>
      %dma_start3A_397 = tpu.memref_slice %arg11[%dma_start3A_389] : memref<2x!tpu.dma_semaphore, #tpu.memory_space<semaphore_mem>> -> memref<1x!tpu.dma_semaphore, #tpu.memory_space<semaphore_mem>>
      %dma_start3A_398 = tpu.memref_squeeze %dma_start3A_397 : memref<1x!tpu.dma_semaphore, #tpu.memory_space<semaphore_mem>> -> memref<!tpu.dma_semaphore, #tpu.memory_space<semaphore_mem>>
      %dma_start3A_399 = arith.constant 0 : i32
      %dma_start3A_400 = arith.constant 0 : i32
      %dma_start3A_401 = tpu.memref_slice %arg4[%add3A_346, %dma_start3A_388, %add3A, %dma_start3A_399, %dma_start3A_400] : memref<200x8x32x8x128xf32, #tpu.memory_space<hbm>> -> memref<1x1x1x8x128xf32, #tpu.memory_space<hbm>>
      %dma_start3A_402 = tpu.memref_squeeze %dma_start3A_401 : memref<1x1x1x8x128xf32, #tpu.memory_space<hbm>> -> memref<8x128xf32, #tpu.memory_space<hbm>>
      %dma_start3A_403 = arith.constant 8 : i32
      %dma_start3A_404 = arith.constant 0 : i32
      %dma_start3A_405 = tpu.memref_slice %arg8[%dma_start3A_403, %dma_start3A_404] : memref<64x129xf32, #tpu.memory_space<vmem>> -> memref<8x128xf32, #tpu.memory_space<vmem>>
      tpu.enqueue_dma source(%dma_start3A_405 : memref<8x128xf32, #tpu.memory_space<vmem>>) target(%dma_start3A_402 : memref<8x128xf32, #tpu.memory_space<hbm>>) target_semaphore(%dma_start3A_398 : memref<!tpu.dma_semaphore, #tpu.memory_space<semaphore_mem>>)
      %dma_start3A_406 = arith.constant 2 : i32
      %dma_start3A_407 = arith.constant 0 : i32
      %dma_start3A_408 = arith.constant 16 : i32
      %dma_start3A_409 = arith.constant 0 : i32
      %dma_start3A_410 = tpu.memref_slice %arg8[%dma_start3A_408, %dma_start3A_409] : memref<64x129xf32, #tpu.memory_space<vmem>> -> memref<8x128xf32, #tpu.memory_space<vmem>>
      %dma_start3A_411 = arith.constant 0 : i32
      %dma_start3A_412 = arith.constant 0 : i32
      %dma_start3A_413 = tpu.memref_slice %arg4[%add3A_346, %dma_start3A_406, %add3A, %dma_start3A_411, %dma_start3A_412] : memref<200x8x32x8x128xf32, #tpu.memory_space<hbm>> -> memref<1x1x1x8x128xf32, #tpu.memory_space<hbm>>
      %dma_start3A_414 = tpu.memref_squeeze %dma_start3A_413 : memref<1x1x1x8x128xf32, #tpu.memory_space<hbm>> -> memref<8x128xf32, #tpu.memory_space<hbm>>
      %dma_start3A_415 = tpu.memref_slice %arg11[%dma_start3A_407] : memref<2x!tpu.dma_semaphore, #tpu.memory_space<semaphore_mem>> -> memref<1x!tpu.dma_semaphore, #tpu.memory_space<semaphore_mem>>
      %dma_start3A_416 = tpu.memref_squeeze %dma_start3A_415 : memref<1x!tpu.dma_semaphore, #tpu.memory_space<semaphore_mem>> -> memref<!tpu.dma_semaphore, #tpu.memory_space<semaphore_mem>>
      %dma_start3A_417 = arith.constant 0 : i32
      %dma_start3A_418 = arith.constant 0 : i32
      %dma_start3A_419 = tpu.memref_slice %arg4[%add3A_346, %dma_start3A_406, %add3A, %dma_start3A_417, %dma_start3A_418] : memref<200x8x32x8x128xf32, #tpu.memory_space<hbm>> -> memref<1x1x1x8x128xf32, #tpu.memory_space<hbm>>
      %dma_start3A_420 = tpu.memref_squeeze %dma_start3A_419 : memref<1x1x1x8x128xf32, #tpu.memory_space<hbm>> -> memref<8x128xf32, #tpu.memory_space<hbm>>
      %dma_start3A_421 = arith.constant 16 : i32
      %dma_start3A_422 = arith.constant 0 : i32
      %dma_start3A_423 = tpu.memref_slice %arg8[%dma_start3A_421, %dma_start3A_422] : memref<64x129xf32, #tpu.memory_space<vmem>> -> memref<8x128xf32, #tpu.memory_space<vmem>>
      tpu.enqueue_dma source(%dma_start3A_423 : memref<8x128xf32, #tpu.memory_space<vmem>>) target(%dma_start3A_420 : memref<8x128xf32, #tpu.memory_space<hbm>>) target_semaphore(%dma_start3A_416 : memref<!tpu.dma_semaphore, #tpu.memory_space<semaphore_mem>>)
      %dma_start3A_424 = arith.constant 3 : i32
      %dma_start3A_425 = arith.constant 0 : i32
      %dma_start3A_426 = arith.constant 24 : i32
      %dma_start3A_427 = arith.constant 0 : i32
      %dma_start3A_428 = tpu.memref_slice %arg8[%dma_start3A_426, %dma_start3A_427] : memref<64x129xf32, #tpu.memory_space<vmem>> -> memref<8x128xf32, #tpu.memory_space<vmem>>
      %dma_start3A_429 = arith.constant 0 : i32
      %dma_start3A_430 = arith.constant 0 : i32
      %dma_start3A_431 = tpu.memref_slice %arg4[%add3A_346, %dma_start3A_424, %add3A, %dma_start3A_429, %dma_start3A_430] : memref<200x8x32x8x128xf32, #tpu.memory_space<hbm>> -> memref<1x1x1x8x128xf32, #tpu.memory_space<hbm>>
      %dma_start3A_432 = tpu.memref_squeeze %dma_start3A_431 : memref<1x1x1x8x128xf32, #tpu.memory_space<hbm>> -> memref<8x128xf32, #tpu.memory_space<hbm>>
      %dma_start3A_433 = tpu.memref_slice %arg11[%dma_start3A_425] : memref<2x!tpu.dma_semaphore, #tpu.memory_space<semaphore_mem>> -> memref<1x!tpu.dma_semaphore, #tpu.memory_space<semaphore_mem>>
      %dma_start3A_434 = tpu.memref_squeeze %dma_start3A_433 : memref<1x!tpu.dma_semaphore, #tpu.memory_space<semaphore_mem>> -> memref<!tpu.dma_semaphore, #tpu.memory_space<semaphore_mem>>
      %dma_start3A_435 = arith.constant 0 : i32
      %dma_start3A_436 = arith.constant 0 : i32
      %dma_start3A_437 = tpu.memref_slice %arg4[%add3A_346, %dma_start3A_424, %add3A, %dma_start3A_435, %dma_start3A_436] : memref<200x8x32x8x128xf32, #tpu.memory_space<hbm>> -> memref<1x1x1x8x128xf32, #tpu.memory_space<hbm>>
      %dma_start3A_438 = tpu.memref_squeeze %dma_start3A_437 : memref<1x1x1x8x128xf32, #tpu.memory_space<hbm>> -> memref<8x128xf32, #tpu.memory_space<hbm>>
      %dma_start3A_439 = arith.constant 24 : i32
      %dma_start3A_440 = arith.constant 0 : i32
      %dma_start3A_441 = tpu.memref_slice %arg8[%dma_start3A_439, %dma_start3A_440] : memref<64x129xf32, #tpu.memory_space<vmem>> -> memref<8x128xf32, #tpu.memory_space<vmem>>
      tpu.enqueue_dma source(%dma_start3A_441 : memref<8x128xf32, #tpu.memory_space<vmem>>) target(%dma_start3A_438 : memref<8x128xf32, #tpu.memory_space<hbm>>) target_semaphore(%dma_start3A_434 : memref<!tpu.dma_semaphore, #tpu.memory_space<semaphore_mem>>)
      %dma_start3A_442 = arith.constant 4 : i32
      %dma_start3A_443 = arith.constant 0 : i32
      %dma_start3A_444 = arith.constant 32 : i32
      %dma_start3A_445 = arith.constant 0 : i32
      %dma_start3A_446 = tpu.memref_slice %arg8[%dma_start3A_444, %dma_start3A_445] : memref<64x129xf32, #tpu.memory_space<vmem>> -> memref<8x128xf32, #tpu.memory_space<vmem>>
      %dma_start3A_447 = arith.constant 0 : i32
      %dma_start3A_448 = arith.constant 0 : i32
      %dma_start3A_449 = tpu.memref_slice %arg4[%add3A_346, %dma_start3A_442, %add3A, %dma_start3A_447, %dma_start3A_448] : memref<200x8x32x8x128xf32, #tpu.memory_space<hbm>> -> memref<1x1x1x8x128xf32, #tpu.memory_space<hbm>>
      %dma_start3A_450 = tpu.memref_squeeze %dma_start3A_449 : memref<1x1x1x8x128xf32, #tpu.memory_space<hbm>> -> memref<8x128xf32, #tpu.memory_space<hbm>>
      %dma_start3A_451 = tpu.memref_slice %arg11[%dma_start3A_443] : memref<2x!tpu.dma_semaphore, #tpu.memory_space<semaphore_mem>> -> memref<1x!tpu.dma_semaphore, #tpu.memory_space<semaphore_mem>>
      %dma_start3A_452 = tpu.memref_squeeze %dma_start3A_451 : memref<1x!tpu.dma_semaphore, #tpu.memory_space<semaphore_mem>> -> memref<!tpu.dma_semaphore, #tpu.memory_space<semaphore_mem>>
      %dma_start3A_453 = arith.constant 0 : i32
      %dma_start3A_454 = arith.constant 0 : i32
      %dma_start3A_455 = tpu.memref_slice %arg4[%add3A_346, %dma_start3A_442, %add3A, %dma_start3A_453, %dma_start3A_454] : memref<200x8x32x8x128xf32, #tpu.memory_space<hbm>> -> memref<1x1x1x8x128xf32, #tpu.memory_space<hbm>>
      %dma_start3A_456 = tpu.memref_squeeze %dma_start3A_455 : memref<1x1x1x8x128xf32, #tpu.memory_space<hbm>> -> memref<8x128xf32, #tpu.memory_space<hbm>>
      %dma_start3A_457 = arith.constant 32 : i32
      %dma_start3A_458 = arith.constant 0 : i32
      %dma_start3A_459 = tpu.memref_slice %arg8[%dma_start3A_457, %dma_start3A_458] : memref<64x129xf32, #tpu.memory_space<vmem>> -> memref<8x128xf32, #tpu.memory_space<vmem>>
      tpu.enqueue_dma source(%dma_start3A_459 : memref<8x128xf32, #tpu.memory_space<vmem>>) target(%dma_start3A_456 : memref<8x128xf32, #tpu.memory_space<hbm>>) target_semaphore(%dma_start3A_452 : memref<!tpu.dma_semaphore, #tpu.memory_space<semaphore_mem>>)
      %dma_start3A_460 = arith.constant 5 : i32
      %dma_start3A_461 = arith.constant 0 : i32
      %dma_start3A_462 = arith.constant 40 : i32
      %dma_start3A_463 = arith.constant 0 : i32
      %dma_start3A_464 = tpu.memref_slice %arg8[%dma_start3A_462, %dma_start3A_463] : memref<64x129xf32, #tpu.memory_space<vmem>> -> memref<8x128xf32, #tpu.memory_space<vmem>>
      %dma_start3A_465 = arith.constant 0 : i32
      %dma_start3A_466 = arith.constant 0 : i32
      %dma_start3A_467 = tpu.memref_slice %arg4[%add3A_346, %dma_start3A_460, %add3A, %dma_start3A_465, %dma_start3A_466] : memref<200x8x32x8x128xf32, #tpu.memory_space<hbm>> -> memref<1x1x1x8x128xf32, #tpu.memory_space<hbm>>
      %dma_start3A_468 = tpu.memref_squeeze %dma_start3A_467 : memref<1x1x1x8x128xf32, #tpu.memory_space<hbm>> -> memref<8x128xf32, #tpu.memory_space<hbm>>
      %dma_start3A_469 = tpu.memref_slice %arg11[%dma_start3A_461] : memref<2x!tpu.dma_semaphore, #tpu.memory_space<semaphore_mem>> -> memref<1x!tpu.dma_semaphore, #tpu.memory_space<semaphore_mem>>
      %dma_start3A_470 = tpu.memref_squeeze %dma_start3A_469 : memref<1x!tpu.dma_semaphore, #tpu.memory_space<semaphore_mem>> -> memref<!tpu.dma_semaphore, #tpu.memory_space<semaphore_mem>>
      %dma_start3A_471 = arith.constant 0 : i32
      %dma_start3A_472 = arith.constant 0 : i32
      %dma_start3A_473 = tpu.memref_slice %arg4[%add3A_346, %dma_start3A_460, %add3A, %dma_start3A_471, %dma_start3A_472] : memref<200x8x32x8x128xf32, #tpu.memory_space<hbm>> -> memref<1x1x1x8x128xf32, #tpu.memory_space<hbm>>
      %dma_start3A_474 = tpu.memref_squeeze %dma_start3A_473 : memref<1x1x1x8x128xf32, #tpu.memory_space<hbm>> -> memref<8x128xf32, #tpu.memory_space<hbm>>
      %dma_start3A_475 = arith.constant 40 : i32
      %dma_start3A_476 = arith.constant 0 : i32
      %dma_start3A_477 = tpu.memref_slice %arg8[%dma_start3A_475, %dma_start3A_476] : memref<64x129xf32, #tpu.memory_space<vmem>> -> memref<8x128xf32, #tpu.memory_space<vmem>>
      tpu.enqueue_dma source(%dma_start3A_477 : memref<8x128xf32, #tpu.memory_space<vmem>>) target(%dma_start3A_474 : memref<8x128xf32, #tpu.memory_space<hbm>>) target_semaphore(%dma_start3A_470 : memref<!tpu.dma_semaphore, #tpu.memory_space<semaphore_mem>>)
      %dma_start3A_478 = arith.constant 6 : i32
      %dma_start3A_479 = arith.constant 0 : i32
      %dma_start3A_480 = arith.constant 48 : i32
      %dma_start3A_481 = arith.constant 0 : i32
      %dma_start3A_482 = tpu.memref_slice %arg8[%dma_start3A_480, %dma_start3A_481] : memref<64x129xf32, #tpu.memory_space<vmem>> -> memref<8x128xf32, #tpu.memory_space<vmem>>
      %dma_start3A_483 = arith.constant 0 : i32
      %dma_start3A_484 = arith.constant 0 : i32
      %dma_start3A_485 = tpu.memref_slice %arg4[%add3A_346, %dma_start3A_478, %add3A, %dma_start3A_483, %dma_start3A_484] : memref<200x8x32x8x128xf32, #tpu.memory_space<hbm>> -> memref<1x1x1x8x128xf32, #tpu.memory_space<hbm>>
      %dma_start3A_486 = tpu.memref_squeeze %dma_start3A_485 : memref<1x1x1x8x128xf32, #tpu.memory_space<hbm>> -> memref<8x128xf32, #tpu.memory_space<hbm>>
      %dma_start3A_487 = tpu.memref_slice %arg11[%dma_start3A_479] : memref<2x!tpu.dma_semaphore, #tpu.memory_space<semaphore_mem>> -> memref<1x!tpu.dma_semaphore, #tpu.memory_space<semaphore_mem>>
      %dma_start3A_488 = tpu.memref_squeeze %dma_start3A_487 : memref<1x!tpu.dma_semaphore, #tpu.memory_space<semaphore_mem>> -> memref<!tpu.dma_semaphore, #tpu.memory_space<semaphore_mem>>
      %dma_start3A_489 = arith.constant 0 : i32
      %dma_start3A_490 = arith.constant 0 : i32
      %dma_start3A_491 = tpu.memref_slice %arg4[%add3A_346, %dma_start3A_478, %add3A, %dma_start3A_489, %dma_start3A_490] : memref<200x8x32x8x128xf32, #tpu.memory_space<hbm>> -> memref<1x1x1x8x128xf32, #tpu.memory_space<hbm>>
      %dma_start3A_492 = tpu.memref_squeeze %dma_start3A_491 : memref<1x1x1x8x128xf32, #tpu.memory_space<hbm>> -> memref<8x128xf32, #tpu.memory_space<hbm>>
      %dma_start3A_493 = arith.constant 48 : i32
      %dma_start3A_494 = arith.constant 0 : i32
      %dma_start3A_495 = tpu.memref_slice %arg8[%dma_start3A_493, %dma_start3A_494] : memref<64x129xf32, #tpu.memory_space<vmem>> -> memref<8x128xf32, #tpu.memory_space<vmem>>
      tpu.enqueue_dma source(%dma_start3A_495 : memref<8x128xf32, #tpu.memory_space<vmem>>) target(%dma_start3A_492 : memref<8x128xf32, #tpu.memory_space<hbm>>) target_semaphore(%dma_start3A_488 : memref<!tpu.dma_semaphore, #tpu.memory_space<semaphore_mem>>)
      %dma_start3A_496 = arith.constant 7 : i32
      %dma_start3A_497 = arith.constant 0 : i32
      %dma_start3A_498 = arith.constant 56 : i32
      %dma_start3A_499 = arith.constant 0 : i32
      %dma_start3A_500 = tpu.memref_slice %arg8[%dma_start3A_498, %dma_start3A_499] : memref<64x129xf32, #tpu.memory_space<vmem>> -> memref<8x128xf32, #tpu.memory_space<vmem>>
      %dma_start3A_501 = arith.constant 0 : i32
      %dma_start3A_502 = arith.constant 0 : i32
      %dma_start3A_503 = tpu.memref_slice %arg4[%add3A_346, %dma_start3A_496, %add3A, %dma_start3A_501, %dma_start3A_502] : memref<200x8x32x8x128xf32, #tpu.memory_space<hbm>> -> memref<1x1x1x8x128xf32, #tpu.memory_space<hbm>>
      %dma_start3A_504 = tpu.memref_squeeze %dma_start3A_503 : memref<1x1x1x8x128xf32, #tpu.memory_space<hbm>> -> memref<8x128xf32, #tpu.memory_space<hbm>>
      %dma_start3A_505 = tpu.memref_slice %arg11[%dma_start3A_497] : memref<2x!tpu.dma_semaphore, #tpu.memory_space<semaphore_mem>> -> memref<1x!tpu.dma_semaphore, #tpu.memory_space<semaphore_mem>>
      %dma_start3A_506 = tpu.memref_squeeze %dma_start3A_505 : memref<1x!tpu.dma_semaphore, #tpu.memory_space<semaphore_mem>> -> memref<!tpu.dma_semaphore, #tpu.memory_space<semaphore_mem>>
      %dma_start3A_507 = arith.constant 0 : i32
      %dma_start3A_508 = arith.constant 0 : i32
      %dma_start3A_509 = tpu.memref_slice %arg4[%add3A_346, %dma_start3A_496, %add3A, %dma_start3A_507, %dma_start3A_508] : memref<200x8x32x8x128xf32, #tpu.memory_space<hbm>> -> memref<1x1x1x8x128xf32, #tpu.memory_space<hbm>>
      %dma_start3A_510 = tpu.memref_squeeze %dma_start3A_509 : memref<1x1x1x8x128xf32, #tpu.memory_space<hbm>> -> memref<8x128xf32, #tpu.memory_space<hbm>>
      %dma_start3A_511 = arith.constant 56 : i32
      %dma_start3A_512 = arith.constant 0 : i32
      %dma_start3A_513 = tpu.memref_slice %arg8[%dma_start3A_511, %dma_start3A_512] : memref<64x129xf32, #tpu.memory_space<vmem>> -> memref<8x128xf32, #tpu.memory_space<vmem>>
      tpu.enqueue_dma source(%dma_start3A_513 : memref<8x128xf32, #tpu.memory_space<vmem>>) target(%dma_start3A_510 : memref<8x128xf32, #tpu.memory_space<hbm>>) target_semaphore(%dma_start3A_506 : memref<!tpu.dma_semaphore, #tpu.memory_space<semaphore_mem>>)
      %mul3A_514 = arith.constant 2 : i32
      %mul3A_515 = arith.muli %scan3A_342, %mul3A_514 : i32
      %add3A_516 = arith.constant 1 : i32
      %add3A_517 = arith.addi %mul3A_515, %add3A_516 : i32
      %dma_wait3A_518 = arith.constant 1 : i32
      %dma_wait3A_519 = arith.constant 0 : i32
      %dma_wait3A_520 = tpu.memref_slice %arg5[%add3A_517, %dma_wait3A_519] : memref<200x128xi32, #tpu.memory_space<vmem>> -> memref<1x128xi32, #tpu.memory_space<vmem>>
      %dma_wait3A_521 = tpu.memref_squeeze %dma_wait3A_520 : memref<1x128xi32, #tpu.memory_space<vmem>> -> memref<128xi32, #tpu.memory_space<vmem>>
      %dma_wait3A_522 = arith.constant 0 : i32
      %dma_wait3A_523 = arith.constant 0 : i32
      %dma_wait3A_524 = tpu.memref_slice %arg3[%dma_wait3A_522, %dma_wait3A_523] : memref<2000000x64xf32, #tpu.memory_space<hbm>> -> memref<2000000x64xf32, #tpu.memory_space<hbm>>
      %dma_wait3A_525 = tpu.memref_slice %arg10[%dma_wait3A_518] : memref<2x!tpu.dma_semaphore, #tpu.memory_space<semaphore_mem>> -> memref<1x!tpu.dma_semaphore, #tpu.memory_space<semaphore_mem>>
      %dma_wait3A_526 = tpu.memref_squeeze %dma_wait3A_525 : memref<1x!tpu.dma_semaphore, #tpu.memory_space<semaphore_mem>> -> memref<!tpu.dma_semaphore, #tpu.memory_space<semaphore_mem>>
      tpu.wait_indirect_dma semaphore(%dma_wait3A_526 : memref<!tpu.dma_semaphore, #tpu.memory_space<semaphore_mem>>) src(%dma_wait3A_524 : memref<2000000x64xf32, #tpu.memory_space<hbm>>) dst(%arg7 : memref<128x64xf32, #tpu.memory_space<vmem>>)
      %ge3A_527 = arith.constant 2 : i32
      %ge3A_528 = arith.cmpi sge, %add3A_517, %ge3A_527 : i32
      %convert_element_type3A_529 = arith.extui %ge3A_528 : i1 to i32
      %cond3A_530 = arith.constant 0 : i32
      %cond3A_531 = arith.cmpi ne, %convert_element_type3A_529, %cond3A_530 : i32
      scf.if %cond3A_531 {
        %dma_wait3A_689 = arith.constant 0 : i32
        %dma_wait3A_690 = arith.constant 1 : i32
        %dma_wait3A_691 = arith.constant 0 : i32
        %dma_wait3A_692 = arith.constant 0 : i32
        %dma_wait3A_693 = tpu.memref_slice %arg9[%dma_wait3A_691, %dma_wait3A_692] : memref<64x129xf32, #tpu.memory_space<vmem>> -> memref<8x128xf32, #tpu.memory_space<vmem>>
        %dma_wait3A_694 = arith.constant 0 : i32
        %dma_wait3A_695 = arith.constant 0 : i32
        %dma_wait3A_696 = tpu.memref_slice %arg4[%add3A_517, %dma_wait3A_689, %add3A, %dma_wait3A_694, %dma_wait3A_695] : memref<200x8x32x8x128xf32, #tpu.memory_space<hbm>> -> memref<1x1x1x8x128xf32, #tpu.memory_space<hbm>>
        %dma_wait3A_697 = tpu.memref_squeeze %dma_wait3A_696 : memref<1x1x1x8x128xf32, #tpu.memory_space<hbm>> -> memref<8x128xf32, #tpu.memory_space<hbm>>
        %dma_wait3A_698 = tpu.memref_slice %arg11[%dma_wait3A_690] : memref<2x!tpu.dma_semaphore, #tpu.memory_space<semaphore_mem>> -> memref<1x!tpu.dma_semaphore, #tpu.memory_space<semaphore_mem>>
        %dma_wait3A_699 = tpu.memref_squeeze %dma_wait3A_698 : memref<1x!tpu.dma_semaphore, #tpu.memory_space<semaphore_mem>> -> memref<!tpu.dma_semaphore, #tpu.memory_space<semaphore_mem>>
        %dma_wait3A_700 = arith.constant 0 : i32
        %dma_wait3A_701 = arith.constant 0 : i32
        %dma_wait3A_702 = tpu.memref_slice %arg4[%add3A_517, %dma_wait3A_689, %add3A, %dma_wait3A_700, %dma_wait3A_701] : memref<200x8x32x8x128xf32, #tpu.memory_space<hbm>> -> memref<1x1x1x8x128xf32, #tpu.memory_space<hbm>>
        %dma_wait3A_703 = tpu.memref_squeeze %dma_wait3A_702 : memref<1x1x1x8x128xf32, #tpu.memory_space<hbm>> -> memref<8x128xf32, #tpu.memory_space<hbm>>
        %dma_wait3A_704 = arith.constant 0 : i32
        %dma_wait3A_705 = arith.constant 0 : i32
        %dma_wait3A_706 = tpu.memref_slice %arg9[%dma_wait3A_704, %dma_wait3A_705] : memref<64x129xf32, #tpu.memory_space<vmem>> -> memref<8x128xf32, #tpu.memory_space<vmem>>
        tpu.wait_dma2 semaphore(%dma_wait3A_699 : memref<!tpu.dma_semaphore, #tpu.memory_space<semaphore_mem>>) src(%dma_wait3A_706 : memref<8x128xf32, #tpu.memory_space<vmem>>) dst(%dma_wait3A_703 : memref<8x128xf32, #tpu.memory_space<hbm>>)
        %dma_wait3A_707 = arith.constant 1 : i32
        %dma_wait3A_708 = arith.constant 1 : i32
        %dma_wait3A_709 = arith.constant 8 : i32
        %dma_wait3A_710 = arith.constant 0 : i32
        %dma_wait3A_711 = tpu.memref_slice %arg9[%dma_wait3A_709, %dma_wait3A_710] : memref<64x129xf32, #tpu.memory_space<vmem>> -> memref<8x128xf32, #tpu.memory_space<vmem>>
        %dma_wait3A_712 = arith.constant 0 : i32
        %dma_wait3A_713 = arith.constant 0 : i32
        %dma_wait3A_714 = tpu.memref_slice %arg4[%add3A_517, %dma_wait3A_707, %add3A, %dma_wait3A_712, %dma_wait3A_713] : memref<200x8x32x8x128xf32, #tpu.memory_space<hbm>> -> memref<1x1x1x8x128xf32, #tpu.memory_space<hbm>>
        %dma_wait3A_715 = tpu.memref_squeeze %dma_wait3A_714 : memref<1x1x1x8x128xf32, #tpu.memory_space<hbm>> -> memref<8x128xf32, #tpu.memory_space<hbm>>
        %dma_wait3A_716 = tpu.memref_slice %arg11[%dma_wait3A_708] : memref<2x!tpu.dma_semaphore, #tpu.memory_space<semaphore_mem>> -> memref<1x!tpu.dma_semaphore, #tpu.memory_space<semaphore_mem>>
        %dma_wait3A_717 = tpu.memref_squeeze %dma_wait3A_716 : memref<1x!tpu.dma_semaphore, #tpu.memory_space<semaphore_mem>> -> memref<!tpu.dma_semaphore, #tpu.memory_space<semaphore_mem>>
        %dma_wait3A_718 = arith.constant 0 : i32
        %dma_wait3A_719 = arith.constant 0 : i32
        %dma_wait3A_720 = tpu.memref_slice %arg4[%add3A_517, %dma_wait3A_707, %add3A, %dma_wait3A_718, %dma_wait3A_719] : memref<200x8x32x8x128xf32, #tpu.memory_space<hbm>> -> memref<1x1x1x8x128xf32, #tpu.memory_space<hbm>>
        %dma_wait3A_721 = tpu.memref_squeeze %dma_wait3A_720 : memref<1x1x1x8x128xf32, #tpu.memory_space<hbm>> -> memref<8x128xf32, #tpu.memory_space<hbm>>
        %dma_wait3A_722 = arith.constant 8 : i32
        %dma_wait3A_723 = arith.constant 0 : i32
        %dma_wait3A_724 = tpu.memref_slice %arg9[%dma_wait3A_722, %dma_wait3A_723] : memref<64x129xf32, #tpu.memory_space<vmem>> -> memref<8x128xf32, #tpu.memory_space<vmem>>
        tpu.wait_dma2 semaphore(%dma_wait3A_717 : memref<!tpu.dma_semaphore, #tpu.memory_space<semaphore_mem>>) src(%dma_wait3A_724 : memref<8x128xf32, #tpu.memory_space<vmem>>) dst(%dma_wait3A_721 : memref<8x128xf32, #tpu.memory_space<hbm>>)
        %dma_wait3A_725 = arith.constant 2 : i32
        %dma_wait3A_726 = arith.constant 1 : i32
        %dma_wait3A_727 = arith.constant 16 : i32
        %dma_wait3A_728 = arith.constant 0 : i32
        %dma_wait3A_729 = tpu.memref_slice %arg9[%dma_wait3A_727, %dma_wait3A_728] : memref<64x129xf32, #tpu.memory_space<vmem>> -> memref<8x128xf32, #tpu.memory_space<vmem>>
        %dma_wait3A_730 = arith.constant 0 : i32
        %dma_wait3A_731 = arith.constant 0 : i32
        %dma_wait3A_732 = tpu.memref_slice %arg4[%add3A_517, %dma_wait3A_725, %add3A, %dma_wait3A_730, %dma_wait3A_731] : memref<200x8x32x8x128xf32, #tpu.memory_space<hbm>> -> memref<1x1x1x8x128xf32, #tpu.memory_space<hbm>>
        %dma_wait3A_733 = tpu.memref_squeeze %dma_wait3A_732 : memref<1x1x1x8x128xf32, #tpu.memory_space<hbm>> -> memref<8x128xf32, #tpu.memory_space<hbm>>
        %dma_wait3A_734 = tpu.memref_slice %arg11[%dma_wait3A_726] : memref<2x!tpu.dma_semaphore, #tpu.memory_space<semaphore_mem>> -> memref<1x!tpu.dma_semaphore, #tpu.memory_space<semaphore_mem>>
        %dma_wait3A_735 = tpu.memref_squeeze %dma_wait3A_734 : memref<1x!tpu.dma_semaphore, #tpu.memory_space<semaphore_mem>> -> memref<!tpu.dma_semaphore, #tpu.memory_space<semaphore_mem>>
        %dma_wait3A_736 = arith.constant 0 : i32
        %dma_wait3A_737 = arith.constant 0 : i32
        %dma_wait3A_738 = tpu.memref_slice %arg4[%add3A_517, %dma_wait3A_725, %add3A, %dma_wait3A_736, %dma_wait3A_737] : memref<200x8x32x8x128xf32, #tpu.memory_space<hbm>> -> memref<1x1x1x8x128xf32, #tpu.memory_space<hbm>>
        %dma_wait3A_739 = tpu.memref_squeeze %dma_wait3A_738 : memref<1x1x1x8x128xf32, #tpu.memory_space<hbm>> -> memref<8x128xf32, #tpu.memory_space<hbm>>
        %dma_wait3A_740 = arith.constant 16 : i32
        %dma_wait3A_741 = arith.constant 0 : i32
        %dma_wait3A_742 = tpu.memref_slice %arg9[%dma_wait3A_740, %dma_wait3A_741] : memref<64x129xf32, #tpu.memory_space<vmem>> -> memref<8x128xf32, #tpu.memory_space<vmem>>
        tpu.wait_dma2 semaphore(%dma_wait3A_735 : memref<!tpu.dma_semaphore, #tpu.memory_space<semaphore_mem>>) src(%dma_wait3A_742 : memref<8x128xf32, #tpu.memory_space<vmem>>) dst(%dma_wait3A_739 : memref<8x128xf32, #tpu.memory_space<hbm>>)
        %dma_wait3A_743 = arith.constant 3 : i32
        %dma_wait3A_744 = arith.constant 1 : i32
        %dma_wait3A_745 = arith.constant 24 : i32
        %dma_wait3A_746 = arith.constant 0 : i32
        %dma_wait3A_747 = tpu.memref_slice %arg9[%dma_wait3A_745, %dma_wait3A_746] : memref<64x129xf32, #tpu.memory_space<vmem>> -> memref<8x128xf32, #tpu.memory_space<vmem>>
        %dma_wait3A_748 = arith.constant 0 : i32
        %dma_wait3A_749 = arith.constant 0 : i32
        %dma_wait3A_750 = tpu.memref_slice %arg4[%add3A_517, %dma_wait3A_743, %add3A, %dma_wait3A_748, %dma_wait3A_749] : memref<200x8x32x8x128xf32, #tpu.memory_space<hbm>> -> memref<1x1x1x8x128xf32, #tpu.memory_space<hbm>>
        %dma_wait3A_751 = tpu.memref_squeeze %dma_wait3A_750 : memref<1x1x1x8x128xf32, #tpu.memory_space<hbm>> -> memref<8x128xf32, #tpu.memory_space<hbm>>
        %dma_wait3A_752 = tpu.memref_slice %arg11[%dma_wait3A_744] : memref<2x!tpu.dma_semaphore, #tpu.memory_space<semaphore_mem>> -> memref<1x!tpu.dma_semaphore, #tpu.memory_space<semaphore_mem>>
        %dma_wait3A_753 = tpu.memref_squeeze %dma_wait3A_752 : memref<1x!tpu.dma_semaphore, #tpu.memory_space<semaphore_mem>> -> memref<!tpu.dma_semaphore, #tpu.memory_space<semaphore_mem>>
        %dma_wait3A_754 = arith.constant 0 : i32
        %dma_wait3A_755 = arith.constant 0 : i32
        %dma_wait3A_756 = tpu.memref_slice %arg4[%add3A_517, %dma_wait3A_743, %add3A, %dma_wait3A_754, %dma_wait3A_755] : memref<200x8x32x8x128xf32, #tpu.memory_space<hbm>> -> memref<1x1x1x8x128xf32, #tpu.memory_space<hbm>>
        %dma_wait3A_757 = tpu.memref_squeeze %dma_wait3A_756 : memref<1x1x1x8x128xf32, #tpu.memory_space<hbm>> -> memref<8x128xf32, #tpu.memory_space<hbm>>
        %dma_wait3A_758 = arith.constant 24 : i32
        %dma_wait3A_759 = arith.constant 0 : i32
        %dma_wait3A_760 = tpu.memref_slice %arg9[%dma_wait3A_758, %dma_wait3A_759] : memref<64x129xf32, #tpu.memory_space<vmem>> -> memref<8x128xf32, #tpu.memory_space<vmem>>
        tpu.wait_dma2 semaphore(%dma_wait3A_753 : memref<!tpu.dma_semaphore, #tpu.memory_space<semaphore_mem>>) src(%dma_wait3A_760 : memref<8x128xf32, #tpu.memory_space<vmem>>) dst(%dma_wait3A_757 : memref<8x128xf32, #tpu.memory_space<hbm>>)
        %dma_wait3A_761 = arith.constant 4 : i32
        %dma_wait3A_762 = arith.constant 1 : i32
        %dma_wait3A_763 = arith.constant 32 : i32
        %dma_wait3A_764 = arith.constant 0 : i32
        %dma_wait3A_765 = tpu.memref_slice %arg9[%dma_wait3A_763, %dma_wait3A_764] : memref<64x129xf32, #tpu.memory_space<vmem>> -> memref<8x128xf32, #tpu.memory_space<vmem>>
        %dma_wait3A_766 = arith.constant 0 : i32
        %dma_wait3A_767 = arith.constant 0 : i32
        %dma_wait3A_768 = tpu.memref_slice %arg4[%add3A_517, %dma_wait3A_761, %add3A, %dma_wait3A_766, %dma_wait3A_767] : memref<200x8x32x8x128xf32, #tpu.memory_space<hbm>> -> memref<1x1x1x8x128xf32, #tpu.memory_space<hbm>>
        %dma_wait3A_769 = tpu.memref_squeeze %dma_wait3A_768 : memref<1x1x1x8x128xf32, #tpu.memory_space<hbm>> -> memref<8x128xf32, #tpu.memory_space<hbm>>
        %dma_wait3A_770 = tpu.memref_slice %arg11[%dma_wait3A_762] : memref<2x!tpu.dma_semaphore, #tpu.memory_space<semaphore_mem>> -> memref<1x!tpu.dma_semaphore, #tpu.memory_space<semaphore_mem>>
        %dma_wait3A_771 = tpu.memref_squeeze %dma_wait3A_770 : memref<1x!tpu.dma_semaphore, #tpu.memory_space<semaphore_mem>> -> memref<!tpu.dma_semaphore, #tpu.memory_space<semaphore_mem>>
        %dma_wait3A_772 = arith.constant 0 : i32
        %dma_wait3A_773 = arith.constant 0 : i32
        %dma_wait3A_774 = tpu.memref_slice %arg4[%add3A_517, %dma_wait3A_761, %add3A, %dma_wait3A_772, %dma_wait3A_773] : memref<200x8x32x8x128xf32, #tpu.memory_space<hbm>> -> memref<1x1x1x8x128xf32, #tpu.memory_space<hbm>>
        %dma_wait3A_775 = tpu.memref_squeeze %dma_wait3A_774 : memref<1x1x1x8x128xf32, #tpu.memory_space<hbm>> -> memref<8x128xf32, #tpu.memory_space<hbm>>
        %dma_wait3A_776 = arith.constant 32 : i32
        %dma_wait3A_777 = arith.constant 0 : i32
        %dma_wait3A_778 = tpu.memref_slice %arg9[%dma_wait3A_776, %dma_wait3A_777] : memref<64x129xf32, #tpu.memory_space<vmem>> -> memref<8x128xf32, #tpu.memory_space<vmem>>
        tpu.wait_dma2 semaphore(%dma_wait3A_771 : memref<!tpu.dma_semaphore, #tpu.memory_space<semaphore_mem>>) src(%dma_wait3A_778 : memref<8x128xf32, #tpu.memory_space<vmem>>) dst(%dma_wait3A_775 : memref<8x128xf32, #tpu.memory_space<hbm>>)
        %dma_wait3A_779 = arith.constant 5 : i32
        %dma_wait3A_780 = arith.constant 1 : i32
        %dma_wait3A_781 = arith.constant 40 : i32
        %dma_wait3A_782 = arith.constant 0 : i32
        %dma_wait3A_783 = tpu.memref_slice %arg9[%dma_wait3A_781, %dma_wait3A_782] : memref<64x129xf32, #tpu.memory_space<vmem>> -> memref<8x128xf32, #tpu.memory_space<vmem>>
        %dma_wait3A_784 = arith.constant 0 : i32
        %dma_wait3A_785 = arith.constant 0 : i32
        %dma_wait3A_786 = tpu.memref_slice %arg4[%add3A_517, %dma_wait3A_779, %add3A, %dma_wait3A_784, %dma_wait3A_785] : memref<200x8x32x8x128xf32, #tpu.memory_space<hbm>> -> memref<1x1x1x8x128xf32, #tpu.memory_space<hbm>>
        %dma_wait3A_787 = tpu.memref_squeeze %dma_wait3A_786 : memref<1x1x1x8x128xf32, #tpu.memory_space<hbm>> -> memref<8x128xf32, #tpu.memory_space<hbm>>
        %dma_wait3A_788 = tpu.memref_slice %arg11[%dma_wait3A_780] : memref<2x!tpu.dma_semaphore, #tpu.memory_space<semaphore_mem>> -> memref<1x!tpu.dma_semaphore, #tpu.memory_space<semaphore_mem>>
        %dma_wait3A_789 = tpu.memref_squeeze %dma_wait3A_788 : memref<1x!tpu.dma_semaphore, #tpu.memory_space<semaphore_mem>> -> memref<!tpu.dma_semaphore, #tpu.memory_space<semaphore_mem>>
        %dma_wait3A_790 = arith.constant 0 : i32
        %dma_wait3A_791 = arith.constant 0 : i32
        %dma_wait3A_792 = tpu.memref_slice %arg4[%add3A_517, %dma_wait3A_779, %add3A, %dma_wait3A_790, %dma_wait3A_791] : memref<200x8x32x8x128xf32, #tpu.memory_space<hbm>> -> memref<1x1x1x8x128xf32, #tpu.memory_space<hbm>>
        %dma_wait3A_793 = tpu.memref_squeeze %dma_wait3A_792 : memref<1x1x1x8x128xf32, #tpu.memory_space<hbm>> -> memref<8x128xf32, #tpu.memory_space<hbm>>
        %dma_wait3A_794 = arith.constant 40 : i32
        %dma_wait3A_795 = arith.constant 0 : i32
        %dma_wait3A_796 = tpu.memref_slice %arg9[%dma_wait3A_794, %dma_wait3A_795] : memref<64x129xf32, #tpu.memory_space<vmem>> -> memref<8x128xf32, #tpu.memory_space<vmem>>
        tpu.wait_dma2 semaphore(%dma_wait3A_789 : memref<!tpu.dma_semaphore, #tpu.memory_space<semaphore_mem>>) src(%dma_wait3A_796 : memref<8x128xf32, #tpu.memory_space<vmem>>) dst(%dma_wait3A_793 : memref<8x128xf32, #tpu.memory_space<hbm>>)
        %dma_wait3A_797 = arith.constant 6 : i32
        %dma_wait3A_798 = arith.constant 1 : i32
        %dma_wait3A_799 = arith.constant 48 : i32
        %dma_wait3A_800 = arith.constant 0 : i32
        %dma_wait3A_801 = tpu.memref_slice %arg9[%dma_wait3A_799, %dma_wait3A_800] : memref<64x129xf32, #tpu.memory_space<vmem>> -> memref<8x128xf32, #tpu.memory_space<vmem>>
        %dma_wait3A_802 = arith.constant 0 : i32
        %dma_wait3A_803 = arith.constant 0 : i32
        %dma_wait3A_804 = tpu.memref_slice %arg4[%add3A_517, %dma_wait3A_797, %add3A, %dma_wait3A_802, %dma_wait3A_803] : memref<200x8x32x8x128xf32, #tpu.memory_space<hbm>> -> memref<1x1x1x8x128xf32, #tpu.memory_space<hbm>>
        %dma_wait3A_805 = tpu.memref_squeeze %dma_wait3A_804 : memref<1x1x1x8x128xf32, #tpu.memory_space<hbm>> -> memref<8x128xf32, #tpu.memory_space<hbm>>
        %dma_wait3A_806 = tpu.memref_slice %arg11[%dma_wait3A_798] : memref<2x!tpu.dma_semaphore, #tpu.memory_space<semaphore_mem>> -> memref<1x!tpu.dma_semaphore, #tpu.memory_space<semaphore_mem>>
        %dma_wait3A_807 = tpu.memref_squeeze %dma_wait3A_806 : memref<1x!tpu.dma_semaphore, #tpu.memory_space<semaphore_mem>> -> memref<!tpu.dma_semaphore, #tpu.memory_space<semaphore_mem>>
        %dma_wait3A_808 = arith.constant 0 : i32
        %dma_wait3A_809 = arith.constant 0 : i32
        %dma_wait3A_810 = tpu.memref_slice %arg4[%add3A_517, %dma_wait3A_797, %add3A, %dma_wait3A_808, %dma_wait3A_809] : memref<200x8x32x8x128xf32, #tpu.memory_space<hbm>> -> memref<1x1x1x8x128xf32, #tpu.memory_space<hbm>>
        %dma_wait3A_811 = tpu.memref_squeeze %dma_wait3A_810 : memref<1x1x1x8x128xf32, #tpu.memory_space<hbm>> -> memref<8x128xf32, #tpu.memory_space<hbm>>
        %dma_wait3A_812 = arith.constant 48 : i32
        %dma_wait3A_813 = arith.constant 0 : i32
        %dma_wait3A_814 = tpu.memref_slice %arg9[%dma_wait3A_812, %dma_wait3A_813] : memref<64x129xf32, #tpu.memory_space<vmem>> -> memref<8x128xf32, #tpu.memory_space<vmem>>
        tpu.wait_dma2 semaphore(%dma_wait3A_807 : memref<!tpu.dma_semaphore, #tpu.memory_space<semaphore_mem>>) src(%dma_wait3A_814 : memref<8x128xf32, #tpu.memory_space<vmem>>) dst(%dma_wait3A_811 : memref<8x128xf32, #tpu.memory_space<hbm>>)
        %dma_wait3A_815 = arith.constant 7 : i32
        %dma_wait3A_816 = arith.constant 1 : i32
        %dma_wait3A_817 = arith.constant 56 : i32
        %dma_wait3A_818 = arith.constant 0 : i32
        %dma_wait3A_819 = tpu.memref_slice %arg9[%dma_wait3A_817, %dma_wait3A_818] : memref<64x129xf32, #tpu.memory_space<vmem>> -> memref<8x128xf32, #tpu.memory_space<vmem>>
        %dma_wait3A_820 = arith.constant 0 : i32
        %dma_wait3A_821 = arith.constant 0 : i32
        %dma_wait3A_822 = tpu.memref_slice %arg4[%add3A_517, %dma_wait3A_815, %add3A, %dma_wait3A_820, %dma_wait3A_821] : memref<200x8x32x8x128xf32, #tpu.memory_space<hbm>> -> memref<1x1x1x8x128xf32, #tpu.memory_space<hbm>>
        %dma_wait3A_823 = tpu.memref_squeeze %dma_wait3A_822 : memref<1x1x1x8x128xf32, #tpu.memory_space<hbm>> -> memref<8x128xf32, #tpu.memory_space<hbm>>
        %dma_wait3A_824 = tpu.memref_slice %arg11[%dma_wait3A_816] : memref<2x!tpu.dma_semaphore, #tpu.memory_space<semaphore_mem>> -> memref<1x!tpu.dma_semaphore, #tpu.memory_space<semaphore_mem>>
        %dma_wait3A_825 = tpu.memref_squeeze %dma_wait3A_824 : memref<1x!tpu.dma_semaphore, #tpu.memory_space<semaphore_mem>> -> memref<!tpu.dma_semaphore, #tpu.memory_space<semaphore_mem>>
        %dma_wait3A_826 = arith.constant 0 : i32
        %dma_wait3A_827 = arith.constant 0 : i32
        %dma_wait3A_828 = tpu.memref_slice %arg4[%add3A_517, %dma_wait3A_815, %add3A, %dma_wait3A_826, %dma_wait3A_827] : memref<200x8x32x8x128xf32, #tpu.memory_space<hbm>> -> memref<1x1x1x8x128xf32, #tpu.memory_space<hbm>>
        %dma_wait3A_829 = tpu.memref_squeeze %dma_wait3A_828 : memref<1x1x1x8x128xf32, #tpu.memory_space<hbm>> -> memref<8x128xf32, #tpu.memory_space<hbm>>
        %dma_wait3A_830 = arith.constant 56 : i32
        %dma_wait3A_831 = arith.constant 0 : i32
        %dma_wait3A_832 = tpu.memref_slice %arg9[%dma_wait3A_830, %dma_wait3A_831] : memref<64x129xf32, #tpu.memory_space<vmem>> -> memref<8x128xf32, #tpu.memory_space<vmem>>
        tpu.wait_dma2 semaphore(%dma_wait3A_825 : memref<!tpu.dma_semaphore, #tpu.memory_space<semaphore_mem>>) src(%dma_wait3A_832 : memref<8x128xf32, #tpu.memory_space<vmem>>) dst(%dma_wait3A_829 : memref<8x128xf32, #tpu.memory_space<hbm>>)
      } else {
      }
      %scan3A_532 = arith.constant 0 : i32
      %scan3A_533 = arith.constant 0 : i32
      %scan3A_534 = arith.constant 32 : i32
      %scan3A_535 = arith.addi %scan3A_533, %scan3A_534 : i32
      %scan3A_536 = arith.constant 1 : i32
      scf.for %scan3A_689 = %scan3A_533 to %scan3A_535 step %scan3A_536  : i32 {
        %mul3A_690 = arith.constant 4 : i32
        %mul3A_691 = arith.muli %scan3A_689, %mul3A_690 : i32
        %add3A_692 = arith.constant 0 : i32
        %add3A_693 = arith.addi %mul3A_691, %add3A_692 : i32
        %broadcast_in_dim3A = vector.broadcast %add3A_693 : i32 to vector<16xi32>
        %get3A = arith.index_cast %add3A_693 : i32 to index
        %get3A_694 = arith.constant 0 : index
        %get3A_695 = tpu.vector_load %arg7[%get3A, %get3A_694] {strides = array<i32>} : memref<128x64xf32, #tpu.memory_space<vmem>>, vector<16xf32>,
        %get3A_696 = arith.index_cast %add3A_693 : i32 to index
        %get3A_697 = arith.constant 16 : index
        %get3A_698 = tpu.vector_load %arg7[%get3A_696, %get3A_697] {strides = array<i32>} : memref<128x64xf32, #tpu.memory_space<vmem>>, vector<16xf32>,
        %get3A_699 = arith.index_cast %add3A_693 : i32 to index
        %get3A_700 = arith.constant 32 : index
        %get3A_701 = tpu.vector_load %arg7[%get3A_699, %get3A_700] {strides = array<i32>} : memref<128x64xf32, #tpu.memory_space<vmem>>, vector<16xf32>,
        %get3A_702 = arith.index_cast %add3A_693 : i32 to index
        %get3A_703 = arith.constant 48 : index
        %get3A_704 = tpu.vector_load %arg7[%get3A_702, %get3A_703] {strides = array<i32>} : memref<128x64xf32, #tpu.memory_space<vmem>>, vector<16xf32>,
        %mul3A_705 = arith.constant 4 : i32
        %mul3A_706 = arith.muli %scan3A_689, %mul3A_705 : i32
        %add3A_707 = arith.constant 1 : i32
        %add3A_708 = arith.addi %mul3A_706, %add3A_707 : i32
        %broadcast_in_dim3A_709 = vector.broadcast %add3A_708 : i32 to vector<16xi32>
        %get3A_710 = arith.index_cast %add3A_708 : i32 to index
        %get3A_711 = arith.constant 0 : index
        %get3A_712 = tpu.vector_load %arg7[%get3A_710, %get3A_711] {strides = array<i32>} : memref<128x64xf32, #tpu.memory_space<vmem>>, vector<16xf32>,
        %get3A_713 = arith.index_cast %add3A_708 : i32 to index
        %get3A_714 = arith.constant 16 : index
        %get3A_715 = tpu.vector_load %arg7[%get3A_713, %get3A_714] {strides = array<i32>} : memref<128x64xf32, #tpu.memory_space<vmem>>, vector<16xf32>,
        %get3A_716 = arith.index_cast %add3A_708 : i32 to index
        %get3A_717 = arith.constant 32 : index
        %get3A_718 = tpu.vector_load %arg7[%get3A_716, %get3A_717] {strides = array<i32>} : memref<128x64xf32, #tpu.memory_space<vmem>>, vector<16xf32>,
        %get3A_719 = arith.index_cast %add3A_708 : i32 to index
        %get3A_720 = arith.constant 48 : index
        %get3A_721 = tpu.vector_load %arg7[%get3A_719, %get3A_720] {strides = array<i32>} : memref<128x64xf32, #tpu.memory_space<vmem>>, vector<16xf32>,
        %mul3A_722 = arith.constant 4 : i32
        %mul3A_723 = arith.muli %scan3A_689, %mul3A_722 : i32
        %add3A_724 = arith.constant 2 : i32
        %add3A_725 = arith.addi %mul3A_723, %add3A_724 : i32
        %broadcast_in_dim3A_726 = vector.broadcast %add3A_725 : i32 to vector<16xi32>
        %get3A_727 = arith.index_cast %add3A_725 : i32 to index
        %get3A_728 = arith.constant 0 : index
        %get3A_729 = tpu.vector_load %arg7[%get3A_727, %get3A_728] {strides = array<i32>} : memref<128x64xf32, #tpu.memory_space<vmem>>, vector<16xf32>,
        %get3A_730 = arith.index_cast %add3A_725 : i32 to index
        %get3A_731 = arith.constant 16 : index
        %get3A_732 = tpu.vector_load %arg7[%get3A_730, %get3A_731] {strides = array<i32>} : memref<128x64xf32, #tpu.memory_space<vmem>>, vector<16xf32>,
        %get3A_733 = arith.index_cast %add3A_725 : i32 to index
        %get3A_734 = arith.constant 32 : index
        %get3A_735 = tpu.vector_load %arg7[%get3A_733, %get3A_734] {strides = array<i32>} : memref<128x64xf32, #tpu.memory_space<vmem>>, vector<16xf32>,
        %get3A_736 = arith.index_cast %add3A_725 : i32 to index
        %get3A_737 = arith.constant 48 : index
        %get3A_738 = tpu.vector_load %arg7[%get3A_736, %get3A_737] {strides = array<i32>} : memref<128x64xf32, #tpu.memory_space<vmem>>, vector<16xf32>,
        %mul3A_739 = arith.constant 4 : i32
        %mul3A_740 = arith.muli %scan3A_689, %mul3A_739 : i32
        %add3A_741 = arith.constant 3 : i32
        %add3A_742 = arith.addi %mul3A_740, %add3A_741 : i32
        %broadcast_in_dim3A_743 = vector.broadcast %add3A_742 : i32 to vector<16xi32>
        %get3A_744 = arith.index_cast %add3A_742 : i32 to index
        %get3A_745 = arith.constant 0 : index
        %get3A_746 = tpu.vector_load %arg7[%get3A_744, %get3A_745] {strides = array<i32>} : memref<128x64xf32, #tpu.memory_space<vmem>>, vector<16xf32>,
        %get3A_747 = arith.index_cast %add3A_742 : i32 to index
        %get3A_748 = arith.constant 16 : index
        %get3A_749 = tpu.vector_load %arg7[%get3A_747, %get3A_748] {strides = array<i32>} : memref<128x64xf32, #tpu.memory_space<vmem>>, vector<16xf32>,
        %get3A_750 = arith.index_cast %add3A_742 : i32 to index
        %get3A_751 = arith.constant 32 : index
        %get3A_752 = tpu.vector_load %arg7[%get3A_750, %get3A_751] {strides = array<i32>} : memref<128x64xf32, #tpu.memory_space<vmem>>, vector<16xf32>,
        %get3A_753 = arith.index_cast %add3A_742 : i32 to index
        %get3A_754 = arith.constant 48 : index
        %get3A_755 = tpu.vector_load %arg7[%get3A_753, %get3A_754] {strides = array<i32>} : memref<128x64xf32, #tpu.memory_space<vmem>>, vector<16xf32>,
        tpu.vector_store_idx %arg9[%add3A_5, %broadcast_in_dim3A], %get3A_695 : memref<64x129xf32, #tpu.memory_space<vmem>>[vector<16xi32>, vector<16xi32>], vector<16xf32>,
        tpu.vector_store_idx %arg9[%add3A_8, %broadcast_in_dim3A], %get3A_698 : memref<64x129xf32, #tpu.memory_space<vmem>>[vector<16xi32>, vector<16xi32>], vector<16xf32>,
        tpu.vector_store_idx %arg9[%add3A_11, %broadcast_in_dim3A], %get3A_701 : memref<64x129xf32, #tpu.memory_space<vmem>>[vector<16xi32>, vector<16xi32>], vector<16xf32>,
        tpu.vector_store_idx %arg9[%add3A_14, %broadcast_in_dim3A], %get3A_704 : memref<64x129xf32, #tpu.memory_space<vmem>>[vector<16xi32>, vector<16xi32>], vector<16xf32>,
        tpu.vector_store_idx %arg9[%add3A_5, %broadcast_in_dim3A_709], %get3A_712 : memref<64x129xf32, #tpu.memory_space<vmem>>[vector<16xi32>, vector<16xi32>], vector<16xf32>,
        tpu.vector_store_idx %arg9[%add3A_8, %broadcast_in_dim3A_709], %get3A_715 : memref<64x129xf32, #tpu.memory_space<vmem>>[vector<16xi32>, vector<16xi32>], vector<16xf32>,
        tpu.vector_store_idx %arg9[%add3A_11, %broadcast_in_dim3A_709], %get3A_718 : memref<64x129xf32, #tpu.memory_space<vmem>>[vector<16xi32>, vector<16xi32>], vector<16xf32>,
        tpu.vector_store_idx %arg9[%add3A_14, %broadcast_in_dim3A_709], %get3A_721 : memref<64x129xf32, #tpu.memory_space<vmem>>[vector<16xi32>, vector<16xi32>], vector<16xf32>,
        tpu.vector_store_idx %arg9[%add3A_5, %broadcast_in_dim3A_726], %get3A_729 : memref<64x129xf32, #tpu.memory_space<vmem>>[vector<16xi32>, vector<16xi32>], vector<16xf32>,
        tpu.vector_store_idx %arg9[%add3A_8, %broadcast_in_dim3A_726], %get3A_732 : memref<64x129xf32, #tpu.memory_space<vmem>>[vector<16xi32>, vector<16xi32>], vector<16xf32>,
        tpu.vector_store_idx %arg9[%add3A_11, %broadcast_in_dim3A_726], %get3A_735 : memref<64x129xf32, #tpu.memory_space<vmem>>[vector<16xi32>, vector<16xi32>], vector<16xf32>,
        tpu.vector_store_idx %arg9[%add3A_14, %broadcast_in_dim3A_726], %get3A_738 : memref<64x129xf32, #tpu.memory_space<vmem>>[vector<16xi32>, vector<16xi32>], vector<16xf32>,
        tpu.vector_store_idx %arg9[%add3A_5, %broadcast_in_dim3A_743], %get3A_746 : memref<64x129xf32, #tpu.memory_space<vmem>>[vector<16xi32>, vector<16xi32>], vector<16xf32>,
        tpu.vector_store_idx %arg9[%add3A_8, %broadcast_in_dim3A_743], %get3A_749 : memref<64x129xf32, #tpu.memory_space<vmem>>[vector<16xi32>, vector<16xi32>], vector<16xf32>,
        tpu.vector_store_idx %arg9[%add3A_11, %broadcast_in_dim3A_743], %get3A_752 : memref<64x129xf32, #tpu.memory_space<vmem>>[vector<16xi32>, vector<16xi32>], vector<16xf32>,
        tpu.vector_store_idx %arg9[%add3A_14, %broadcast_in_dim3A_743], %get3A_755 : memref<64x129xf32, #tpu.memory_space<vmem>>[vector<16xi32>, vector<16xi32>], vector<16xf32>,
      }
      %scan3A_537 = arith.constant 32 : i32
      %add3A_538 = arith.constant 2 : i32
      %add3A_539 = arith.addi %add3A_517, %add3A_538 : i32
      %lt3A_540 = arith.constant 200 : i32
      %lt3A_541 = arith.cmpi slt, %add3A_539, %lt3A_540 : i32
      %convert_element_type3A_542 = arith.extui %lt3A_541 : i1 to i32
      %cond3A_543 = arith.constant 0 : i32
      %cond3A_544 = arith.cmpi ne, %convert_element_type3A_542, %cond3A_543 : i32
      scf.if %cond3A_544 {
        %add3A_689 = arith.constant 2 : i32
        %add3A_690 = arith.addi %add3A_517, %add3A_689 : i32
        %dma_start3A_691 = arith.constant 1 : i32
        %dma_start3A_692 = arith.constant 0 : i32
        %dma_start3A_693 = tpu.memref_slice %arg5[%add3A_690, %dma_start3A_692] : memref<200x128xi32, #tpu.memory_space<vmem>> -> memref<1x128xi32, #tpu.memory_space<vmem>>
        %dma_start3A_694 = tpu.memref_squeeze %dma_start3A_693 : memref<1x128xi32, #tpu.memory_space<vmem>> -> memref<128xi32, #tpu.memory_space<vmem>>
        %dma_start3A_695 = arith.constant 0 : i32
        %dma_start3A_696 = arith.constant 0 : i32
        %dma_start3A_697 = tpu.memref_slice %arg3[%dma_start3A_695, %dma_start3A_696] : memref<2000000x64xf32, #tpu.memory_space<hbm>> -> memref<2000000x64xf32, #tpu.memory_space<hbm>>
        %dma_start3A_698 = tpu.memref_slice %arg10[%dma_start3A_691] : memref<2x!tpu.dma_semaphore, #tpu.memory_space<semaphore_mem>> -> memref<1x!tpu.dma_semaphore, #tpu.memory_space<semaphore_mem>>
        %dma_start3A_699 = tpu.memref_squeeze %dma_start3A_698 : memref<1x!tpu.dma_semaphore, #tpu.memory_space<semaphore_mem>> -> memref<!tpu.dma_semaphore, #tpu.memory_space<semaphore_mem>>
        tpu.enqueue_indirect_dma source(%dma_start3A_697 : memref<2000000x64xf32, #tpu.memory_space<hbm>>) target(%arg7 : memref<128x64xf32, #tpu.memory_space<vmem>>) offsets(%dma_start3A_694 : memref<128xi32, #tpu.memory_space<vmem>>) semaphore(%dma_start3A_699 : memref<!tpu.dma_semaphore, #tpu.memory_space<semaphore_mem>>)
      } else {
      }
      %dma_start3A_545 = arith.constant 0 : i32
      %dma_start3A_546 = arith.constant 1 : i32
      %dma_start3A_547 = arith.constant 0 : i32
      %dma_start3A_548 = arith.constant 0 : i32
      %dma_start3A_549 = tpu.memref_slice %arg9[%dma_start3A_547, %dma_start3A_548] : memref<64x129xf32, #tpu.memory_space<vmem>> -> memref<8x128xf32, #tpu.memory_space<vmem>>
      %dma_start3A_550 = arith.constant 0 : i32
      %dma_start3A_551 = arith.constant 0 : i32
      %dma_start3A_552 = tpu.memref_slice %arg4[%add3A_517, %dma_start3A_545, %add3A, %dma_start3A_550, %dma_start3A_551] : memref<200x8x32x8x128xf32, #tpu.memory_space<hbm>> -> memref<1x1x1x8x128xf32, #tpu.memory_space<hbm>>
      %dma_start3A_553 = tpu.memref_squeeze %dma_start3A_552 : memref<1x1x1x8x128xf32, #tpu.memory_space<hbm>> -> memref<8x128xf32, #tpu.memory_space<hbm>>
      %dma_start3A_554 = tpu.memref_slice %arg11[%dma_start3A_546] : memref<2x!tpu.dma_semaphore, #tpu.memory_space<semaphore_mem>> -> memref<1x!tpu.dma_semaphore, #tpu.memory_space<semaphore_mem>>
      %dma_start3A_555 = tpu.memref_squeeze %dma_start3A_554 : memref<1x!tpu.dma_semaphore, #tpu.memory_space<semaphore_mem>> -> memref<!tpu.dma_semaphore, #tpu.memory_space<semaphore_mem>>
      %dma_start3A_556 = arith.constant 0 : i32
      %dma_start3A_557 = arith.constant 0 : i32
      %dma_start3A_558 = tpu.memref_slice %arg4[%add3A_517, %dma_start3A_545, %add3A, %dma_start3A_556, %dma_start3A_557] : memref<200x8x32x8x128xf32, #tpu.memory_space<hbm>> -> memref<1x1x1x8x128xf32, #tpu.memory_space<hbm>>
      %dma_start3A_559 = tpu.memref_squeeze %dma_start3A_558 : memref<1x1x1x8x128xf32, #tpu.memory_space<hbm>> -> memref<8x128xf32, #tpu.memory_space<hbm>>
      %dma_start3A_560 = arith.constant 0 : i32
      %dma_start3A_561 = arith.constant 0 : i32
      %dma_start3A_562 = tpu.memref_slice %arg9[%dma_start3A_560, %dma_start3A_561] : memref<64x129xf32, #tpu.memory_space<vmem>> -> memref<8x128xf32, #tpu.memory_space<vmem>>
      tpu.enqueue_dma source(%dma_start3A_562 : memref<8x128xf32, #tpu.memory_space<vmem>>) target(%dma_start3A_559 : memref<8x128xf32, #tpu.memory_space<hbm>>) target_semaphore(%dma_start3A_555 : memref<!tpu.dma_semaphore, #tpu.memory_space<semaphore_mem>>)
      %dma_start3A_563 = arith.constant 1 : i32
      %dma_start3A_564 = arith.constant 1 : i32
      %dma_start3A_565 = arith.constant 8 : i32
      %dma_start3A_566 = arith.constant 0 : i32
      %dma_start3A_567 = tpu.memref_slice %arg9[%dma_start3A_565, %dma_start3A_566] : memref<64x129xf32, #tpu.memory_space<vmem>> -> memref<8x128xf32, #tpu.memory_space<vmem>>
      %dma_start3A_568 = arith.constant 0 : i32
      %dma_start3A_569 = arith.constant 0 : i32
      %dma_start3A_570 = tpu.memref_slice %arg4[%add3A_517, %dma_start3A_563, %add3A, %dma_start3A_568, %dma_start3A_569] : memref<200x8x32x8x128xf32, #tpu.memory_space<hbm>> -> memref<1x1x1x8x128xf32, #tpu.memory_space<hbm>>
      %dma_start3A_571 = tpu.memref_squeeze %dma_start3A_570 : memref<1x1x1x8x128xf32, #tpu.memory_space<hbm>> -> memref<8x128xf32, #tpu.memory_space<hbm>>
      %dma_start3A_572 = tpu.memref_slice %arg11[%dma_start3A_564] : memref<2x!tpu.dma_semaphore, #tpu.memory_space<semaphore_mem>> -> memref<1x!tpu.dma_semaphore, #tpu.memory_space<semaphore_mem>>
      %dma_start3A_573 = tpu.memref_squeeze %dma_start3A_572 : memref<1x!tpu.dma_semaphore, #tpu.memory_space<semaphore_mem>> -> memref<!tpu.dma_semaphore, #tpu.memory_space<semaphore_mem>>
      %dma_start3A_574 = arith.constant 0 : i32
      %dma_start3A_575 = arith.constant 0 : i32
      %dma_start3A_576 = tpu.memref_slice %arg4[%add3A_517, %dma_start3A_563, %add3A, %dma_start3A_574, %dma_start3A_575] : memref<200x8x32x8x128xf32, #tpu.memory_space<hbm>> -> memref<1x1x1x8x128xf32, #tpu.memory_space<hbm>>
      %dma_start3A_577 = tpu.memref_squeeze %dma_start3A_576 : memref<1x1x1x8x128xf32, #tpu.memory_space<hbm>> -> memref<8x128xf32, #tpu.memory_space<hbm>>
      %dma_start3A_578 = arith.constant 8 : i32
      %dma_start3A_579 = arith.constant 0 : i32
      %dma_start3A_580 = tpu.memref_slice %arg9[%dma_start3A_578, %dma_start3A_579] : memref<64x129xf32, #tpu.memory_space<vmem>> -> memref<8x128xf32, #tpu.memory_space<vmem>>
      tpu.enqueue_dma source(%dma_start3A_580 : memref<8x128xf32, #tpu.memory_space<vmem>>) target(%dma_start3A_577 : memref<8x128xf32, #tpu.memory_space<hbm>>) target_semaphore(%dma_start3A_573 : memref<!tpu.dma_semaphore, #tpu.memory_space<semaphore_mem>>)
      %dma_start3A_581 = arith.constant 2 : i32
      %dma_start3A_582 = arith.constant 1 : i32
      %dma_start3A_583 = arith.constant 16 : i32
      %dma_start3A_584 = arith.constant 0 : i32
      %dma_start3A_585 = tpu.memref_slice %arg9[%dma_start3A_583, %dma_start3A_584] : memref<64x129xf32, #tpu.memory_space<vmem>> -> memref<8x128xf32, #tpu.memory_space<vmem>>
      %dma_start3A_586 = arith.constant 0 : i32
      %dma_start3A_587 = arith.constant 0 : i32
      %dma_start3A_588 = tpu.memref_slice %arg4[%add3A_517, %dma_start3A_581, %add3A, %dma_start3A_586, %dma_start3A_587] : memref<200x8x32x8x128xf32, #tpu.memory_space<hbm>> -> memref<1x1x1x8x128xf32, #tpu.memory_space<hbm>>
      %dma_start3A_589 = tpu.memref_squeeze %dma_start3A_588 : memref<1x1x1x8x128xf32, #tpu.memory_space<hbm>> -> memref<8x128xf32, #tpu.memory_space<hbm>>
      %dma_start3A_590 = tpu.memref_slice %arg11[%dma_start3A_582] : memref<2x!tpu.dma_semaphore, #tpu.memory_space<semaphore_mem>> -> memref<1x!tpu.dma_semaphore, #tpu.memory_space<semaphore_mem>>
      %dma_start3A_591 = tpu.memref_squeeze %dma_start3A_590 : memref<1x!tpu.dma_semaphore, #tpu.memory_space<semaphore_mem>> -> memref<!tpu.dma_semaphore, #tpu.memory_space<semaphore_mem>>
      %dma_start3A_592 = arith.constant 0 : i32
      %dma_start3A_593 = arith.constant 0 : i32
      %dma_start3A_594 = tpu.memref_slice %arg4[%add3A_517, %dma_start3A_581, %add3A, %dma_start3A_592, %dma_start3A_593] : memref<200x8x32x8x128xf32, #tpu.memory_space<hbm>> -> memref<1x1x1x8x128xf32, #tpu.memory_space<hbm>>
      %dma_start3A_595 = tpu.memref_squeeze %dma_start3A_594 : memref<1x1x1x8x128xf32, #tpu.memory_space<hbm>> -> memref<8x128xf32, #tpu.memory_space<hbm>>
      %dma_start3A_596 = arith.constant 16 : i32
      %dma_start3A_597 = arith.constant 0 : i32
      %dma_start3A_598 = tpu.memref_slice %arg9[%dma_start3A_596, %dma_start3A_597] : memref<64x129xf32, #tpu.memory_space<vmem>> -> memref<8x128xf32, #tpu.memory_space<vmem>>
      tpu.enqueue_dma source(%dma_start3A_598 : memref<8x128xf32, #tpu.memory_space<vmem>>) target(%dma_start3A_595 : memref<8x128xf32, #tpu.memory_space<hbm>>) target_semaphore(%dma_start3A_591 : memref<!tpu.dma_semaphore, #tpu.memory_space<semaphore_mem>>)
      %dma_start3A_599 = arith.constant 3 : i32
      %dma_start3A_600 = arith.constant 1 : i32
      %dma_start3A_601 = arith.constant 24 : i32
      %dma_start3A_602 = arith.constant 0 : i32
      %dma_start3A_603 = tpu.memref_slice %arg9[%dma_start3A_601, %dma_start3A_602] : memref<64x129xf32, #tpu.memory_space<vmem>> -> memref<8x128xf32, #tpu.memory_space<vmem>>
      %dma_start3A_604 = arith.constant 0 : i32
      %dma_start3A_605 = arith.constant 0 : i32
      %dma_start3A_606 = tpu.memref_slice %arg4[%add3A_517, %dma_start3A_599, %add3A, %dma_start3A_604, %dma_start3A_605] : memref<200x8x32x8x128xf32, #tpu.memory_space<hbm>> -> memref<1x1x1x8x128xf32, #tpu.memory_space<hbm>>
      %dma_start3A_607 = tpu.memref_squeeze %dma_start3A_606 : memref<1x1x1x8x128xf32, #tpu.memory_space<hbm>> -> memref<8x128xf32, #tpu.memory_space<hbm>>
      %dma_start3A_608 = tpu.memref_slice %arg11[%dma_start3A_600] : memref<2x!tpu.dma_semaphore, #tpu.memory_space<semaphore_mem>> -> memref<1x!tpu.dma_semaphore, #tpu.memory_space<semaphore_mem>>
      %dma_start3A_609 = tpu.memref_squeeze %dma_start3A_608 : memref<1x!tpu.dma_semaphore, #tpu.memory_space<semaphore_mem>> -> memref<!tpu.dma_semaphore, #tpu.memory_space<semaphore_mem>>
      %dma_start3A_610 = arith.constant 0 : i32
      %dma_start3A_611 = arith.constant 0 : i32
      %dma_start3A_612 = tpu.memref_slice %arg4[%add3A_517, %dma_start3A_599, %add3A, %dma_start3A_610, %dma_start3A_611] : memref<200x8x32x8x128xf32, #tpu.memory_space<hbm>> -> memref<1x1x1x8x128xf32, #tpu.memory_space<hbm>>
      %dma_start3A_613 = tpu.memref_squeeze %dma_start3A_612 : memref<1x1x1x8x128xf32, #tpu.memory_space<hbm>> -> memref<8x128xf32, #tpu.memory_space<hbm>>
      %dma_start3A_614 = arith.constant 24 : i32
      %dma_start3A_615 = arith.constant 0 : i32
      %dma_start3A_616 = tpu.memref_slice %arg9[%dma_start3A_614, %dma_start3A_615] : memref<64x129xf32, #tpu.memory_space<vmem>> -> memref<8x128xf32, #tpu.memory_space<vmem>>
      tpu.enqueue_dma source(%dma_start3A_616 : memref<8x128xf32, #tpu.memory_space<vmem>>) target(%dma_start3A_613 : memref<8x128xf32, #tpu.memory_space<hbm>>) target_semaphore(%dma_start3A_609 : memref<!tpu.dma_semaphore, #tpu.memory_space<semaphore_mem>>)
      %dma_start3A_617 = arith.constant 4 : i32
      %dma_start3A_618 = arith.constant 1 : i32
      %dma_start3A_619 = arith.constant 32 : i32
      %dma_start3A_620 = arith.constant 0 : i32
      %dma_start3A_621 = tpu.memref_slice %arg9[%dma_start3A_619, %dma_start3A_620] : memref<64x129xf32, #tpu.memory_space<vmem>> -> memref<8x128xf32, #tpu.memory_space<vmem>>
      %dma_start3A_622 = arith.constant 0 : i32
      %dma_start3A_623 = arith.constant 0 : i32
      %dma_start3A_624 = tpu.memref_slice %arg4[%add3A_517, %dma_start3A_617, %add3A, %dma_start3A_622, %dma_start3A_623] : memref<200x8x32x8x128xf32, #tpu.memory_space<hbm>> -> memref<1x1x1x8x128xf32, #tpu.memory_space<hbm>>
      %dma_start3A_625 = tpu.memref_squeeze %dma_start3A_624 : memref<1x1x1x8x128xf32, #tpu.memory_space<hbm>> -> memref<8x128xf32, #tpu.memory_space<hbm>>
      %dma_start3A_626 = tpu.memref_slice %arg11[%dma_start3A_618] : memref<2x!tpu.dma_semaphore, #tpu.memory_space<semaphore_mem>> -> memref<1x!tpu.dma_semaphore, #tpu.memory_space<semaphore_mem>>
      %dma_start3A_627 = tpu.memref_squeeze %dma_start3A_626 : memref<1x!tpu.dma_semaphore, #tpu.memory_space<semaphore_mem>> -> memref<!tpu.dma_semaphore, #tpu.memory_space<semaphore_mem>>
      %dma_start3A_628 = arith.constant 0 : i32
      %dma_start3A_629 = arith.constant 0 : i32
      %dma_start3A_630 = tpu.memref_slice %arg4[%add3A_517, %dma_start3A_617, %add3A, %dma_start3A_628, %dma_start3A_629] : memref<200x8x32x8x128xf32, #tpu.memory_space<hbm>> -> memref<1x1x1x8x128xf32, #tpu.memory_space<hbm>>
      %dma_start3A_631 = tpu.memref_squeeze %dma_start3A_630 : memref<1x1x1x8x128xf32, #tpu.memory_space<hbm>> -> memref<8x128xf32, #tpu.memory_space<hbm>>
      %dma_start3A_632 = arith.constant 32 : i32
      %dma_start3A_633 = arith.constant 0 : i32
      %dma_start3A_634 = tpu.memref_slice %arg9[%dma_start3A_632, %dma_start3A_633] : memref<64x129xf32, #tpu.memory_space<vmem>> -> memref<8x128xf32, #tpu.memory_space<vmem>>
      tpu.enqueue_dma source(%dma_start3A_634 : memref<8x128xf32, #tpu.memory_space<vmem>>) target(%dma_start3A_631 : memref<8x128xf32, #tpu.memory_space<hbm>>) target_semaphore(%dma_start3A_627 : memref<!tpu.dma_semaphore, #tpu.memory_space<semaphore_mem>>)
      %dma_start3A_635 = arith.constant 5 : i32
      %dma_start3A_636 = arith.constant 1 : i32
      %dma_start3A_637 = arith.constant 40 : i32
      %dma_start3A_638 = arith.constant 0 : i32
      %dma_start3A_639 = tpu.memref_slice %arg9[%dma_start3A_637, %dma_start3A_638] : memref<64x129xf32, #tpu.memory_space<vmem>> -> memref<8x128xf32, #tpu.memory_space<vmem>>
      %dma_start3A_640 = arith.constant 0 : i32
      %dma_start3A_641 = arith.constant 0 : i32
      %dma_start3A_642 = tpu.memref_slice %arg4[%add3A_517, %dma_start3A_635, %add3A, %dma_start3A_640, %dma_start3A_641] : memref<200x8x32x8x128xf32, #tpu.memory_space<hbm>> -> memref<1x1x1x8x128xf32, #tpu.memory_space<hbm>>
      %dma_start3A_643 = tpu.memref_squeeze %dma_start3A_642 : memref<1x1x1x8x128xf32, #tpu.memory_space<hbm>> -> memref<8x128xf32, #tpu.memory_space<hbm>>
      %dma_start3A_644 = tpu.memref_slice %arg11[%dma_start3A_636] : memref<2x!tpu.dma_semaphore, #tpu.memory_space<semaphore_mem>> -> memref<1x!tpu.dma_semaphore, #tpu.memory_space<semaphore_mem>>
      %dma_start3A_645 = tpu.memref_squeeze %dma_start3A_644 : memref<1x!tpu.dma_semaphore, #tpu.memory_space<semaphore_mem>> -> memref<!tpu.dma_semaphore, #tpu.memory_space<semaphore_mem>>
      %dma_start3A_646 = arith.constant 0 : i32
      %dma_start3A_647 = arith.constant 0 : i32
      %dma_start3A_648 = tpu.memref_slice %arg4[%add3A_517, %dma_start3A_635, %add3A, %dma_start3A_646, %dma_start3A_647] : memref<200x8x32x8x128xf32, #tpu.memory_space<hbm>> -> memref<1x1x1x8x128xf32, #tpu.memory_space<hbm>>
      %dma_start3A_649 = tpu.memref_squeeze %dma_start3A_648 : memref<1x1x1x8x128xf32, #tpu.memory_space<hbm>> -> memref<8x128xf32, #tpu.memory_space<hbm>>
      %dma_start3A_650 = arith.constant 40 : i32
      %dma_start3A_651 = arith.constant 0 : i32
      %dma_start3A_652 = tpu.memref_slice %arg9[%dma_start3A_650, %dma_start3A_651] : memref<64x129xf32, #tpu.memory_space<vmem>> -> memref<8x128xf32, #tpu.memory_space<vmem>>
      tpu.enqueue_dma source(%dma_start3A_652 : memref<8x128xf32, #tpu.memory_space<vmem>>) target(%dma_start3A_649 : memref<8x128xf32, #tpu.memory_space<hbm>>) target_semaphore(%dma_start3A_645 : memref<!tpu.dma_semaphore, #tpu.memory_space<semaphore_mem>>)
      %dma_start3A_653 = arith.constant 6 : i32
      %dma_start3A_654 = arith.constant 1 : i32
      %dma_start3A_655 = arith.constant 48 : i32
      %dma_start3A_656 = arith.constant 0 : i32
      %dma_start3A_657 = tpu.memref_slice %arg9[%dma_start3A_655, %dma_start3A_656] : memref<64x129xf32, #tpu.memory_space<vmem>> -> memref<8x128xf32, #tpu.memory_space<vmem>>
      %dma_start3A_658 = arith.constant 0 : i32
      %dma_start3A_659 = arith.constant 0 : i32
      %dma_start3A_660 = tpu.memref_slice %arg4[%add3A_517, %dma_start3A_653, %add3A, %dma_start3A_658, %dma_start3A_659] : memref<200x8x32x8x128xf32, #tpu.memory_space<hbm>> -> memref<1x1x1x8x128xf32, #tpu.memory_space<hbm>>
      %dma_start3A_661 = tpu.memref_squeeze %dma_start3A_660 : memref<1x1x1x8x128xf32, #tpu.memory_space<hbm>> -> memref<8x128xf32, #tpu.memory_space<hbm>>
      %dma_start3A_662 = tpu.memref_slice %arg11[%dma_start3A_654] : memref<2x!tpu.dma_semaphore, #tpu.memory_space<semaphore_mem>> -> memref<1x!tpu.dma_semaphore, #tpu.memory_space<semaphore_mem>>
      %dma_start3A_663 = tpu.memref_squeeze %dma_start3A_662 : memref<1x!tpu.dma_semaphore, #tpu.memory_space<semaphore_mem>> -> memref<!tpu.dma_semaphore, #tpu.memory_space<semaphore_mem>>
      %dma_start3A_664 = arith.constant 0 : i32
      %dma_start3A_665 = arith.constant 0 : i32
      %dma_start3A_666 = tpu.memref_slice %arg4[%add3A_517, %dma_start3A_653, %add3A, %dma_start3A_664, %dma_start3A_665] : memref<200x8x32x8x128xf32, #tpu.memory_space<hbm>> -> memref<1x1x1x8x128xf32, #tpu.memory_space<hbm>>
      %dma_start3A_667 = tpu.memref_squeeze %dma_start3A_666 : memref<1x1x1x8x128xf32, #tpu.memory_space<hbm>> -> memref<8x128xf32, #tpu.memory_space<hbm>>
      %dma_start3A_668 = arith.constant 48 : i32
      %dma_start3A_669 = arith.constant 0 : i32
      %dma_start3A_670 = tpu.memref_slice %arg9[%dma_start3A_668, %dma_start3A_669] : memref<64x129xf32, #tpu.memory_space<vmem>> -> memref<8x128xf32, #tpu.memory_space<vmem>>
      tpu.enqueue_dma source(%dma_start3A_670 : memref<8x128xf32, #tpu.memory_space<vmem>>) target(%dma_start3A_667 : memref<8x128xf32, #tpu.memory_space<hbm>>) target_semaphore(%dma_start3A_663 : memref<!tpu.dma_semaphore, #tpu.memory_space<semaphore_mem>>)
      %dma_start3A_671 = arith.constant 7 : i32
      %dma_start3A_672 = arith.constant 1 : i32
      %dma_start3A_673 = arith.constant 56 : i32
      %dma_start3A_674 = arith.constant 0 : i32
      %dma_start3A_675 = tpu.memref_slice %arg9[%dma_start3A_673, %dma_start3A_674] : memref<64x129xf32, #tpu.memory_space<vmem>> -> memref<8x128xf32, #tpu.memory_space<vmem>>
      %dma_start3A_676 = arith.constant 0 : i32
      %dma_start3A_677 = arith.constant 0 : i32
      %dma_start3A_678 = tpu.memref_slice %arg4[%add3A_517, %dma_start3A_671, %add3A, %dma_start3A_676, %dma_start3A_677] : memref<200x8x32x8x128xf32, #tpu.memory_space<hbm>> -> memref<1x1x1x8x128xf32, #tpu.memory_space<hbm>>
      %dma_start3A_679 = tpu.memref_squeeze %dma_start3A_678 : memref<1x1x1x8x128xf32, #tpu.memory_space<hbm>> -> memref<8x128xf32, #tpu.memory_space<hbm>>
      %dma_start3A_680 = tpu.memref_slice %arg11[%dma_start3A_672] : memref<2x!tpu.dma_semaphore, #tpu.memory_space<semaphore_mem>> -> memref<1x!tpu.dma_semaphore, #tpu.memory_space<semaphore_mem>>
      %dma_start3A_681 = tpu.memref_squeeze %dma_start3A_680 : memref<1x!tpu.dma_semaphore, #tpu.memory_space<semaphore_mem>> -> memref<!tpu.dma_semaphore, #tpu.memory_space<semaphore_mem>>
      %dma_start3A_682 = arith.constant 0 : i32
      %dma_start3A_683 = arith.constant 0 : i32
      %dma_start3A_684 = tpu.memref_slice %arg4[%add3A_517, %dma_start3A_671, %add3A, %dma_start3A_682, %dma_start3A_683] : memref<200x8x32x8x128xf32, #tpu.memory_space<hbm>> -> memref<1x1x1x8x128xf32, #tpu.memory_space<hbm>>
      %dma_start3A_685 = tpu.memref_squeeze %dma_start3A_684 : memref<1x1x1x8x128xf32, #tpu.memory_space<hbm>> -> memref<8x128xf32, #tpu.memory_space<hbm>>
      %dma_start3A_686 = arith.constant 56 : i32
      %dma_start3A_687 = arith.constant 0 : i32
      %dma_start3A_688 = tpu.memref_slice %arg9[%dma_start3A_686, %dma_start3A_687] : memref<64x129xf32, #tpu.memory_space<vmem>> -> memref<8x128xf32, #tpu.memory_space<vmem>>
      tpu.enqueue_dma source(%dma_start3A_688 : memref<8x128xf32, #tpu.memory_space<vmem>>) target(%dma_start3A_685 : memref<8x128xf32, #tpu.memory_space<hbm>>) target_semaphore(%dma_start3A_681 : memref<!tpu.dma_semaphore, #tpu.memory_space<semaphore_mem>>)
    }
    %scan3A_38 = arith.constant 100 : i32
    %dma_wait3A = arith.constant 198 : i32
    %dma_wait3A_39 = arith.constant 0 : i32
    %dma_wait3A_40 = arith.constant 0 : i32
    %dma_wait3A_41 = arith.constant 0 : i32
    %dma_wait3A_42 = arith.constant 0 : i32
    %dma_wait3A_43 = tpu.memref_slice %arg8[%dma_wait3A_41, %dma_wait3A_42] : memref<64x129xf32, #tpu.memory_space<vmem>> -> memref<8x128xf32, #tpu.memory_space<vmem>>
    %dma_wait3A_44 = arith.constant 0 : i32
    %dma_wait3A_45 = arith.constant 0 : i32
    %dma_wait3A_46 = tpu.memref_slice %arg4[%dma_wait3A, %dma_wait3A_39, %add3A, %dma_wait3A_44, %dma_wait3A_45] : memref<200x8x32x8x128xf32, #tpu.memory_space<hbm>> -> memref<1x1x1x8x128xf32, #tpu.memory_space<hbm>>
    %dma_wait3A_47 = tpu.memref_squeeze %dma_wait3A_46 : memref<1x1x1x8x128xf32, #tpu.memory_space<hbm>> -> memref<8x128xf32, #tpu.memory_space<hbm>>
    %dma_wait3A_48 = tpu.memref_slice %arg11[%dma_wait3A_40] : memref<2x!tpu.dma_semaphore, #tpu.memory_space<semaphore_mem>> -> memref<1x!tpu.dma_semaphore, #tpu.memory_space<semaphore_mem>>
    %dma_wait3A_49 = tpu.memref_squeeze %dma_wait3A_48 : memref<1x!tpu.dma_semaphore, #tpu.memory_space<semaphore_mem>> -> memref<!tpu.dma_semaphore, #tpu.memory_space<semaphore_mem>>
    %dma_wait3A_50 = arith.constant 0 : i32
    %dma_wait3A_51 = arith.constant 0 : i32
    %dma_wait3A_52 = tpu.memref_slice %arg4[%dma_wait3A, %dma_wait3A_39, %add3A, %dma_wait3A_50, %dma_wait3A_51] : memref<200x8x32x8x128xf32, #tpu.memory_space<hbm>> -> memref<1x1x1x8x128xf32, #tpu.memory_space<hbm>>
    %dma_wait3A_53 = tpu.memref_squeeze %dma_wait3A_52 : memref<1x1x1x8x128xf32, #tpu.memory_space<hbm>> -> memref<8x128xf32, #tpu.memory_space<hbm>>
    %dma_wait3A_54 = arith.constant 0 : i32
    %dma_wait3A_55 = arith.constant 0 : i32
    %dma_wait3A_56 = tpu.memref_slice %arg8[%dma_wait3A_54, %dma_wait3A_55] : memref<64x129xf32, #tpu.memory_space<vmem>> -> memref<8x128xf32, #tpu.memory_space<vmem>>
    tpu.wait_dma2 semaphore(%dma_wait3A_49 : memref<!tpu.dma_semaphore, #tpu.memory_space<semaphore_mem>>) src(%dma_wait3A_56 : memref<8x128xf32, #tpu.memory_space<vmem>>) dst(%dma_wait3A_53 : memref<8x128xf32, #tpu.memory_space<hbm>>)
    %dma_wait3A_57 = arith.constant 198 : i32
    %dma_wait3A_58 = arith.constant 1 : i32
    %dma_wait3A_59 = arith.constant 0 : i32
    %dma_wait3A_60 = arith.constant 8 : i32
    %dma_wait3A_61 = arith.constant 0 : i32
    %dma_wait3A_62 = tpu.memref_slice %arg8[%dma_wait3A_60, %dma_wait3A_61] : memref<64x129xf32, #tpu.memory_space<vmem>> -> memref<8x128xf32, #tpu.memory_space<vmem>>
    %dma_wait3A_63 = arith.constant 0 : i32
    %dma_wait3A_64 = arith.constant 0 : i32
    %dma_wait3A_65 = tpu.memref_slice %arg4[%dma_wait3A_57, %dma_wait3A_58, %add3A, %dma_wait3A_63, %dma_wait3A_64] : memref<200x8x32x8x128xf32, #tpu.memory_space<hbm>> -> memref<1x1x1x8x128xf32, #tpu.memory_space<hbm>>
    %dma_wait3A_66 = tpu.memref_squeeze %dma_wait3A_65 : memref<1x1x1x8x128xf32, #tpu.memory_space<hbm>> -> memref<8x128xf32, #tpu.memory_space<hbm>>
    %dma_wait3A_67 = tpu.memref_slice %arg11[%dma_wait3A_59] : memref<2x!tpu.dma_semaphore, #tpu.memory_space<semaphore_mem>> -> memref<1x!tpu.dma_semaphore, #tpu.memory_space<semaphore_mem>>
    %dma_wait3A_68 = tpu.memref_squeeze %dma_wait3A_67 : memref<1x!tpu.dma_semaphore, #tpu.memory_space<semaphore_mem>> -> memref<!tpu.dma_semaphore, #tpu.memory_space<semaphore_mem>>
    %dma_wait3A_69 = arith.constant 0 : i32
    %dma_wait3A_70 = arith.constant 0 : i32
    %dma_wait3A_71 = tpu.memref_slice %arg4[%dma_wait3A_57, %dma_wait3A_58, %add3A, %dma_wait3A_69, %dma_wait3A_70] : memref<200x8x32x8x128xf32, #tpu.memory_space<hbm>> -> memref<1x1x1x8x128xf32, #tpu.memory_space<hbm>>
    %dma_wait3A_72 = tpu.memref_squeeze %dma_wait3A_71 : memref<1x1x1x8x128xf32, #tpu.memory_space<hbm>> -> memref<8x128xf32, #tpu.memory_space<hbm>>
    %dma_wait3A_73 = arith.constant 8 : i32
    %dma_wait3A_74 = arith.constant 0 : i32
    %dma_wait3A_75 = tpu.memref_slice %arg8[%dma_wait3A_73, %dma_wait3A_74] : memref<64x129xf32, #tpu.memory_space<vmem>> -> memref<8x128xf32, #tpu.memory_space<vmem>>
    tpu.wait_dma2 semaphore(%dma_wait3A_68 : memref<!tpu.dma_semaphore, #tpu.memory_space<semaphore_mem>>) src(%dma_wait3A_75 : memref<8x128xf32, #tpu.memory_space<vmem>>) dst(%dma_wait3A_72 : memref<8x128xf32, #tpu.memory_space<hbm>>)
    %dma_wait3A_76 = arith.constant 198 : i32
    %dma_wait3A_77 = arith.constant 2 : i32
    %dma_wait3A_78 = arith.constant 0 : i32
    %dma_wait3A_79 = arith.constant 16 : i32
    %dma_wait3A_80 = arith.constant 0 : i32
    %dma_wait3A_81 = tpu.memref_slice %arg8[%dma_wait3A_79, %dma_wait3A_80] : memref<64x129xf32, #tpu.memory_space<vmem>> -> memref<8x128xf32, #tpu.memory_space<vmem>>
    %dma_wait3A_82 = arith.constant 0 : i32
    %dma_wait3A_83 = arith.constant 0 : i32
    %dma_wait3A_84 = tpu.memref_slice %arg4[%dma_wait3A_76, %dma_wait3A_77, %add3A, %dma_wait3A_82, %dma_wait3A_83] : memref<200x8x32x8x128xf32, #tpu.memory_space<hbm>> -> memref<1x1x1x8x128xf32, #tpu.memory_space<hbm>>
    %dma_wait3A_85 = tpu.memref_squeeze %dma_wait3A_84 : memref<1x1x1x8x128xf32, #tpu.memory_space<hbm>> -> memref<8x128xf32, #tpu.memory_space<hbm>>
    %dma_wait3A_86 = tpu.memref_slice %arg11[%dma_wait3A_78] : memref<2x!tpu.dma_semaphore, #tpu.memory_space<semaphore_mem>> -> memref<1x!tpu.dma_semaphore, #tpu.memory_space<semaphore_mem>>
    %dma_wait3A_87 = tpu.memref_squeeze %dma_wait3A_86 : memref<1x!tpu.dma_semaphore, #tpu.memory_space<semaphore_mem>> -> memref<!tpu.dma_semaphore, #tpu.memory_space<semaphore_mem>>
    %dma_wait3A_88 = arith.constant 0 : i32
    %dma_wait3A_89 = arith.constant 0 : i32
    %dma_wait3A_90 = tpu.memref_slice %arg4[%dma_wait3A_76, %dma_wait3A_77, %add3A, %dma_wait3A_88, %dma_wait3A_89] : memref<200x8x32x8x128xf32, #tpu.memory_space<hbm>> -> memref<1x1x1x8x128xf32, #tpu.memory_space<hbm>>
    %dma_wait3A_91 = tpu.memref_squeeze %dma_wait3A_90 : memref<1x1x1x8x128xf32, #tpu.memory_space<hbm>> -> memref<8x128xf32, #tpu.memory_space<hbm>>
    %dma_wait3A_92 = arith.constant 16 : i32
    %dma_wait3A_93 = arith.constant 0 : i32
    %dma_wait3A_94 = tpu.memref_slice %arg8[%dma_wait3A_92, %dma_wait3A_93] : memref<64x129xf32, #tpu.memory_space<vmem>> -> memref<8x128xf32, #tpu.memory_space<vmem>>
    tpu.wait_dma2 semaphore(%dma_wait3A_87 : memref<!tpu.dma_semaphore, #tpu.memory_space<semaphore_mem>>) src(%dma_wait3A_94 : memref<8x128xf32, #tpu.memory_space<vmem>>) dst(%dma_wait3A_91 : memref<8x128xf32, #tpu.memory_space<hbm>>)
    %dma_wait3A_95 = arith.constant 198 : i32
    %dma_wait3A_96 = arith.constant 3 : i32
    %dma_wait3A_97 = arith.constant 0 : i32
    %dma_wait3A_98 = arith.constant 24 : i32
    %dma_wait3A_99 = arith.constant 0 : i32
    %dma_wait3A_100 = tpu.memref_slice %arg8[%dma_wait3A_98, %dma_wait3A_99] : memref<64x129xf32, #tpu.memory_space<vmem>> -> memref<8x128xf32, #tpu.memory_space<vmem>>
    %dma_wait3A_101 = arith.constant 0 : i32
    %dma_wait3A_102 = arith.constant 0 : i32
    %dma_wait3A_103 = tpu.memref_slice %arg4[%dma_wait3A_95, %dma_wait3A_96, %add3A, %dma_wait3A_101, %dma_wait3A_102] : memref<200x8x32x8x128xf32, #tpu.memory_space<hbm>> -> memref<1x1x1x8x128xf32, #tpu.memory_space<hbm>>
    %dma_wait3A_104 = tpu.memref_squeeze %dma_wait3A_103 : memref<1x1x1x8x128xf32, #tpu.memory_space<hbm>> -> memref<8x128xf32, #tpu.memory_space<hbm>>
    %dma_wait3A_105 = tpu.memref_slice %arg11[%dma_wait3A_97] : memref<2x!tpu.dma_semaphore, #tpu.memory_space<semaphore_mem>> -> memref<1x!tpu.dma_semaphore, #tpu.memory_space<semaphore_mem>>
    %dma_wait3A_106 = tpu.memref_squeeze %dma_wait3A_105 : memref<1x!tpu.dma_semaphore, #tpu.memory_space<semaphore_mem>> -> memref<!tpu.dma_semaphore, #tpu.memory_space<semaphore_mem>>
    %dma_wait3A_107 = arith.constant 0 : i32
    %dma_wait3A_108 = arith.constant 0 : i32
    %dma_wait3A_109 = tpu.memref_slice %arg4[%dma_wait3A_95, %dma_wait3A_96, %add3A, %dma_wait3A_107, %dma_wait3A_108] : memref<200x8x32x8x128xf32, #tpu.memory_space<hbm>> -> memref<1x1x1x8x128xf32, #tpu.memory_space<hbm>>
    %dma_wait3A_110 = tpu.memref_squeeze %dma_wait3A_109 : memref<1x1x1x8x128xf32, #tpu.memory_space<hbm>> -> memref<8x128xf32, #tpu.memory_space<hbm>>
    %dma_wait3A_111 = arith.constant 24 : i32
    %dma_wait3A_112 = arith.constant 0 : i32
    %dma_wait3A_113 = tpu.memref_slice %arg8[%dma_wait3A_111, %dma_wait3A_112] : memref<64x129xf32, #tpu.memory_space<vmem>> -> memref<8x128xf32, #tpu.memory_space<vmem>>
    tpu.wait_dma2 semaphore(%dma_wait3A_106 : memref<!tpu.dma_semaphore, #tpu.memory_space<semaphore_mem>>) src(%dma_wait3A_113 : memref<8x128xf32, #tpu.memory_space<vmem>>) dst(%dma_wait3A_110 : memref<8x128xf32, #tpu.memory_space<hbm>>)
    %dma_wait3A_114 = arith.constant 198 : i32
    %dma_wait3A_115 = arith.constant 4 : i32
    %dma_wait3A_116 = arith.constant 0 : i32
    %dma_wait3A_117 = arith.constant 32 : i32
    %dma_wait3A_118 = arith.constant 0 : i32
    %dma_wait3A_119 = tpu.memref_slice %arg8[%dma_wait3A_117, %dma_wait3A_118] : memref<64x129xf32, #tpu.memory_space<vmem>> -> memref<8x128xf32, #tpu.memory_space<vmem>>
    %dma_wait3A_120 = arith.constant 0 : i32
    %dma_wait3A_121 = arith.constant 0 : i32
    %dma_wait3A_122 = tpu.memref_slice %arg4[%dma_wait3A_114, %dma_wait3A_115, %add3A, %dma_wait3A_120, %dma_wait3A_121] : memref<200x8x32x8x128xf32, #tpu.memory_space<hbm>> -> memref<1x1x1x8x128xf32, #tpu.memory_space<hbm>>
    %dma_wait3A_123 = tpu.memref_squeeze %dma_wait3A_122 : memref<1x1x1x8x128xf32, #tpu.memory_space<hbm>> -> memref<8x128xf32, #tpu.memory_space<hbm>>
    %dma_wait3A_124 = tpu.memref_slice %arg11[%dma_wait3A_116] : memref<2x!tpu.dma_semaphore, #tpu.memory_space<semaphore_mem>> -> memref<1x!tpu.dma_semaphore, #tpu.memory_space<semaphore_mem>>
    %dma_wait3A_125 = tpu.memref_squeeze %dma_wait3A_124 : memref<1x!tpu.dma_semaphore, #tpu.memory_space<semaphore_mem>> -> memref<!tpu.dma_semaphore, #tpu.memory_space<semaphore_mem>>
    %dma_wait3A_126 = arith.constant 0 : i32
    %dma_wait3A_127 = arith.constant 0 : i32
    %dma_wait3A_128 = tpu.memref_slice %arg4[%dma_wait3A_114, %dma_wait3A_115, %add3A, %dma_wait3A_126, %dma_wait3A_127] : memref<200x8x32x8x128xf32, #tpu.memory_space<hbm>> -> memref<1x1x1x8x128xf32, #tpu.memory_space<hbm>>
    %dma_wait3A_129 = tpu.memref_squeeze %dma_wait3A_128 : memref<1x1x1x8x128xf32, #tpu.memory_space<hbm>> -> memref<8x128xf32, #tpu.memory_space<hbm>>
    %dma_wait3A_130 = arith.constant 32 : i32
    %dma_wait3A_131 = arith.constant 0 : i32
    %dma_wait3A_132 = tpu.memref_slice %arg8[%dma_wait3A_130, %dma_wait3A_131] : memref<64x129xf32, #tpu.memory_space<vmem>> -> memref<8x128xf32, #tpu.memory_space<vmem>>
    tpu.wait_dma2 semaphore(%dma_wait3A_125 : memref<!tpu.dma_semaphore, #tpu.memory_space<semaphore_mem>>) src(%dma_wait3A_132 : memref<8x128xf32, #tpu.memory_space<vmem>>) dst(%dma_wait3A_129 : memref<8x128xf32, #tpu.memory_space<hbm>>)
    %dma_wait3A_133 = arith.constant 198 : i32
    %dma_wait3A_134 = arith.constant 5 : i32
    %dma_wait3A_135 = arith.constant 0 : i32
    %dma_wait3A_136 = arith.constant 40 : i32
    %dma_wait3A_137 = arith.constant 0 : i32
    %dma_wait3A_138 = tpu.memref_slice %arg8[%dma_wait3A_136, %dma_wait3A_137] : memref<64x129xf32, #tpu.memory_space<vmem>> -> memref<8x128xf32, #tpu.memory_space<vmem>>
    %dma_wait3A_139 = arith.constant 0 : i32
    %dma_wait3A_140 = arith.constant 0 : i32
    %dma_wait3A_141 = tpu.memref_slice %arg4[%dma_wait3A_133, %dma_wait3A_134, %add3A, %dma_wait3A_139, %dma_wait3A_140] : memref<200x8x32x8x128xf32, #tpu.memory_space<hbm>> -> memref<1x1x1x8x128xf32, #tpu.memory_space<hbm>>
    %dma_wait3A_142 = tpu.memref_squeeze %dma_wait3A_141 : memref<1x1x1x8x128xf32, #tpu.memory_space<hbm>> -> memref<8x128xf32, #tpu.memory_space<hbm>>
    %dma_wait3A_143 = tpu.memref_slice %arg11[%dma_wait3A_135] : memref<2x!tpu.dma_semaphore, #tpu.memory_space<semaphore_mem>> -> memref<1x!tpu.dma_semaphore, #tpu.memory_space<semaphore_mem>>
    %dma_wait3A_144 = tpu.memref_squeeze %dma_wait3A_143 : memref<1x!tpu.dma_semaphore, #tpu.memory_space<semaphore_mem>> -> memref<!tpu.dma_semaphore, #tpu.memory_space<semaphore_mem>>
    %dma_wait3A_145 = arith.constant 0 : i32
    %dma_wait3A_146 = arith.constant 0 : i32
    %dma_wait3A_147 = tpu.memref_slice %arg4[%dma_wait3A_133, %dma_wait3A_134, %add3A, %dma_wait3A_145, %dma_wait3A_146] : memref<200x8x32x8x128xf32, #tpu.memory_space<hbm>> -> memref<1x1x1x8x128xf32, #tpu.memory_space<hbm>>
    %dma_wait3A_148 = tpu.memref_squeeze %dma_wait3A_147 : memref<1x1x1x8x128xf32, #tpu.memory_space<hbm>> -> memref<8x128xf32, #tpu.memory_space<hbm>>
    %dma_wait3A_149 = arith.constant 40 : i32
    %dma_wait3A_150 = arith.constant 0 : i32
    %dma_wait3A_151 = tpu.memref_slice %arg8[%dma_wait3A_149, %dma_wait3A_150] : memref<64x129xf32, #tpu.memory_space<vmem>> -> memref<8x128xf32, #tpu.memory_space<vmem>>
    tpu.wait_dma2 semaphore(%dma_wait3A_144 : memref<!tpu.dma_semaphore, #tpu.memory_space<semaphore_mem>>) src(%dma_wait3A_151 : memref<8x128xf32, #tpu.memory_space<vmem>>) dst(%dma_wait3A_148 : memref<8x128xf32, #tpu.memory_space<hbm>>)
    %dma_wait3A_152 = arith.constant 198 : i32
    %dma_wait3A_153 = arith.constant 6 : i32
    %dma_wait3A_154 = arith.constant 0 : i32
    %dma_wait3A_155 = arith.constant 48 : i32
    %dma_wait3A_156 = arith.constant 0 : i32
    %dma_wait3A_157 = tpu.memref_slice %arg8[%dma_wait3A_155, %dma_wait3A_156] : memref<64x129xf32, #tpu.memory_space<vmem>> -> memref<8x128xf32, #tpu.memory_space<vmem>>
    %dma_wait3A_158 = arith.constant 0 : i32
    %dma_wait3A_159 = arith.constant 0 : i32
    %dma_wait3A_160 = tpu.memref_slice %arg4[%dma_wait3A_152, %dma_wait3A_153, %add3A, %dma_wait3A_158, %dma_wait3A_159] : memref<200x8x32x8x128xf32, #tpu.memory_space<hbm>> -> memref<1x1x1x8x128xf32, #tpu.memory_space<hbm>>
    %dma_wait3A_161 = tpu.memref_squeeze %dma_wait3A_160 : memref<1x1x1x8x128xf32, #tpu.memory_space<hbm>> -> memref<8x128xf32, #tpu.memory_space<hbm>>
    %dma_wait3A_162 = tpu.memref_slice %arg11[%dma_wait3A_154] : memref<2x!tpu.dma_semaphore, #tpu.memory_space<semaphore_mem>> -> memref<1x!tpu.dma_semaphore, #tpu.memory_space<semaphore_mem>>
    %dma_wait3A_163 = tpu.memref_squeeze %dma_wait3A_162 : memref<1x!tpu.dma_semaphore, #tpu.memory_space<semaphore_mem>> -> memref<!tpu.dma_semaphore, #tpu.memory_space<semaphore_mem>>
    %dma_wait3A_164 = arith.constant 0 : i32
    %dma_wait3A_165 = arith.constant 0 : i32
    %dma_wait3A_166 = tpu.memref_slice %arg4[%dma_wait3A_152, %dma_wait3A_153, %add3A, %dma_wait3A_164, %dma_wait3A_165] : memref<200x8x32x8x128xf32, #tpu.memory_space<hbm>> -> memref<1x1x1x8x128xf32, #tpu.memory_space<hbm>>
    %dma_wait3A_167 = tpu.memref_squeeze %dma_wait3A_166 : memref<1x1x1x8x128xf32, #tpu.memory_space<hbm>> -> memref<8x128xf32, #tpu.memory_space<hbm>>
    %dma_wait3A_168 = arith.constant 48 : i32
    %dma_wait3A_169 = arith.constant 0 : i32
    %dma_wait3A_170 = tpu.memref_slice %arg8[%dma_wait3A_168, %dma_wait3A_169] : memref<64x129xf32, #tpu.memory_space<vmem>> -> memref<8x128xf32, #tpu.memory_space<vmem>>
    tpu.wait_dma2 semaphore(%dma_wait3A_163 : memref<!tpu.dma_semaphore, #tpu.memory_space<semaphore_mem>>) src(%dma_wait3A_170 : memref<8x128xf32, #tpu.memory_space<vmem>>) dst(%dma_wait3A_167 : memref<8x128xf32, #tpu.memory_space<hbm>>)
    %dma_wait3A_171 = arith.constant 198 : i32
    %dma_wait3A_172 = arith.constant 7 : i32
    %dma_wait3A_173 = arith.constant 0 : i32
    %dma_wait3A_174 = arith.constant 56 : i32
    %dma_wait3A_175 = arith.constant 0 : i32
    %dma_wait3A_176 = tpu.memref_slice %arg8[%dma_wait3A_174, %dma_wait3A_175] : memref<64x129xf32, #tpu.memory_space<vmem>> -> memref<8x128xf32, #tpu.memory_space<vmem>>
    %dma_wait3A_177 = arith.constant 0 : i32
    %dma_wait3A_178 = arith.constant 0 : i32
    %dma_wait3A_179 = tpu.memref_slice %arg4[%dma_wait3A_171, %dma_wait3A_172, %add3A, %dma_wait3A_177, %dma_wait3A_178] : memref<200x8x32x8x128xf32, #tpu.memory_space<hbm>> -> memref<1x1x1x8x128xf32, #tpu.memory_space<hbm>>
    %dma_wait3A_180 = tpu.memref_squeeze %dma_wait3A_179 : memref<1x1x1x8x128xf32, #tpu.memory_space<hbm>> -> memref<8x128xf32, #tpu.memory_space<hbm>>
    %dma_wait3A_181 = tpu.memref_slice %arg11[%dma_wait3A_173] : memref<2x!tpu.dma_semaphore, #tpu.memory_space<semaphore_mem>> -> memref<1x!tpu.dma_semaphore, #tpu.memory_space<semaphore_mem>>
    %dma_wait3A_182 = tpu.memref_squeeze %dma_wait3A_181 : memref<1x!tpu.dma_semaphore, #tpu.memory_space<semaphore_mem>> -> memref<!tpu.dma_semaphore, #tpu.memory_space<semaphore_mem>>
    %dma_wait3A_183 = arith.constant 0 : i32
    %dma_wait3A_184 = arith.constant 0 : i32
    %dma_wait3A_185 = tpu.memref_slice %arg4[%dma_wait3A_171, %dma_wait3A_172, %add3A, %dma_wait3A_183, %dma_wait3A_184] : memref<200x8x32x8x128xf32, #tpu.memory_space<hbm>> -> memref<1x1x1x8x128xf32, #tpu.memory_space<hbm>>
    %dma_wait3A_186 = tpu.memref_squeeze %dma_wait3A_185 : memref<1x1x1x8x128xf32, #tpu.memory_space<hbm>> -> memref<8x128xf32, #tpu.memory_space<hbm>>
    %dma_wait3A_187 = arith.constant 56 : i32
    %dma_wait3A_188 = arith.constant 0 : i32
    %dma_wait3A_189 = tpu.memref_slice %arg8[%dma_wait3A_187, %dma_wait3A_188] : memref<64x129xf32, #tpu.memory_space<vmem>> -> memref<8x128xf32, #tpu.memory_space<vmem>>
    tpu.wait_dma2 semaphore(%dma_wait3A_182 : memref<!tpu.dma_semaphore, #tpu.memory_space<semaphore_mem>>) src(%dma_wait3A_189 : memref<8x128xf32, #tpu.memory_space<vmem>>) dst(%dma_wait3A_186 : memref<8x128xf32, #tpu.memory_space<hbm>>)
    %dma_wait3A_190 = arith.constant 199 : i32
    %dma_wait3A_191 = arith.constant 0 : i32
    %dma_wait3A_192 = arith.constant 1 : i32
    %dma_wait3A_193 = arith.constant 0 : i32
    %dma_wait3A_194 = arith.constant 0 : i32
    %dma_wait3A_195 = tpu.memref_slice %arg9[%dma_wait3A_193, %dma_wait3A_194] : memref<64x129xf32, #tpu.memory_space<vmem>> -> memref<8x128xf32, #tpu.memory_space<vmem>>
    %dma_wait3A_196 = arith.constant 0 : i32
    %dma_wait3A_197 = arith.constant 0 : i32
    %dma_wait3A_198 = tpu.memref_slice %arg4[%dma_wait3A_190, %dma_wait3A_191, %add3A, %dma_wait3A_196, %dma_wait3A_197] : memref<200x8x32x8x128xf32, #tpu.memory_space<hbm>> -> memref<1x1x1x8x128xf32, #tpu.memory_space<hbm>>
    %dma_wait3A_199 = tpu.memref_squeeze %dma_wait3A_198 : memref<1x1x1x8x128xf32, #tpu.memory_space<hbm>> -> memref<8x128xf32, #tpu.memory_space<hbm>>
    %dma_wait3A_200 = tpu.memref_slice %arg11[%dma_wait3A_192] : memref<2x!tpu.dma_semaphore, #tpu.memory_space<semaphore_mem>> -> memref<1x!tpu.dma_semaphore, #tpu.memory_space<semaphore_mem>>
    %dma_wait3A_201 = tpu.memref_squeeze %dma_wait3A_200 : memref<1x!tpu.dma_semaphore, #tpu.memory_space<semaphore_mem>> -> memref<!tpu.dma_semaphore, #tpu.memory_space<semaphore_mem>>
    %dma_wait3A_202 = arith.constant 0 : i32
    %dma_wait3A_203 = arith.constant 0 : i32
    %dma_wait3A_204 = tpu.memref_slice %arg4[%dma_wait3A_190, %dma_wait3A_191, %add3A, %dma_wait3A_202, %dma_wait3A_203] : memref<200x8x32x8x128xf32, #tpu.memory_space<hbm>> -> memref<1x1x1x8x128xf32, #tpu.memory_space<hbm>>
    %dma_wait3A_205 = tpu.memref_squeeze %dma_wait3A_204 : memref<1x1x1x8x128xf32, #tpu.memory_space<hbm>> -> memref<8x128xf32, #tpu.memory_space<hbm>>
    %dma_wait3A_206 = arith.constant 0 : i32
    %dma_wait3A_207 = arith.constant 0 : i32
    %dma_wait3A_208 = tpu.memref_slice %arg9[%dma_wait3A_206, %dma_wait3A_207] : memref<64x129xf32, #tpu.memory_space<vmem>> -> memref<8x128xf32, #tpu.memory_space<vmem>>
    tpu.wait_dma2 semaphore(%dma_wait3A_201 : memref<!tpu.dma_semaphore, #tpu.memory_space<semaphore_mem>>) src(%dma_wait3A_208 : memref<8x128xf32, #tpu.memory_space<vmem>>) dst(%dma_wait3A_205 : memref<8x128xf32, #tpu.memory_space<hbm>>)
    %dma_wait3A_209 = arith.constant 199 : i32
    %dma_wait3A_210 = arith.constant 1 : i32
    %dma_wait3A_211 = arith.constant 1 : i32
    %dma_wait3A_212 = arith.constant 8 : i32
    %dma_wait3A_213 = arith.constant 0 : i32
    %dma_wait3A_214 = tpu.memref_slice %arg9[%dma_wait3A_212, %dma_wait3A_213] : memref<64x129xf32, #tpu.memory_space<vmem>> -> memref<8x128xf32, #tpu.memory_space<vmem>>
    %dma_wait3A_215 = arith.constant 0 : i32
    %dma_wait3A_216 = arith.constant 0 : i32
    %dma_wait3A_217 = tpu.memref_slice %arg4[%dma_wait3A_209, %dma_wait3A_210, %add3A, %dma_wait3A_215, %dma_wait3A_216] : memref<200x8x32x8x128xf32, #tpu.memory_space<hbm>> -> memref<1x1x1x8x128xf32, #tpu.memory_space<hbm>>
    %dma_wait3A_218 = tpu.memref_squeeze %dma_wait3A_217 : memref<1x1x1x8x128xf32, #tpu.memory_space<hbm>> -> memref<8x128xf32, #tpu.memory_space<hbm>>
    %dma_wait3A_219 = tpu.memref_slice %arg11[%dma_wait3A_211] : memref<2x!tpu.dma_semaphore, #tpu.memory_space<semaphore_mem>> -> memref<1x!tpu.dma_semaphore, #tpu.memory_space<semaphore_mem>>
    %dma_wait3A_220 = tpu.memref_squeeze %dma_wait3A_219 : memref<1x!tpu.dma_semaphore, #tpu.memory_space<semaphore_mem>> -> memref<!tpu.dma_semaphore, #tpu.memory_space<semaphore_mem>>
    %dma_wait3A_221 = arith.constant 0 : i32
    %dma_wait3A_222 = arith.constant 0 : i32
    %dma_wait3A_223 = tpu.memref_slice %arg4[%dma_wait3A_209, %dma_wait3A_210, %add3A, %dma_wait3A_221, %dma_wait3A_222] : memref<200x8x32x8x128xf32, #tpu.memory_space<hbm>> -> memref<1x1x1x8x128xf32, #tpu.memory_space<hbm>>
    %dma_wait3A_224 = tpu.memref_squeeze %dma_wait3A_223 : memref<1x1x1x8x128xf32, #tpu.memory_space<hbm>> -> memref<8x128xf32, #tpu.memory_space<hbm>>
    %dma_wait3A_225 = arith.constant 8 : i32
    %dma_wait3A_226 = arith.constant 0 : i32
    %dma_wait3A_227 = tpu.memref_slice %arg9[%dma_wait3A_225, %dma_wait3A_226] : memref<64x129xf32, #tpu.memory_space<vmem>> -> memref<8x128xf32, #tpu.memory_space<vmem>>
    tpu.wait_dma2 semaphore(%dma_wait3A_220 : memref<!tpu.dma_semaphore, #tpu.memory_space<semaphore_mem>>) src(%dma_wait3A_227 : memref<8x128xf32, #tpu.memory_space<vmem>>) dst(%dma_wait3A_224 : memref<8x128xf32, #tpu.memory_space<hbm>>)
    %dma_wait3A_228 = arith.constant 199 : i32
    %dma_wait3A_229 = arith.constant 2 : i32
    %dma_wait3A_230 = arith.constant 1 : i32
    %dma_wait3A_231 = arith.constant 16 : i32
    %dma_wait3A_232 = arith.constant 0 : i32
    %dma_wait3A_233 = tpu.memref_slice %arg9[%dma_wait3A_231, %dma_wait3A_232] : memref<64x129xf32, #tpu.memory_space<vmem>> -> memref<8x128xf32, #tpu.memory_space<vmem>>
    %dma_wait3A_234 = arith.constant 0 : i32
    %dma_wait3A_235 = arith.constant 0 : i32
    %dma_wait3A_236 = tpu.memref_slice %arg4[%dma_wait3A_228, %dma_wait3A_229, %add3A, %dma_wait3A_234, %dma_wait3A_235] : memref<200x8x32x8x128xf32, #tpu.memory_space<hbm>> -> memref<1x1x1x8x128xf32, #tpu.memory_space<hbm>>
    %dma_wait3A_237 = tpu.memref_squeeze %dma_wait3A_236 : memref<1x1x1x8x128xf32, #tpu.memory_space<hbm>> -> memref<8x128xf32, #tpu.memory_space<hbm>>
    %dma_wait3A_238 = tpu.memref_slice %arg11[%dma_wait3A_230] : memref<2x!tpu.dma_semaphore, #tpu.memory_space<semaphore_mem>> -> memref<1x!tpu.dma_semaphore, #tpu.memory_space<semaphore_mem>>
    %dma_wait3A_239 = tpu.memref_squeeze %dma_wait3A_238 : memref<1x!tpu.dma_semaphore, #tpu.memory_space<semaphore_mem>> -> memref<!tpu.dma_semaphore, #tpu.memory_space<semaphore_mem>>
    %dma_wait3A_240 = arith.constant 0 : i32
    %dma_wait3A_241 = arith.constant 0 : i32
    %dma_wait3A_242 = tpu.memref_slice %arg4[%dma_wait3A_228, %dma_wait3A_229, %add3A, %dma_wait3A_240, %dma_wait3A_241] : memref<200x8x32x8x128xf32, #tpu.memory_space<hbm>> -> memref<1x1x1x8x128xf32, #tpu.memory_space<hbm>>
    %dma_wait3A_243 = tpu.memref_squeeze %dma_wait3A_242 : memref<1x1x1x8x128xf32, #tpu.memory_space<hbm>> -> memref<8x128xf32, #tpu.memory_space<hbm>>
    %dma_wait3A_244 = arith.constant 16 : i32
    %dma_wait3A_245 = arith.constant 0 : i32
    %dma_wait3A_246 = tpu.memref_slice %arg9[%dma_wait3A_244, %dma_wait3A_245] : memref<64x129xf32, #tpu.memory_space<vmem>> -> memref<8x128xf32, #tpu.memory_space<vmem>>
    tpu.wait_dma2 semaphore(%dma_wait3A_239 : memref<!tpu.dma_semaphore, #tpu.memory_space<semaphore_mem>>) src(%dma_wait3A_246 : memref<8x128xf32, #tpu.memory_space<vmem>>) dst(%dma_wait3A_243 : memref<8x128xf32, #tpu.memory_space<hbm>>)
    %dma_wait3A_247 = arith.constant 199 : i32
    %dma_wait3A_248 = arith.constant 3 : i32
    %dma_wait3A_249 = arith.constant 1 : i32
    %dma_wait3A_250 = arith.constant 24 : i32
    %dma_wait3A_251 = arith.constant 0 : i32
    %dma_wait3A_252 = tpu.memref_slice %arg9[%dma_wait3A_250, %dma_wait3A_251] : memref<64x129xf32, #tpu.memory_space<vmem>> -> memref<8x128xf32, #tpu.memory_space<vmem>>
    %dma_wait3A_253 = arith.constant 0 : i32
    %dma_wait3A_254 = arith.constant 0 : i32
    %dma_wait3A_255 = tpu.memref_slice %arg4[%dma_wait3A_247, %dma_wait3A_248, %add3A, %dma_wait3A_253, %dma_wait3A_254] : memref<200x8x32x8x128xf32, #tpu.memory_space<hbm>> -> memref<1x1x1x8x128xf32, #tpu.memory_space<hbm>>
    %dma_wait3A_256 = tpu.memref_squeeze %dma_wait3A_255 : memref<1x1x1x8x128xf32, #tpu.memory_space<hbm>> -> memref<8x128xf32, #tpu.memory_space<hbm>>
    %dma_wait3A_257 = tpu.memref_slice %arg11[%dma_wait3A_249] : memref<2x!tpu.dma_semaphore, #tpu.memory_space<semaphore_mem>> -> memref<1x!tpu.dma_semaphore, #tpu.memory_space<semaphore_mem>>
    %dma_wait3A_258 = tpu.memref_squeeze %dma_wait3A_257 : memref<1x!tpu.dma_semaphore, #tpu.memory_space<semaphore_mem>> -> memref<!tpu.dma_semaphore, #tpu.memory_space<semaphore_mem>>
    %dma_wait3A_259 = arith.constant 0 : i32
    %dma_wait3A_260 = arith.constant 0 : i32
    %dma_wait3A_261 = tpu.memref_slice %arg4[%dma_wait3A_247, %dma_wait3A_248, %add3A, %dma_wait3A_259, %dma_wait3A_260] : memref<200x8x32x8x128xf32, #tpu.memory_space<hbm>> -> memref<1x1x1x8x128xf32, #tpu.memory_space<hbm>>
    %dma_wait3A_262 = tpu.memref_squeeze %dma_wait3A_261 : memref<1x1x1x8x128xf32, #tpu.memory_space<hbm>> -> memref<8x128xf32, #tpu.memory_space<hbm>>
    %dma_wait3A_263 = arith.constant 24 : i32
    %dma_wait3A_264 = arith.constant 0 : i32
    %dma_wait3A_265 = tpu.memref_slice %arg9[%dma_wait3A_263, %dma_wait3A_264] : memref<64x129xf32, #tpu.memory_space<vmem>> -> memref<8x128xf32, #tpu.memory_space<vmem>>
    tpu.wait_dma2 semaphore(%dma_wait3A_258 : memref<!tpu.dma_semaphore, #tpu.memory_space<semaphore_mem>>) src(%dma_wait3A_265 : memref<8x128xf32, #tpu.memory_space<vmem>>) dst(%dma_wait3A_262 : memref<8x128xf32, #tpu.memory_space<hbm>>)
    %dma_wait3A_266 = arith.constant 199 : i32
    %dma_wait3A_267 = arith.constant 4 : i32
    %dma_wait3A_268 = arith.constant 1 : i32
    %dma_wait3A_269 = arith.constant 32 : i32
    %dma_wait3A_270 = arith.constant 0 : i32
    %dma_wait3A_271 = tpu.memref_slice %arg9[%dma_wait3A_269, %dma_wait3A_270] : memref<64x129xf32, #tpu.memory_space<vmem>> -> memref<8x128xf32, #tpu.memory_space<vmem>>
    %dma_wait3A_272 = arith.constant 0 : i32
    %dma_wait3A_273 = arith.constant 0 : i32
    %dma_wait3A_274 = tpu.memref_slice %arg4[%dma_wait3A_266, %dma_wait3A_267, %add3A, %dma_wait3A_272, %dma_wait3A_273] : memref<200x8x32x8x128xf32, #tpu.memory_space<hbm>> -> memref<1x1x1x8x128xf32, #tpu.memory_space<hbm>>
    %dma_wait3A_275 = tpu.memref_squeeze %dma_wait3A_274 : memref<1x1x1x8x128xf32, #tpu.memory_space<hbm>> -> memref<8x128xf32, #tpu.memory_space<hbm>>
    %dma_wait3A_276 = tpu.memref_slice %arg11[%dma_wait3A_268] : memref<2x!tpu.dma_semaphore, #tpu.memory_space<semaphore_mem>> -> memref<1x!tpu.dma_semaphore, #tpu.memory_space<semaphore_mem>>
    %dma_wait3A_277 = tpu.memref_squeeze %dma_wait3A_276 : memref<1x!tpu.dma_semaphore, #tpu.memory_space<semaphore_mem>> -> memref<!tpu.dma_semaphore, #tpu.memory_space<semaphore_mem>>
    %dma_wait3A_278 = arith.constant 0 : i32
    %dma_wait3A_279 = arith.constant 0 : i32
    %dma_wait3A_280 = tpu.memref_slice %arg4[%dma_wait3A_266, %dma_wait3A_267, %add3A, %dma_wait3A_278, %dma_wait3A_279] : memref<200x8x32x8x128xf32, #tpu.memory_space<hbm>> -> memref<1x1x1x8x128xf32, #tpu.memory_space<hbm>>
    %dma_wait3A_281 = tpu.memref_squeeze %dma_wait3A_280 : memref<1x1x1x8x128xf32, #tpu.memory_space<hbm>> -> memref<8x128xf32, #tpu.memory_space<hbm>>
    %dma_wait3A_282 = arith.constant 32 : i32
    %dma_wait3A_283 = arith.constant 0 : i32
    %dma_wait3A_284 = tpu.memref_slice %arg9[%dma_wait3A_282, %dma_wait3A_283] : memref<64x129xf32, #tpu.memory_space<vmem>> -> memref<8x128xf32, #tpu.memory_space<vmem>>
    tpu.wait_dma2 semaphore(%dma_wait3A_277 : memref<!tpu.dma_semaphore, #tpu.memory_space<semaphore_mem>>) src(%dma_wait3A_284 : memref<8x128xf32, #tpu.memory_space<vmem>>) dst(%dma_wait3A_281 : memref<8x128xf32, #tpu.memory_space<hbm>>)
    %dma_wait3A_285 = arith.constant 199 : i32
    %dma_wait3A_286 = arith.constant 5 : i32
    %dma_wait3A_287 = arith.constant 1 : i32
    %dma_wait3A_288 = arith.constant 40 : i32
    %dma_wait3A_289 = arith.constant 0 : i32
    %dma_wait3A_290 = tpu.memref_slice %arg9[%dma_wait3A_288, %dma_wait3A_289] : memref<64x129xf32, #tpu.memory_space<vmem>> -> memref<8x128xf32, #tpu.memory_space<vmem>>
    %dma_wait3A_291 = arith.constant 0 : i32
    %dma_wait3A_292 = arith.constant 0 : i32
    %dma_wait3A_293 = tpu.memref_slice %arg4[%dma_wait3A_285, %dma_wait3A_286, %add3A, %dma_wait3A_291, %dma_wait3A_292] : memref<200x8x32x8x128xf32, #tpu.memory_space<hbm>> -> memref<1x1x1x8x128xf32, #tpu.memory_space<hbm>>
    %dma_wait3A_294 = tpu.memref_squeeze %dma_wait3A_293 : memref<1x1x1x8x128xf32, #tpu.memory_space<hbm>> -> memref<8x128xf32, #tpu.memory_space<hbm>>
    %dma_wait3A_295 = tpu.memref_slice %arg11[%dma_wait3A_287] : memref<2x!tpu.dma_semaphore, #tpu.memory_space<semaphore_mem>> -> memref<1x!tpu.dma_semaphore, #tpu.memory_space<semaphore_mem>>
    %dma_wait3A_296 = tpu.memref_squeeze %dma_wait3A_295 : memref<1x!tpu.dma_semaphore, #tpu.memory_space<semaphore_mem>> -> memref<!tpu.dma_semaphore, #tpu.memory_space<semaphore_mem>>
    %dma_wait3A_297 = arith.constant 0 : i32
    %dma_wait3A_298 = arith.constant 0 : i32
    %dma_wait3A_299 = tpu.memref_slice %arg4[%dma_wait3A_285, %dma_wait3A_286, %add3A, %dma_wait3A_297, %dma_wait3A_298] : memref<200x8x32x8x128xf32, #tpu.memory_space<hbm>> -> memref<1x1x1x8x128xf32, #tpu.memory_space<hbm>>
    %dma_wait3A_300 = tpu.memref_squeeze %dma_wait3A_299 : memref<1x1x1x8x128xf32, #tpu.memory_space<hbm>> -> memref<8x128xf32, #tpu.memory_space<hbm>>
    %dma_wait3A_301 = arith.constant 40 : i32
    %dma_wait3A_302 = arith.constant 0 : i32
    %dma_wait3A_303 = tpu.memref_slice %arg9[%dma_wait3A_301, %dma_wait3A_302] : memref<64x129xf32, #tpu.memory_space<vmem>> -> memref<8x128xf32, #tpu.memory_space<vmem>>
    tpu.wait_dma2 semaphore(%dma_wait3A_296 : memref<!tpu.dma_semaphore, #tpu.memory_space<semaphore_mem>>) src(%dma_wait3A_303 : memref<8x128xf32, #tpu.memory_space<vmem>>) dst(%dma_wait3A_300 : memref<8x128xf32, #tpu.memory_space<hbm>>)
    %dma_wait3A_304 = arith.constant 199 : i32
    %dma_wait3A_305 = arith.constant 6 : i32
    %dma_wait3A_306 = arith.constant 1 : i32
    %dma_wait3A_307 = arith.constant 48 : i32
    %dma_wait3A_308 = arith.constant 0 : i32
    %dma_wait3A_309 = tpu.memref_slice %arg9[%dma_wait3A_307, %dma_wait3A_308] : memref<64x129xf32, #tpu.memory_space<vmem>> -> memref<8x128xf32, #tpu.memory_space<vmem>>
    %dma_wait3A_310 = arith.constant 0 : i32
    %dma_wait3A_311 = arith.constant 0 : i32
    %dma_wait3A_312 = tpu.memref_slice %arg4[%dma_wait3A_304, %dma_wait3A_305, %add3A, %dma_wait3A_310, %dma_wait3A_311] : memref<200x8x32x8x128xf32, #tpu.memory_space<hbm>> -> memref<1x1x1x8x128xf32, #tpu.memory_space<hbm>>
    %dma_wait3A_313 = tpu.memref_squeeze %dma_wait3A_312 : memref<1x1x1x8x128xf32, #tpu.memory_space<hbm>> -> memref<8x128xf32, #tpu.memory_space<hbm>>
    %dma_wait3A_314 = tpu.memref_slice %arg11[%dma_wait3A_306] : memref<2x!tpu.dma_semaphore, #tpu.memory_space<semaphore_mem>> -> memref<1x!tpu.dma_semaphore, #tpu.memory_space<semaphore_mem>>
    %dma_wait3A_315 = tpu.memref_squeeze %dma_wait3A_314 : memref<1x!tpu.dma_semaphore, #tpu.memory_space<semaphore_mem>> -> memref<!tpu.dma_semaphore, #tpu.memory_space<semaphore_mem>>
    %dma_wait3A_316 = arith.constant 0 : i32
    %dma_wait3A_317 = arith.constant 0 : i32
    %dma_wait3A_318 = tpu.memref_slice %arg4[%dma_wait3A_304, %dma_wait3A_305, %add3A, %dma_wait3A_316, %dma_wait3A_317] : memref<200x8x32x8x128xf32, #tpu.memory_space<hbm>> -> memref<1x1x1x8x128xf32, #tpu.memory_space<hbm>>
    %dma_wait3A_319 = tpu.memref_squeeze %dma_wait3A_318 : memref<1x1x1x8x128xf32, #tpu.memory_space<hbm>> -> memref<8x128xf32, #tpu.memory_space<hbm>>
    %dma_wait3A_320 = arith.constant 48 : i32
    %dma_wait3A_321 = arith.constant 0 : i32
    %dma_wait3A_322 = tpu.memref_slice %arg9[%dma_wait3A_320, %dma_wait3A_321] : memref<64x129xf32, #tpu.memory_space<vmem>> -> memref<8x128xf32, #tpu.memory_space<vmem>>
    tpu.wait_dma2 semaphore(%dma_wait3A_315 : memref<!tpu.dma_semaphore, #tpu.memory_space<semaphore_mem>>) src(%dma_wait3A_322 : memref<8x128xf32, #tpu.memory_space<vmem>>) dst(%dma_wait3A_319 : memref<8x128xf32, #tpu.memory_space<hbm>>)
    %dma_wait3A_323 = arith.constant 199 : i32
    %dma_wait3A_324 = arith.constant 7 : i32
    %dma_wait3A_325 = arith.constant 1 : i32
    %dma_wait3A_326 = arith.constant 56 : i32
    %dma_wait3A_327 = arith.constant 0 : i32
    %dma_wait3A_328 = tpu.memref_slice %arg9[%dma_wait3A_326, %dma_wait3A_327] : memref<64x129xf32, #tpu.memory_space<vmem>> -> memref<8x128xf32, #tpu.memory_space<vmem>>
    %dma_wait3A_329 = arith.constant 0 : i32
    %dma_wait3A_330 = arith.constant 0 : i32
    %dma_wait3A_331 = tpu.memref_slice %arg4[%dma_wait3A_323, %dma_wait3A_324, %add3A, %dma_wait3A_329, %dma_wait3A_330] : memref<200x8x32x8x128xf32, #tpu.memory_space<hbm>> -> memref<1x1x1x8x128xf32, #tpu.memory_space<hbm>>
    %dma_wait3A_332 = tpu.memref_squeeze %dma_wait3A_331 : memref<1x1x1x8x128xf32, #tpu.memory_space<hbm>> -> memref<8x128xf32, #tpu.memory_space<hbm>>
    %dma_wait3A_333 = tpu.memref_slice %arg11[%dma_wait3A_325] : memref<2x!tpu.dma_semaphore, #tpu.memory_space<semaphore_mem>> -> memref<1x!tpu.dma_semaphore, #tpu.memory_space<semaphore_mem>>
    %dma_wait3A_334 = tpu.memref_squeeze %dma_wait3A_333 : memref<1x!tpu.dma_semaphore, #tpu.memory_space<semaphore_mem>> -> memref<!tpu.dma_semaphore, #tpu.memory_space<semaphore_mem>>
    %dma_wait3A_335 = arith.constant 0 : i32
    %dma_wait3A_336 = arith.constant 0 : i32
    %dma_wait3A_337 = tpu.memref_slice %arg4[%dma_wait3A_323, %dma_wait3A_324, %add3A, %dma_wait3A_335, %dma_wait3A_336] : memref<200x8x32x8x128xf32, #tpu.memory_space<hbm>> -> memref<1x1x1x8x128xf32, #tpu.memory_space<hbm>>
    %dma_wait3A_338 = tpu.memref_squeeze %dma_wait3A_337 : memref<1x1x1x8x128xf32, #tpu.memory_space<hbm>> -> memref<8x128xf32, #tpu.memory_space<hbm>>
    %dma_wait3A_339 = arith.constant 56 : i32
    %dma_wait3A_340 = arith.constant 0 : i32
    %dma_wait3A_341 = tpu.memref_slice %arg9[%dma_wait3A_339, %dma_wait3A_340] : memref<64x129xf32, #tpu.memory_space<vmem>> -> memref<8x128xf32, #tpu.memory_space<vmem>>
    tpu.wait_dma2 semaphore(%dma_wait3A_334 : memref<!tpu.dma_semaphore, #tpu.memory_space<semaphore_mem>>) src(%dma_wait3A_341 : memref<8x128xf32, #tpu.memory_space<vmem>>) dst(%dma_wait3A_338 : memref<8x128xf32, #tpu.memory_space<hbm>>)
    return
  }
}

</mosaic_0001>

<sc_bundles>
// kernel: kernel.3.cloned.1.call-start
scs
__scs_entry_jumppad:
0x0: {  	(pc) =	sbr.rel $0x88, $3  }
0x1: {  	(tag) =	ssettag $0x0;
	lr =	simm.s32 $0x1  }
0x2: {  	[smem:$0x3F9F] =	sst lr;
	_ =	strace $0xD0000000  }
0x3: {  	_ = 	snop  }
0x4: {  	_ = 	snop  }
0x5: {  	_ = 	snop  }
0x6: {  	_ = 	snop  }
0x7: {  	_ = 	snop  }
__scs_overlays_trampoline_lowered:
0x8: {  	[smem:$0x3FAE] =	sst s0  }
0x9: {  	[smem:$0x3FAF] =	sst s1  }
0xa: {  	[smem:$0x3FB0] =	sst s2  }
0xb: {  	[smem:$0x3FB1] =	sst s3  }
0xc: {  	[smem:$0x3FB2] =	sst s4  }
0xd: {  	[smem:$0x3FB3] =	sst s5  }
0xe: {  	[smem:$0x3FB4] =	sst s6  }
0xf: {  	[smem:$0x3FB5] =	sst s7  }
0x10: {  	[smem:$0x3FB6] =	sst s8  }
0x11: {  	[smem:$0x3FB7] =	sst s9;
	s0 =	simm.s32 @!p0 $0x0  }
0x12: {  	s1 =	sld [smem:$0x3F9D];
	s0 =	simm.s32 @p0 $0x1  }
0x13: {  	[smem:$0x3FB8] =	sst s0;
	s0 =	simm.s32 @!p1 $0x0  }
0x14: {  	s2 =	sld [smem:$0x3F9C];
	s0 =	simm.s32 @p1 $0x1  }
0x15: {  	[smem:$0x3FB9] =	sst s0;
	s0 =	simm.s32 @!p2 $0x0  }
0x16: {  	s3 =	sld [smem:$0x3FDB];
	s0 =	simm.s32 @p2 $0x1  }
0x17: {  	s4 =	simm.s32 $0x1BF5;
	[smem:$0x3FBB] =	sst s0  }
0x18: {  	s0 =	sld [smem:$0x3F9E];
	_ =	swait.ge [sflag:s4], $0x0  }
0x19: {  	s7 =	sld [smem:$0x3F9F]  }
0x1a: {  	s8 =	sadd.s32 $0xFFFFE003, lr  }
0x1b: {  	s9 =	sadd.s32 $0xFFFFFEF7, lr;
	s5 =	simm.s32 $0xFFFFFFFF;
	p2 =	slt.u32 s8, $0xFFFFF086  }
0x1c: {  	p1 =	slt.u32 s9, $0xF7A;
	s5 =	simm.s32 @!p2 $0x0  }
0x1d: {  	s5 =	simm.s32 @p1 $0x1;
	p0 =	seq.s32 s7, s2  }
0x1e: {  	s7 =	smul.u32 @!p0 $0xF7A, s2;
	p2 =	seq.s32 @!p0 s5, $0x0  }
0x1f: {  	s9 =	smul.u32 $0xF7A, s1;
	s8 =	simm.s32 @!p0 $0x1BF5;
	p2 =	por !p2, p0  }
0x20: {  	[sflag:s8] =	ssyncset.s32 @!p0 $0xFFFFF086;
	s6 =	sadd.s32 @!p0 s3, s7;
	s7 =	simm.s32 @!p0 $0x108  }
0x21: {  	s3 =	sadd.s32 s3, s9;
	s6 =	sadd.s32 @!p0 $0x88, s6;
	s7 =	simm.s32 @p2 $0x1082  }
0x22: {  	[simem:s7], [sflag:s8] =	dma.local @!p0 [hbm:s6], $0xF7A  }
0x23: {  	s9 =	sor.u32 $0xD0000000, s2;
	s6 =	simm.s32 $0x108;
	_ =	swait.ge @!p0 [sflag:s8], $0x0  }
0x24: {  	s3 =	sadd.s32 $0x88, s3;
	s6 =	simm.s32 @!p1 $0x1082;
	[sflag:s4] =	ssyncset.s32 $0xFFFFF086  }
0x25: {  	[simem:s6], [sflag:s4] =	dma.local [hbm:s3], $0xF7A  }
0x26: {  	[smem:$0x3F9F] =	sst s1;
	(tag) =	ssettag s2;
	_ =	strace s9  }
0x27: {  	s1 =	sld [smem:$0x3FAF]  }
0x28: {  	s2 =	sld [smem:$0x3FB0]  }
0x29: {  	s4 =	sld [smem:$0x3FB2]  }
0x2a: {  	p0 =	seq.s32 s5, $0x0;
	s5 =	sld [smem:$0x3FB3]  }
0x2b: {  	s6 =	sld [smem:$0x3FB4]  }
0x2c: {  	s7 =	sld [smem:$0x3FB5]  }
0x2d: {  	s3 =	simm.s32 $0x108;
	s8 =	sld [smem:$0x3FB6]  }
0x2e: {  	s3 =	simm.s32 @!p0 $0x1082;
	s9 =	sld [smem:$0x3FB7]  }
0x2f: {  	lr =	sadd.s32 s0, s3;
	s0 =	sld [smem:$0x3FAE]  }
0x30: {  	s3 =	sld [smem:$0x3FB1]  }
0x31: {  	[smem:$0x3FBA] =	sst s10  }
0x32: {  	s10 =	sld [smem:$0x3FB8];
	_ =	sdelay $0x3  }
0x33: {  	p0 =	seq.s32 s10, $0x1;
	s10 =	sld [smem:$0x3FBA];
	_ =	sdelay $0x3  }
0x34: {  	[smem:$0x3FBA] =	sst s10  }
0x35: {  	s10 =	sld [smem:$0x3FB9];
	_ =	sdelay $0x3  }
0x36: {  	p1 =	seq.s32 s10, $0x1;
	s10 =	sld [smem:$0x3FBA];
	_ =	sdelay $0x3  }
0x37: {  	[smem:$0x3FBA] =	sst s10  }
0x38: {  	s10 =	sld [smem:$0x3FBB]  }
0x39: {  	_ = 	snop;
	(pc) =	sbr.ind lr, $3  }
0x3a: {  	_ = 	snop  }
0x3b: {  	_ = 	snop  }
0x3c: {  	p2 =	seq.s32 s10, $0x1;
	s10 =	sld [smem:$0x3FBA]  }
0x3d: {  	_ =	shalt  }
0x3e: {  	_ =	shalt  }
0x3f: {  	_ =	shalt  }
0x40: {  	_ =	shalt  }
0x41: {  	_ =	shalt  }
0x42: {  	_ =	shalt  }
0x43: {  	_ =	shalt  }
0x44: {  	_ =	shalt  }
0x45: {  	_ =	shalt  }
0x46: {  	_ =	shalt  }
0x47: {  	_ =	shalt  }
0x48: {  	_ =	shalt  }
0x49: {  	_ =	shalt  }
0x4a: {  	_ =	shalt  }
0x4b: {  	_ =	shalt  }
0x4c: {  	_ =	shalt  }
0x4d: {  	_ =	shalt  }
0x4e: {  	_ =	shalt  }
0x4f: {  	_ =	shalt  }
0x50: {  	_ =	shalt  }
0x51: {  	_ =	shalt  }
0x52: {  	_ =	shalt  }
0x53: {  	_ =	shalt  }
0x54: {  	_ =	shalt  }
0x55: {  	_ =	shalt  }
0x56: {  	_ =	shalt  }
0x57: {  	_ =	shalt  }
0x58: {  	_ =	shalt  }
0x59: {  	_ =	shalt  }
0x5a: {  	_ =	shalt  }
0x5b: {  	_ =	shalt  }
0x5c: {  	_ =	shalt  }
0x5d: {  	_ =	shalt  }
0x5e: {  	_ =	shalt  }
0x5f: {  	_ =	shalt  }
0x60: {  	_ =	shalt  }
0x61: {  	_ =	shalt  }
0x62: {  	_ =	shalt  }
0x63: {  	_ =	shalt  }
0x64: {  	_ =	shalt  }
0x65: {  	_ =	shalt  }
0x66: {  	_ =	shalt  }
0x67: {  	_ =	shalt  }
0x68: {  	_ =	shalt  }
0x69: {  	_ =	shalt  }
0x6a: {  	_ =	shalt  }
0x6b: {  	_ =	shalt  }
0x6c: {  	_ =	shalt  }
0x6d: {  	_ =	shalt  }
0x6e: {  	_ =	shalt  }
0x6f: {  	_ =	shalt  }
0x70: {  	_ =	shalt  }
0x71: {  	_ =	shalt  }
0x72: {  	_ =	shalt  }
0x73: {  	_ =	shalt  }
0x74: {  	_ =	shalt  }
0x75: {  	_ =	shalt  }
0x76: {  	_ =	shalt  }
0x77: {  	_ =	shalt  }
0x78: {  	_ =	shalt  }
0x79: {  	_ =	shalt  }
0x7a: {  	_ =	shalt  }
0x7b: {  	_ =	shalt  }
0x7c: {  	_ =	shalt  }
0x7d: {  	_ =	shalt  }
0x7e: {  	_ =	shalt  }
0x7f: {  	_ =	shalt  }
0x80: {  	_ =	shalt  }
0x81: {  	_ =	shalt  }
0x82: {  	_ =	shalt  }
0x83: {  	_ =	shalt  }
0x84: {  	_ =	shalt  }
0x85: {  	_ =	shalt  }
0x86: {  	_ =	shalt  }
0x87: {  	_ =	shalt  }
.Lfunc_end0:
.L_simem_size_0:
called_computation.1_lowered:
.L_overlay_start_0:
0x88: {  	s2 =	sld [smem:$0x3FD9]  }
0x89: {  	s3 =	sld [smem:$0x3FFE];
	_ =	sdelay $0x1  }
0x8a: {  	s1 =	srdreg.scid  }
0x8b: {  	s0 =	sand.u32 $0x1, s1  }
0x8c: {  	s17 =	sshll.u32 s0, $0xA;
	s2 =	sadd.s32 s3, s2  }
0x8d: {  	s2 =	sadd.s32 s2, s17  }
0x8e: {  	[smem:$0x3FC6] =	sst s2  }
0x8f: {  	_ = 	snop  }
0x90: {  	s2 =	sld [smem:$0x3FD0];
	(tm) =	ssettm $0x1  }
0x91: {  	s18 =	sld [smem:$0x3FFB];
	_ =	sdelay $0x3  }
0x92: {  	_ =	strace s18  }
0x93: {  	s3 =	sld [smem:$0x3FFC];
	_ =	sdelay $0x3  }
0x94: {  	_ =	strace s3  }
0x95: {  	s3 =	sld [smem:$0x3FFD];
	_ =	sdelay $0x3  }
0x96: {  	_ =	strace s3  }
0x97: {  	_ =	strace $0x8FFFFFFF  }
0x98: {  	s19 =	sld [smem:$0x3FDB];
	_ =	sdelay $0x1  }
0x99: {  	s4 =	simm.s32 $_scs_section_size  }
0x9a: {  	s5 =	simm.s32 $_size__tile_overlayer_lowered;
	s6 =	simm.s32 $_tile_overlayer_lowered  }
0x9b: {  	s22 =	simm.s32 $0x1BFF;
	s21 =	sshll.u32 s6, $0x1;
	s3 =	sadd.s32 s4, s19  }
0x9c: {  	s7 =	simm.s32 $0x0;
	s20 =	sshll.u32 s5, $0x1;
	s5 =	sadd.s32 s21, s3  }
0x9d: {  	[timem:s7], [sflag:s22] =	dma.local [hbm:s5], s20  }
0x9e: {  	_ =	swait.ge [sflag:s22], s20  }
0x9f: {  	s4 =	ssub.s32 $0x0, s20;
	[sflag:s22] =	ssyncset.done $0x0  }
0xa0: {  	[sflag:s22] =	ssyncadd.s32 s4;
	_ =	sdelay $0x1  }
0xa1: {  	s23 =	simm.s32 $0x1B8B  }
0xa2: {  	_ =	swait.ge [sflag:s23], $0x1  }
0xa3: {  	[sflag:s23] =	ssyncset.done $0x0  }
0xa4: {  	s25 =	simm.s32 $0x1B8E;
	s24 =	sld [smem:$0x3FFE];
	[sflag:s23] =	ssyncadd.s32 $0xFFFFFFFF  }
0xa5: {  	s26 =	simm.s32 $execute0_lowered;
	[smem:$0x3FD2] =	sst s25  }
0xa6: {  	s5 =	sshll.u32 s26, $0x1;
	_ =	strace $0x80000049;
	[dreg:$0x1] =	wrdreg $0xFFFFFFFF  }
0xa7: {  	s28 =	simm.s32 $_size_execute0_lowered;
	s3 =	sadd.s32 s3, s5;
	[dreg:$0x0] =	wrdreg $0x0  }
0xa8: {  	s5 =	sshll.u32 s28, $0x1;
	[dreg:$0x2] =	wrdreg s3  }
0xa9: {  	[dreg:$0x3] =	wrdreg s5  }
0xaa: {  	[dreg:$0x4] =	wrdreg $0xC0  }
0xab: {  	_ =	task [dreg:s7], $0x5FFFF  }
0xac: {  	[dreg:$0x1] =	wrdreg $0xFFFFFFFF  }
0xad: {  	[dreg:$0x0] =	wrdreg $0x60  }
0xae: {  	[dreg:$0x2] =	wrdreg s24  }
0xaf: {  	[dreg:$0x3] =	wrdreg s2  }
0xb0: {  	[dreg:$0x4] =	wrdreg $0x9  }
0xb1: {  	_ =	task.clear_ibuf [dreg:s7], $0x5FFFF;
	_ =	strace $0x90000049  }
0xb2: {  	s29 =	simm.s32 $0x9;
	_ =	strace $0x8000004B  }
0xb3: {  	_ =	swait.ge [sflag:s29], $0x1  }
0xb4: {  	[sflag:s29] =	ssyncadd.s32 $0xFFFFFFFF  }
0xb5: {  	_ =	strace $0x9000004B  }
0xb6: {  	_ =	sfence  }
0xb7: {  	s30 =	sld [smem:$0x0];
	_ =	sdelay $0x2  }
0xb8: {  	s31 =	sshll.u32 s1, $0xD;
	s1 =	sshrl.u32 s1, $0x2  }
0xb9: {  	s3 =	sand.u32 $0x4000, s31;
	s1 =	sadd.s32 s1, s30  }
0xba: {  	s0 =	sor.u32 s3, s0;
	s1 =	sshll.u32 s1, $0x11  }
0xbb: {  	s0 =	sor.u32 s1, s0  }
0xbc: {  	s0 =	sadd.s32 $0x8F2B, s0  }
0xbd: {  	[sflag:s0] =	ssyncadd.remote.s32 $0x1  }
0xbe: {  	_ =	sfence.sel $0xFFFF  }
0xbf: {  	[dreg:$0x0] =	wrdreg $0xFFFFFFFF;
	(pc) =	sbr.abs _section_cstart, $3  }
0xc0: {  	[dreg:$0x1] =	wrdreg $0xFFFFFFFF  }
0xc1: {  	_ =	task.clear_ibuf [dreg:s7], $0x2FFFF;
	_ =	strace $0x9FFFFFFF  }
0xc2: {  	(tm) =	ssettm $0x7FFFFFFF  }
0xc3: {  	_ =	shalt  }
tec
execute0_lowered:
.L_overlay_start_1:
0x0: {  	(tag) =	ssettag $0x1  }
0x1: {  	s0 =	rddreg [dreg:$0x0]  }
0x2: {  	s21 =	rddreg [dreg:$0x1]  }
0x3: {  	s1 =	srdreg.scid;
	s2 =	stileid.u32  }
0x4: {  	s3 =	simm.s32 $0x0;
	s29 =	simm.s32 $0x1;
	s30 =	simm.s32 $0xA400  }
0x5: {  	s23 =	simm.s32 $0x2;
	s25 =	simm.s32 $0xC600;
	s22 =	simm.s32 $0xE778  }
0x6: {  	s1 =	sand.u32 $0x1, s1;
	s2 =	sshll.u32 s2, $0x1;
	[smem:$0x7FF] =	sst s3  }
0x7: {  	s7 =	sadd.s32 $0x1000, s21;
	s8 =	sadd.s32 $0x2000, s21;
	s9 =	sadd.s32 $0x3000, s21  }
0x8: {  	s10 =	sadd.s32 $0x4000, s21;
	s11 =	sadd.s32 $0x5000, s21;
	s12 =	sadd.s32 $0x6000, s21  }
0x9: {  	s13 =	sadd.s32 $0x7000, s21;
	s14 =	sadd.s32 $0x8000, s21;
	s15 =	sadd.s32 $0x9000, s21  }
0xa: {  	s16 =	sadd.s32 $0xA000, s21;
	s17 =	sadd.s32 $0xB000, s21;
	s18 =	sadd.s32 $0xC000, s21  }
0xb: {  	s19 =	sadd.s32 $0xD000, s21;
	s20 =	sadd.s32 $0xE000, s21;
	s2 =	sor.u32 s1, s2  }
0xc: {  	s21 =	sadd.s32 $0xF000, s21;
	s1 =	ssub.s32 $0x2, s1;
	s4 =	sshll.u32 s2, $0x4  }
0xd: {  	v0 =	vlaneseq.u32;
	_ =	strace $0x8000004A;
	s5 =	sshrl.u32 s1, $0x1;
	s6 =	sadd.s32 s4, s0  }
0xe: {  	v0 =	vmul.u32 $0x88, v0;
	s4 =	sadd.s32 $0xF5BE00, s0;
	s28 =	ssub.s32 s1, s5;
	s31 =	sadd.s32 $0xF42E00, s6  }
0xf: {  	s5 =	simm.s32 $0xE6F0;
	s0 =	smax.u32 s28, $0x1;
	[dreg:$0x3] =	wrdreg s31  }
0x10: {  	v1 =	vadd.s32 $0x880, v0;
	v2 =	vadd.s32 $0x1100, v0;
	v3 =	vadd.s32 $0x1980, v0;
	s6 =	sshll.u32 s2, $0x7;
	s2 =	simm.s32 $0x0;
	[dreg:$0x4] =	wrdreg s0  }
.LBB2_1:
0x11: {  	[dreg:$0x5] =	wrdreg s2  }
0x12: {  	s0 =	rddreg [dreg:$0x3]  }
0x13: {  	s1 =	simm.s32 $0x80;
	s24 =	simm.s32 $0x1000;
	s26 =	simm.s32 $0x5  }
0x14: {  	[tilespmem:s3], [sflag:$0x5] =	stream.strided.gather [hbm4b:s0+s1], $0x6400, s24, s1, $0x38;
	[tilespmem:$0xE800] =	vst v63  }
0x15: {  	_ =	swait.ge [sflag:s26], $0x6400  }
0x16: {  	[sflag:s26] =	ssyncset.done $0x0  }
0x17: {  	s28 =	simm.s32 $0x6400;
	[sflag:s26] =	ssyncadd.s32 $0xFFFF9C00  }
0x18: {  	[tilespmem:s28], [sflag:$0x1] =	stream.indirect.gather [hbm4b:s4+s1], $0x40, s3, s1, $0xb8;
	[tilespmem:$0xE800] =	vst v63  }
0x19: {  	s31 =	simm.s32 $0x8400;
	s2 =	simm.s32 $0x0  }
0x1a: {  	[tilespmem:s31], [sflag:$0x2] =	stream.indirect.gather [hbm4b:s4+s1], $0x40, s1, s1, $0xb8;
	[tilespmem:$0xE800] =	vst v63  }
.LBB2_2:
0x1b: {  	_ =	swait.ge [sflag:s29], $0x2000  }
0x1c: {  	p0 =	seq.s32 s2, $0x0;
	[sflag:s29] =	ssyncset.done $0x0  }
0x1d: {  	s0 =	simm.s32 @!p0 $0x3;
	[sflag:s29] =	ssyncadd.s32 $0xFFFFE000  }
0x1e: {  	_ =	swait.ge @!p0 [sflag:s0], $0x400  }
0x1f: {  	[sflag:s0] =	ssyncset.done @!p0 $0x0  }
0x20: {  	[sflag:s0] =	ssyncadd.s32 @!p0 $0xFFFFFC00  }
0x21: {  	_ =	swait.ge @!p0 [sflag:s0], $0x400  }
0x22: {  	[sflag:s0] =	ssyncset.done @!p0 $0x0  }
0x23: {  	[sflag:s0] =	ssyncadd.s32 @!p0 $0xFFFFFC00  }
0x24: {  	_ =	swait.ge @!p0 [sflag:s0], $0x400  }
0x25: {  	[sflag:s0] =	ssyncset.done @!p0 $0x0  }
0x26: {  	[sflag:s0] =	ssyncadd.s32 @!p0 $0xFFFFFC00  }
0x27: {  	_ =	swait.ge @!p0 [sflag:s0], $0x400  }
0x28: {  	[sflag:s0] =	ssyncset.done @!p0 $0x0  }
0x29: {  	[sflag:s0] =	ssyncadd.s32 @!p0 $0xFFFFFC00  }
0x2a: {  	_ =	swait.ge @!p0 [sflag:s0], $0x400  }
0x2b: {  	[sflag:s0] =	ssyncset.done @!p0 $0x0  }
0x2c: {  	[sflag:s0] =	ssyncadd.s32 @!p0 $0xFFFFFC00  }
0x2d: {  	_ =	swait.ge @!p0 [sflag:s0], $0x400  }
0x2e: {  	[sflag:s0] =	ssyncset.done @!p0 $0x0  }
0x2f: {  	[sflag:s0] =	ssyncadd.s32 @!p0 $0xFFFFFC00  }
0x30: {  	_ =	swait.ge @!p0 [sflag:s0], $0x400  }
0x31: {  	[sflag:s0] =	ssyncset.done @!p0 $0x0  }
0x32: {  	[sflag:s0] =	ssyncadd.s32 @!p0 $0xFFFFFC00  }
0x33: {  	_ =	swait.ge @!p0 [sflag:s0], $0x400  }
0x34: {  	[sflag:s0] =	ssyncset.done @!p0 $0x0  }
0x35: {  	[sflag:s0] =	ssyncadd.s32 @!p0 $0xFFFFFC00;
	s0 =	simm.s32 $0x6480  }
0x36: {  	v4 =	vld [tilespmem:s0+$0x70]  }
0x37: {  	v6 =	vld [tilespmem:s0+$0x60]  }
0x38: {  	v5 =	vld [tilespmem:s0+$0x50]  }
0x39: {  	v7 =	vld [tilespmem:s0+$0x40]  }
0x3a: {  	v8 =	vld [tilespmem:s0+$0x30]  }
0x3b: {  	v9 =	vld [tilespmem:s0+$0x20]  }
0x3c: {  	v10 =	vld [tilespmem:s0+$0x10]  }
0x3d: {  	s1 =	simm.s32 $0x0;
	v11 =	vld [tilespmem:s0+$0x0]  }
0x3e: {  	v13 =	vmov s1;
	v12 =	vld [tilespmem:s0+$0xFFFFFFF0]  }
0x3f: {  	v13 =	vand.u32 $0x7C, v13;
	v14 =	vld [tilespmem:s0+$0xFFFFFFE0]  }
0x40: {  	v17 =	vadd.s32 v0, v13;
	v16 =	vld [tilespmem:s0+$0xFFFFFF80]  }
0x41: {  	s24 =	simm.s32 $0x1;
	v19 =	vadd.s32 v1, v13;
	v18 =	vld [tilespmem:s0+$0xFFFFFF90]  }
0x42: {  	v21 =	vmov s24;
	v22 =	vadd.s32 v2, v13;
	v20 =	vld [tilespmem:s0+$0xFFFFFFA0]  }
0x43: {  	v21 =	vand.u32 $0x7D, v21;
	v13 =	vadd.s32 v3, v13;
	v23 =	vld [tilespmem:s0+$0xFFFFFFB0]  }
0x44: {  	v25 =	vadd.s32 v0, v21;
	v24 =	vld [tilespmem:s0+$0xFFFFFFC0]  }
0x45: {  	s26 =	simm.s32 $0x2;
	v51 =	vadd.s32 v1, v21;
	v15 =	vld [tilespmem:s0+$0xFFFFFFD0];
	[tilespmem:v17+s30+$0x0] =	vst.idx.msk $0xffff, v16  }
0x46: {  	v52 =	vmov s26;
	v53 =	vadd.s32 v2, v21;
	[tilespmem:v19+s30+$0x0] =	vst.idx.msk $0xffff, v18  }
0x47: {  	v54 =	vadd.s32 v3, v21;
	v17 =	vand.u32 $0x7E, v52;
	[tilespmem:v22+s30+$0x0] =	vst.idx.msk $0xffff, v20  }
0x48: {  	v55 =	vadd.s32 v0, v17;
	[tilespmem:v13+s30+$0x0] =	vst.idx.msk $0xffff, v23  }
0x49: {  	s28 =	simm.s32 $0x3;
	v56 =	vadd.s32 v1, v17;
	[tilespmem:v25+s30+$0x0] =	vst.idx.msk $0xffff, v24  }
0x4a: {  	v57 =	vmov s28;
	v58 =	vadd.s32 v2, v17;
	[tilespmem:v51+s30+$0x0] =	vst.idx.msk $0xffff, v15  }
0x4b: {  	v60 =	vand.u32 $0x7F, v57;
	v59 =	vadd.s32 v3, v17;
	[tilespmem:v53+s30+$0x0] =	vst.idx.msk $0xffff, v14  }
0x4c: {  	v61 =	vadd.s32 v0, v60;
	[tilespmem:v54+s30+$0x0] =	vst.idx.msk $0xffff, v12  }
0x4d: {  	v62 =	vadd.s32 v1, v60;
	[tilespmem:v55+s30+$0x0] =	vst.idx.msk $0xffff, v11  }
0x4e: {  	[tilespmem:v56+s30+$0x0] =	vst.idx.msk $0xffff, v10  }
0x4f: {  	[tilespmem:v58+s30+$0x0] =	vst.idx.msk $0xffff, v9  }
0x50: {  	v63 =	vadd.s32 v2, v60;
	[tilespmem:v59+s30+$0x0] =	vst.idx.msk $0xffff, v8  }
0x51: {  	[tilespmem:v61+s30+$0x0] =	vst.idx.msk $0xffff, v7  }
0x52: {  	[tilespmem:v62+s30+$0x0] =	vst.idx.msk $0xffff, v5;
	v5 =	vadd.s32 v3, v60;
	_ =	sdelay $0x2  }
0x53: {  	s31 =	simm.s32 $0x4;
	s1 =	sshll.u32 s2, $0xA;
	[tilespmem:v63+s30+$0x0] =	vst.idx.msk $0xffff, v6  }
.LBB2_3:
0x54: {  	p1 =	sne.s32 s31, $0x7C  }
0x55: {  	[tilespmem:v5+s30+$0x0] =	vst.idx.msk $0xffff, v4;
	s0 =	sadd.s32 $0x100, s0;
	s24 =	smov.u32 s31;
	s31 =	sadd.s32 $0x4, s31  }
0x56: {  	v4 =	vld [tilespmem:s0+$0x70]  }
0x57: {  	v6 =	vld [tilespmem:s0+$0x60]  }
0x58: {  	v7 =	vld [tilespmem:s0+$0x50]  }
0x59: {  	v8 =	vld [tilespmem:s0+$0x40]  }
0x5a: {  	v9 =	vld [tilespmem:s0+$0x30]  }
0x5b: {  	v5 =	vld [tilespmem:s0+$0x20]  }
0x5c: {  	v10 =	vld [tilespmem:s0+$0x10]  }
0x5d: {  	v11 =	vld [tilespmem:s0+$0x0]  }
0x5e: {  	v12 =	vld [tilespmem:s0+$0xFFFFFFF0]  }
0x5f: {  	v13 =	vmov s24;
	v14 =	vld [tilespmem:s0+$0xFFFFFFE0]  }
0x60: {  	v13 =	vand.u32 $0x7C, v13;
	v15 =	vld [tilespmem:s0+$0xFFFFFFD0]  }
0x61: {  	v17 =	vadd.s32 v0, v13;
	v16 =	vld [tilespmem:s0+$0xFFFFFF80]  }
0x62: {  	s26 =	sadd.s32 $0x1, s24;
	v19 =	vadd.s32 v1, v13;
	v18 =	vld [tilespmem:s0+$0xFFFFFF90]  }
0x63: {  	v21 =	vmov s26;
	v22 =	vadd.s32 v2, v13;
	v20 =	vld [tilespmem:s0+$0xFFFFFFA0]  }
0x64: {  	v13 =	vadd.s32 v3, v13;
	v21 =	vand.u32 $0x7D, v21;
	v23 =	vld [tilespmem:s0+$0xFFFFFFB0]  }
0x65: {  	v25 =	vadd.s32 v0, v21;
	v24 =	vld [tilespmem:s0+$0xFFFFFFC0]  }
0x66: {  	s26 =	sadd.s32 $0x2, s24;
	[tilespmem:v17+s30+$0x0] =	vst.idx.msk $0xffff, v16;
	v16 =	vadd.s32 v1, v21  }
0x67: {  	v17 =	vmov s26;
	[tilespmem:v19+s30+$0x0] =	vst.idx.msk $0xffff, v18;
	v18 =	vadd.s32 v2, v21  }
0x68: {  	v19 =	vadd.s32 v3, v21;
	v17 =	vand.u32 $0x7E, v17;
	[tilespmem:v22+s30+$0x0] =	vst.idx.msk $0xffff, v20  }
0x69: {  	[tilespmem:v13+s30+$0x0] =	vst.idx.msk $0xffff, v23;
	v13 =	vadd.s32 v0, v17  }
0x6a: {  	s24 =	sadd.s32 $0x3, s24;
	v20 =	vadd.s32 v1, v17;
	[tilespmem:v25+s30+$0x0] =	vst.idx.msk $0xffff, v24  }
0x6b: {  	v21 =	vmov s24;
	[tilespmem:v16+s30+$0x0] =	vst.idx.msk $0xffff, v15;
	v15 =	vadd.s32 v2, v17  }
0x6c: {  	v16 =	vand.u32 $0x7F, v21;
	[tilespmem:v18+s30+$0x0] =	vst.idx.msk $0xffff, v14;
	v14 =	vadd.s32 v3, v17  }
0x6d: {  	[tilespmem:v19+s30+$0x0] =	vst.idx.msk $0xffff, v12;
	v12 =	vadd.s32 v0, v16  }
0x6e: {  	[tilespmem:v13+s30+$0x0] =	vst.idx.msk $0xffff, v11;
	v11 =	vadd.s32 v1, v16  }
0x6f: {  	[tilespmem:v20+s30+$0x0] =	vst.idx.msk $0xffff, v10;
	v10 =	vadd.s32 v2, v16  }
.Ltmp0:
0x70: {  	[tilespmem:v15+s30+$0x0] =	vst.idx.msk $0xffff, v5;
	v5 =	vadd.s32 v3, v16;
	(pc) =	sbr.rel @p1 .LBB2_3-.Ltmp0, $4  }
0x71: {  	[tilespmem:v14+s30+$0x0] =	vst.idx.msk $0xffff, v9  }
0x72: {  	[tilespmem:v12+s30+$0x0] =	vst.idx.msk $0xffff, v8  }
0x73: {  	[tilespmem:v11+s30+$0x0] =	vst.idx.msk $0xffff, v7  }
0x74: {  	[tilespmem:v10+s30+$0x0] =	vst.idx.msk $0xffff, v6  }
0x75: {  	_ =	sdelay $0x1  }
0x76: {  	p1 =	seq.s32 s2, $0x63  }
0x77: {  	s28 =	sshll.u32 s2, $0x10;
	s0 =	sshrl.u32 @!p1 s1, $0x2  }
0x78: {  	[tilespmem:v5+s30+$0x0] =	vst.idx.msk $0xffff, v4;
	s24 =	simm.s32 @!p1 $0x80;
	s26 =	simm.s32 @!p1 $0x6400;
	s1 =	sadd.s32 @!p1 $0x100, s0  }
0x79: {  	[tilespmem:s26], [sflag:$0x1] =	stream.indirect.gather @!p1 [hbm4b:s4+s24], $0x40, s1, s24, $0xb8;
	[tilespmem:$0xE800] =	vst v63  }
0x7a: {  	s31 =	sor.u32 s6, s28;
	s24 =	rddreg [dreg:$0x1]  }
0x7b: {  	s1 =	sadd.s32 s24, s31  }
0x7c: {  	[hbm4b:s1+s3] =	stream.linear.scatter [tilespmem:s30], [sflag:$0x3], $0x80, $0x38;
	[tilespmem:$0xE800] =	vst v63  }
0x7d: {  	s28 =	simm.s32 $0xA488;
	s26 =	sadd.s32 $0x10, s1  }
0x7e: {  	[hbm4b:s26+s3] =	stream.linear.scatter [tilespmem:s28], [sflag:$0x3], $0x80, $0x38;
	[tilespmem:$0xE800] =	vst v63  }
0x7f: {  	s26 =	sadd.s32 $0x20, s1;
	s28 =	simm.s32 $0xA510  }
0x80: {  	[hbm4b:s26+s3] =	stream.linear.scatter [tilespmem:s28], [sflag:$0x3], $0x80, $0x38;
	[tilespmem:$0xE800] =	vst v63  }
0x81: {  	s26 =	sadd.s32 $0x30, s1;
	s28 =	simm.s32 $0xA598  }
0x82: {  	[hbm4b:s26+s3] =	stream.linear.scatter [tilespmem:s28], [sflag:$0x3], $0x80, $0x38;
	[tilespmem:$0xE800] =	vst v63  }
0x83: {  	s26 =	sadd.s32 $0x40, s1;
	s28 =	simm.s32 $0xA620  }
0x84: {  	[hbm4b:s26+s3] =	stream.linear.scatter [tilespmem:s28], [sflag:$0x3], $0x80, $0x38;
	[tilespmem:$0xE800] =	vst v63  }
0x85: {  	s26 =	sadd.s32 $0x50, s1;
	s28 =	simm.s32 $0xA6A8  }
0x86: {  	[hbm4b:s26+s3] =	stream.linear.scatter [tilespmem:s28], [sflag:$0x3], $0x80, $0x38;
	[tilespmem:$0xE800] =	vst v63  }
0x87: {  	s26 =	sadd.s32 $0x60, s1;
	s28 =	simm.s32 $0xA730  }
0x88: {  	[hbm4b:s26+s3] =	stream.linear.scatter [tilespmem:s28], [sflag:$0x3], $0x80, $0x38;
	[tilespmem:$0xE800] =	vst v63  }
0x89: {  	s1 =	sadd.s32 $0x70, s1;
	s26 =	simm.s32 $0xA7B8  }
0x8a: {  	[hbm4b:s1+s3] =	stream.linear.scatter [tilespmem:s26], [sflag:$0x3], $0x80, $0x38;
	[tilespmem:$0xE800] =	vst v63  }
0x8b: {  	s28 =	simm.s32 $0xA840;
	s1 =	sadd.s32 s31, s7  }
0x8c: {  	[hbm4b:s1+s3] =	stream.linear.scatter [tilespmem:s28], [sflag:$0x3], $0x80, $0x38;
	[tilespmem:$0xE800] =	vst v63  }
0x8d: {  	s26 =	sadd.s32 $0x10, s1;
	s28 =	simm.s32 $0xA8C8  }
0x8e: {  	[hbm4b:s26+s3] =	stream.linear.scatter [tilespmem:s28], [sflag:$0x3], $0x80, $0x38;
	[tilespmem:$0xE800] =	vst v63  }
0x8f: {  	s26 =	sadd.s32 $0x20, s1;
	s28 =	simm.s32 $0xA950  }
0x90: {  	[hbm4b:s26+s3] =	stream.linear.scatter [tilespmem:s28], [sflag:$0x3], $0x80, $0x38;
	[tilespmem:$0xE800] =	vst v63  }
0x91: {  	s26 =	sadd.s32 $0x30, s1;
	s28 =	simm.s32 $0xA9D8  }
0x92: {  	[hbm4b:s26+s3] =	stream.linear.scatter [tilespmem:s28], [sflag:$0x3], $0x80, $0x38;
	[tilespmem:$0xE800] =	vst v63  }
0x93: {  	s26 =	sadd.s32 $0x40, s1;
	s28 =	simm.s32 $0xAA60  }
0x94: {  	[hbm4b:s26+s3] =	stream.linear.scatter [tilespmem:s28], [sflag:$0x3], $0x80, $0x38;
	[tilespmem:$0xE800] =	vst v63  }
0x95: {  	s26 =	sadd.s32 $0x50, s1;
	s28 =	simm.s32 $0xAAE8  }
0x96: {  	[hbm4b:s26+s3] =	stream.linear.scatter [tilespmem:s28], [sflag:$0x3], $0x80, $0x38;
	[tilespmem:$0xE800] =	vst v63  }
0x97: {  	s26 =	sadd.s32 $0x60, s1;
	s28 =	simm.s32 $0xAB70  }
0x98: {  	[hbm4b:s26+s3] =	stream.linear.scatter [tilespmem:s28], [sflag:$0x3], $0x80, $0x38;
	[tilespmem:$0xE800] =	vst v63  }
0x99: {  	s1 =	sadd.s32 $0x70, s1;
	s26 =	simm.s32 $0xABF8  }
0x9a: {  	[hbm4b:s1+s3] =	stream.linear.scatter [tilespmem:s26], [sflag:$0x3], $0x80, $0x38;
	[tilespmem:$0xE800] =	vst v63  }
0x9b: {  	s28 =	simm.s32 $0xAC80;
	s1 =	sadd.s32 s31, s8  }
0x9c: {  	[hbm4b:s1+s3] =	stream.linear.scatter [tilespmem:s28], [sflag:$0x3], $0x80, $0x38;
	[tilespmem:$0xE800] =	vst v63  }
0x9d: {  	s26 =	sadd.s32 $0x10, s1;
	s28 =	simm.s32 $0xAD08  }
0x9e: {  	[hbm4b:s26+s3] =	stream.linear.scatter [tilespmem:s28], [sflag:$0x3], $0x80, $0x38;
	[tilespmem:$0xE800] =	vst v63  }
0x9f: {  	s26 =	sadd.s32 $0x20, s1;
	s28 =	simm.s32 $0xAD90  }
0xa0: {  	[hbm4b:s26+s3] =	stream.linear.scatter [tilespmem:s28], [sflag:$0x3], $0x80, $0x38;
	[tilespmem:$0xE800] =	vst v63  }
0xa1: {  	s26 =	sadd.s32 $0x30, s1;
	s28 =	simm.s32 $0xAE18  }
0xa2: {  	[hbm4b:s26+s3] =	stream.linear.scatter [tilespmem:s28], [sflag:$0x3], $0x80, $0x38;
	[tilespmem:$0xE800] =	vst v63  }
0xa3: {  	s26 =	sadd.s32 $0x40, s1;
	s28 =	simm.s32 $0xAEA0  }
0xa4: {  	[hbm4b:s26+s3] =	stream.linear.scatter [tilespmem:s28], [sflag:$0x3], $0x80, $0x38;
	[tilespmem:$0xE800] =	vst v63  }
0xa5: {  	s26 =	sadd.s32 $0x50, s1;
	s28 =	simm.s32 $0xAF28  }
0xa6: {  	[hbm4b:s26+s3] =	stream.linear.scatter [tilespmem:s28], [sflag:$0x3], $0x80, $0x38;
	[tilespmem:$0xE800] =	vst v63  }
0xa7: {  	s26 =	sadd.s32 $0x60, s1;
	s28 =	simm.s32 $0xAFB0  }
0xa8: {  	[hbm4b:s26+s3] =	stream.linear.scatter [tilespmem:s28], [sflag:$0x3], $0x80, $0x38;
	[tilespmem:$0xE800] =	vst v63  }
0xa9: {  	s1 =	sadd.s32 $0x70, s1;
	s26 =	simm.s32 $0xB038  }
0xaa: {  	[hbm4b:s1+s3] =	stream.linear.scatter [tilespmem:s26], [sflag:$0x3], $0x80, $0x38;
	[tilespmem:$0xE800] =	vst v63  }
0xab: {  	s28 =	simm.s32 $0xB0C0;
	s1 =	sadd.s32 s31, s9  }
0xac: {  	[hbm4b:s1+s3] =	stream.linear.scatter [tilespmem:s28], [sflag:$0x3], $0x80, $0x38;
	[tilespmem:$0xE800] =	vst v63  }
0xad: {  	s26 =	sadd.s32 $0x10, s1;
	s28 =	simm.s32 $0xB148  }
0xae: {  	[hbm4b:s26+s3] =	stream.linear.scatter [tilespmem:s28], [sflag:$0x3], $0x80, $0x38;
	[tilespmem:$0xE800] =	vst v63  }
0xaf: {  	s26 =	sadd.s32 $0x20, s1;
	s28 =	simm.s32 $0xB1D0  }
0xb0: {  	[hbm4b:s26+s3] =	stream.linear.scatter [tilespmem:s28], [sflag:$0x3], $0x80, $0x38;
	[tilespmem:$0xE800] =	vst v63  }
0xb1: {  	s26 =	sadd.s32 $0x30, s1;
	s28 =	simm.s32 $0xB258  }
0xb2: {  	[hbm4b:s26+s3] =	stream.linear.scatter [tilespmem:s28], [sflag:$0x3], $0x80, $0x38;
	[tilespmem:$0xE800] =	vst v63  }
0xb3: {  	s26 =	sadd.s32 $0x40, s1;
	s28 =	simm.s32 $0xB2E0  }
0xb4: {  	[hbm4b:s26+s3] =	stream.linear.scatter [tilespmem:s28], [sflag:$0x3], $0x80, $0x38;
	[tilespmem:$0xE800] =	vst v63  }
0xb5: {  	s26 =	sadd.s32 $0x50, s1;
	s28 =	simm.s32 $0xB368  }
0xb6: {  	[hbm4b:s26+s3] =	stream.linear.scatter [tilespmem:s28], [sflag:$0x3], $0x80, $0x38;
	[tilespmem:$0xE800] =	vst v63  }
0xb7: {  	s26 =	sadd.s32 $0x60, s1;
	s28 =	simm.s32 $0xB3F0  }
0xb8: {  	[hbm4b:s26+s3] =	stream.linear.scatter [tilespmem:s28], [sflag:$0x3], $0x80, $0x38;
	[tilespmem:$0xE800] =	vst v63  }
0xb9: {  	s1 =	sadd.s32 $0x70, s1;
	s26 =	simm.s32 $0xB478  }
0xba: {  	[hbm4b:s1+s3] =	stream.linear.scatter [tilespmem:s26], [sflag:$0x3], $0x80, $0x38;
	[tilespmem:$0xE800] =	vst v63  }
0xbb: {  	s28 =	simm.s32 $0xB500;
	s1 =	sadd.s32 s31, s10  }
0xbc: {  	[hbm4b:s1+s3] =	stream.linear.scatter [tilespmem:s28], [sflag:$0x3], $0x80, $0x38;
	[tilespmem:$0xE800] =	vst v63  }
0xbd: {  	s26 =	sadd.s32 $0x10, s1;
	s28 =	simm.s32 $0xB588  }
0xbe: {  	[hbm4b:s26+s3] =	stream.linear.scatter [tilespmem:s28], [sflag:$0x3], $0x80, $0x38;
	[tilespmem:$0xE800] =	vst v63  }
0xbf: {  	s26 =	sadd.s32 $0x20, s1;
	s28 =	simm.s32 $0xB610  }
0xc0: {  	[hbm4b:s26+s3] =	stream.linear.scatter [tilespmem:s28], [sflag:$0x3], $0x80, $0x38;
	[tilespmem:$0xE800] =	vst v63  }
0xc1: {  	s26 =	sadd.s32 $0x30, s1;
	s28 =	simm.s32 $0xB698  }
0xc2: {  	[hbm4b:s26+s3] =	stream.linear.scatter [tilespmem:s28], [sflag:$0x3], $0x80, $0x38;
	[tilespmem:$0xE800] =	vst v63  }
0xc3: {  	s26 =	sadd.s32 $0x40, s1;
	s28 =	simm.s32 $0xB720  }
0xc4: {  	[hbm4b:s26+s3] =	stream.linear.scatter [tilespmem:s28], [sflag:$0x3], $0x80, $0x38;
	[tilespmem:$0xE800] =	vst v63  }
0xc5: {  	s26 =	sadd.s32 $0x50, s1;
	s28 =	simm.s32 $0xB7A8  }
0xc6: {  	[hbm4b:s26+s3] =	stream.linear.scatter [tilespmem:s28], [sflag:$0x3], $0x80, $0x38;
	[tilespmem:$0xE800] =	vst v63  }
0xc7: {  	s26 =	sadd.s32 $0x60, s1;
	s28 =	simm.s32 $0xB830  }
0xc8: {  	[hbm4b:s26+s3] =	stream.linear.scatter [tilespmem:s28], [sflag:$0x3], $0x80, $0x38;
	[tilespmem:$0xE800] =	vst v63  }
0xc9: {  	s1 =	sadd.s32 $0x70, s1;
	s26 =	simm.s32 $0xB8B8  }
0xca: {  	[hbm4b:s1+s3] =	stream.linear.scatter [tilespmem:s26], [sflag:$0x3], $0x80, $0x38;
	[tilespmem:$0xE800] =	vst v63  }
0xcb: {  	s28 =	simm.s32 $0xB940;
	s1 =	sadd.s32 s31, s11  }
0xcc: {  	[hbm4b:s1+s3] =	stream.linear.scatter [tilespmem:s28], [sflag:$0x3], $0x80, $0x38;
	[tilespmem:$0xE800] =	vst v63  }
0xcd: {  	s26 =	sadd.s32 $0x10, s1;
	s28 =	simm.s32 $0xB9C8  }
0xce: {  	[hbm4b:s26+s3] =	stream.linear.scatter [tilespmem:s28], [sflag:$0x3], $0x80, $0x38;
	[tilespmem:$0xE800] =	vst v63  }
0xcf: {  	s26 =	sadd.s32 $0x20, s1;
	s28 =	simm.s32 $0xBA50  }
0xd0: {  	[hbm4b:s26+s3] =	stream.linear.scatter [tilespmem:s28], [sflag:$0x3], $0x80, $0x38;
	[tilespmem:$0xE800] =	vst v63  }
0xd1: {  	s26 =	sadd.s32 $0x30, s1;
	s28 =	simm.s32 $0xBAD8  }
0xd2: {  	[hbm4b:s26+s3] =	stream.linear.scatter [tilespmem:s28], [sflag:$0x3], $0x80, $0x38;
	[tilespmem:$0xE800] =	vst v63  }
0xd3: {  	s26 =	sadd.s32 $0x40, s1;
	s28 =	simm.s32 $0xBB60  }
0xd4: {  	[hbm4b:s26+s3] =	stream.linear.scatter [tilespmem:s28], [sflag:$0x3], $0x80, $0x38;
	[tilespmem:$0xE800] =	vst v63  }
0xd5: {  	s26 =	sadd.s32 $0x50, s1;
	s28 =	simm.s32 $0xBBE8  }
0xd6: {  	[hbm4b:s26+s3] =	stream.linear.scatter [tilespmem:s28], [sflag:$0x3], $0x80, $0x38;
	[tilespmem:$0xE800] =	vst v63  }
0xd7: {  	s26 =	sadd.s32 $0x60, s1;
	s28 =	simm.s32 $0xBC70  }
0xd8: {  	[hbm4b:s26+s3] =	stream.linear.scatter [tilespmem:s28], [sflag:$0x3], $0x80, $0x38;
	[tilespmem:$0xE800] =	vst v63  }
0xd9: {  	s1 =	sadd.s32 $0x70, s1;
	s26 =	simm.s32 $0xBCF8  }
0xda: {  	[hbm4b:s1+s3] =	stream.linear.scatter [tilespmem:s26], [sflag:$0x3], $0x80, $0x38;
	[tilespmem:$0xE800] =	vst v63  }
0xdb: {  	s28 =	simm.s32 $0xBD80;
	s1 =	sadd.s32 s31, s12  }
0xdc: {  	[hbm4b:s1+s3] =	stream.linear.scatter [tilespmem:s28], [sflag:$0x3], $0x80, $0x38;
	[tilespmem:$0xE800] =	vst v63  }
0xdd: {  	s26 =	sadd.s32 $0x10, s1;
	s28 =	simm.s32 $0xBE08  }
0xde: {  	[hbm4b:s26+s3] =	stream.linear.scatter [tilespmem:s28], [sflag:$0x3], $0x80, $0x38;
	[tilespmem:$0xE800] =	vst v63  }
0xdf: {  	s26 =	sadd.s32 $0x20, s1;
	s28 =	simm.s32 $0xBE90  }
0xe0: {  	[hbm4b:s26+s3] =	stream.linear.scatter [tilespmem:s28], [sflag:$0x3], $0x80, $0x38;
	[tilespmem:$0xE800] =	vst v63  }
0xe1: {  	s26 =	sadd.s32 $0x30, s1;
	s28 =	simm.s32 $0xBF18  }
0xe2: {  	[hbm4b:s26+s3] =	stream.linear.scatter [tilespmem:s28], [sflag:$0x3], $0x80, $0x38;
	[tilespmem:$0xE800] =	vst v63  }
0xe3: {  	s26 =	sadd.s32 $0x40, s1;
	s28 =	simm.s32 $0xBFA0  }
0xe4: {  	[hbm4b:s26+s3] =	stream.linear.scatter [tilespmem:s28], [sflag:$0x3], $0x80, $0x38;
	[tilespmem:$0xE800] =	vst v63  }
0xe5: {  	s26 =	sadd.s32 $0x50, s1;
	s28 =	simm.s32 $0xC028  }
0xe6: {  	[hbm4b:s26+s3] =	stream.linear.scatter [tilespmem:s28], [sflag:$0x3], $0x80, $0x38;
	[tilespmem:$0xE800] =	vst v63  }
0xe7: {  	s26 =	sadd.s32 $0x60, s1;
	s28 =	simm.s32 $0xC0B0  }
0xe8: {  	[hbm4b:s26+s3] =	stream.linear.scatter [tilespmem:s28], [sflag:$0x3], $0x80, $0x38;
	[tilespmem:$0xE800] =	vst v63  }
0xe9: {  	s1 =	sadd.s32 $0x70, s1;
	s26 =	simm.s32 $0xC138  }
0xea: {  	[hbm4b:s1+s3] =	stream.linear.scatter [tilespmem:s26], [sflag:$0x3], $0x80, $0x38;
	[tilespmem:$0xE800] =	vst v63  }
0xeb: {  	s28 =	simm.s32 $0xC1C0;
	s1 =	sadd.s32 s31, s13  }
0xec: {  	[hbm4b:s1+s3] =	stream.linear.scatter [tilespmem:s28], [sflag:$0x3], $0x80, $0x38;
	[tilespmem:$0xE800] =	vst v63  }
0xed: {  	s26 =	sadd.s32 $0x10, s1;
	s28 =	simm.s32 $0xC248  }
0xee: {  	[hbm4b:s26+s3] =	stream.linear.scatter [tilespmem:s28], [sflag:$0x3], $0x80, $0x38;
	[tilespmem:$0xE800] =	vst v63  }
0xef: {  	s26 =	sadd.s32 $0x20, s1;
	s28 =	simm.s32 $0xC2D0  }
0xf0: {  	[hbm4b:s26+s3] =	stream.linear.scatter [tilespmem:s28], [sflag:$0x3], $0x80, $0x38;
	[tilespmem:$0xE800] =	vst v63  }
0xf1: {  	s26 =	sadd.s32 $0x30, s1;
	s28 =	simm.s32 $0xC358  }
0xf2: {  	[hbm4b:s26+s3] =	stream.linear.scatter [tilespmem:s28], [sflag:$0x3], $0x80, $0x38;
	[tilespmem:$0xE800] =	vst v63  }
0xf3: {  	s26 =	sadd.s32 $0x40, s1;
	s28 =	simm.s32 $0xC3E0  }
0xf4: {  	[hbm4b:s26+s3] =	stream.linear.scatter [tilespmem:s28], [sflag:$0x3], $0x80, $0x38;
	[tilespmem:$0xE800] =	vst v63  }
0xf5: {  	s26 =	sadd.s32 $0x50, s1;
	s28 =	simm.s32 $0xC468  }
0xf6: {  	[hbm4b:s26+s3] =	stream.linear.scatter [tilespmem:s28], [sflag:$0x3], $0x80, $0x38;
	[tilespmem:$0xE800] =	vst v63  }
0xf7: {  	s26 =	sadd.s32 $0x60, s1;
	s28 =	simm.s32 $0xC4F0  }
0xf8: {  	[hbm4b:s26+s3] =	stream.linear.scatter [tilespmem:s28], [sflag:$0x3], $0x80, $0x38;
	[tilespmem:$0xE800] =	vst v63  }
0xf9: {  	s1 =	sadd.s32 $0x70, s1;
	s28 =	simm.s32 $0xC578  }
0xfa: {  	[hbm4b:s1+s3] =	stream.linear.scatter [tilespmem:s28], [sflag:$0x3], $0x80, $0x38;
	[tilespmem:$0xE800] =	vst v63  }
0xfb: {  	_ =	swait.ge [sflag:s23], $0x2000  }
0xfc: {  	[sflag:s23] =	ssyncset.done $0x0  }
0xfd: {  	s1 =	simm.s32 @!p0 $0x4;
	[sflag:s23] =	ssyncadd.s32 $0xFFFFE000  }
0xfe: {  	_ =	swait.ge @!p0 [sflag:s1], $0x400  }
0xff: {  	[sflag:s1] =	ssyncset.done @!p0 $0x0  }
0x100: {  	[sflag:s1] =	ssyncadd.s32 @!p0 $0xFFFFFC00  }
0x101: {  	_ =	swait.ge @!p0 [sflag:s1], $0x400  }
0x102: {  	[sflag:s1] =	ssyncset.done @!p0 $0x0  }
0x103: {  	[sflag:s1] =	ssyncadd.s32 @!p0 $0xFFFFFC00  }
0x104: {  	_ =	swait.ge @!p0 [sflag:s1], $0x400  }
0x105: {  	[sflag:s1] =	ssyncset.done @!p0 $0x0  }
0x106: {  	[sflag:s1] =	ssyncadd.s32 @!p0 $0xFFFFFC00  }
0x107: {  	_ =	swait.ge @!p0 [sflag:s1], $0x400  }
0x108: {  	[sflag:s1] =	ssyncset.done @!p0 $0x0  }
0x109: {  	[sflag:s1] =	ssyncadd.s32 @!p0 $0xFFFFFC00  }
0x10a: {  	_ =	swait.ge @!p0 [sflag:s1], $0x400  }
0x10b: {  	[sflag:s1] =	ssyncset.done @!p0 $0x0  }
0x10c: {  	[sflag:s1] =	ssyncadd.s32 @!p0 $0xFFFFFC00  }
0x10d: {  	_ =	swait.ge @!p0 [sflag:s1], $0x400  }
0x10e: {  	[sflag:s1] =	ssyncset.done @!p0 $0x0  }
0x10f: {  	[sflag:s1] =	ssyncadd.s32 @!p0 $0xFFFFFC00  }
0x110: {  	_ =	swait.ge @!p0 [sflag:s1], $0x400  }
0x111: {  	[sflag:s1] =	ssyncset.done @!p0 $0x0  }
0x112: {  	[sflag:s1] =	ssyncadd.s32 @!p0 $0xFFFFFC00  }
0x113: {  	_ =	swait.ge @!p0 [sflag:s1], $0x400  }
0x114: {  	[sflag:s1] =	ssyncset.done @!p0 $0x0  }
0x115: {  	[sflag:s1] =	ssyncadd.s32 @!p0 $0xFFFFFC00;
	s1 =	simm.s32 $0x8480  }
0x116: {  	v4 =	vld [tilespmem:s1+$0x70]  }
0x117: {  	v6 =	vld [tilespmem:s1+$0x60]  }
0x118: {  	v5 =	vld [tilespmem:s1+$0x50]  }
0x119: {  	v7 =	vld [tilespmem:s1+$0x40]  }
0x11a: {  	v8 =	vld [tilespmem:s1+$0x30]  }
0x11b: {  	v9 =	vld [tilespmem:s1+$0x20]  }
0x11c: {  	v10 =	vld [tilespmem:s1+$0x10]  }
0x11d: {  	s26 =	simm.s32 $0x0;
	v11 =	vld [tilespmem:s1+$0x0]  }
0x11e: {  	v13 =	vmov s26;
	v12 =	vld [tilespmem:s1+$0xFFFFFFF0]  }
0x11f: {  	v13 =	vand.u32 $0x7C, v13;
	v14 =	vld [tilespmem:s1+$0xFFFFFFE0]  }
0x120: {  	v17 =	vadd.s32 v0, v13;
	v16 =	vld [tilespmem:s1+$0xFFFFFF80]  }
0x121: {  	s28 =	simm.s32 $0x1;
	v19 =	vadd.s32 v1, v13;
	v18 =	vld [tilespmem:s1+$0xFFFFFF90]  }
0x122: {  	v21 =	vmov s28;
	v22 =	vadd.s32 v2, v13;
	v20 =	vld [tilespmem:s1+$0xFFFFFFA0]  }
0x123: {  	v13 =	vadd.s32 v3, v13;
	v21 =	vand.u32 $0x7D, v21;
	v23 =	vld [tilespmem:s1+$0xFFFFFFB0]  }
0x124: {  	v25 =	vadd.s32 v0, v21;
	v24 =	vld [tilespmem:s1+$0xFFFFFFC0]  }
0x125: {  	s26 =	simm.s32 $0x2;
	v51 =	vadd.s32 v1, v21;
	v15 =	vld [tilespmem:s1+$0xFFFFFFD0];
	[tilespmem:v17+s25+$0x0] =	vst.idx.msk $0xffff, v16  }
0x126: {  	v52 =	vmov s26;
	v53 =	vadd.s32 v2, v21;
	[tilespmem:v19+s25+$0x0] =	vst.idx.msk $0xffff, v18  }
0x127: {  	v54 =	vadd.s32 v3, v21;
	v17 =	vand.u32 $0x7E, v52;
	[tilespmem:v22+s25+$0x0] =	vst.idx.msk $0xffff, v20  }
0x128: {  	v55 =	vadd.s32 v0, v17;
	[tilespmem:v13+s25+$0x0] =	vst.idx.msk $0xffff, v23  }
0x129: {  	s28 =	simm.s32 $0x3;
	v56 =	vadd.s32 v1, v17;
	[tilespmem:v25+s25+$0x0] =	vst.idx.msk $0xffff, v24  }
0x12a: {  	v57 =	vmov s28;
	v58 =	vadd.s32 v2, v17;
	[tilespmem:v51+s25+$0x0] =	vst.idx.msk $0xffff, v15  }
0x12b: {  	v60 =	vand.u32 $0x7F, v57;
	v59 =	vadd.s32 v3, v17;
	[tilespmem:v53+s25+$0x0] =	vst.idx.msk $0xffff, v14  }
0x12c: {  	v61 =	vadd.s32 v0, v60;
	[tilespmem:v54+s25+$0x0] =	vst.idx.msk $0xffff, v12  }
0x12d: {  	v62 =	vadd.s32 v1, v60;
	[tilespmem:v55+s25+$0x0] =	vst.idx.msk $0xffff, v11  }
0x12e: {  	[tilespmem:v56+s25+$0x0] =	vst.idx.msk $0xffff, v10  }
0x12f: {  	[tilespmem:v58+s25+$0x0] =	vst.idx.msk $0xffff, v9  }
0x130: {  	v63 =	vadd.s32 v2, v60;
	[tilespmem:v59+s25+$0x0] =	vst.idx.msk $0xffff, v8  }
0x131: {  	[tilespmem:v61+s25+$0x0] =	vst.idx.msk $0xffff, v7  }
0x132: {  	[tilespmem:v62+s25+$0x0] =	vst.idx.msk $0xffff, v5;
	v5 =	vadd.s32 v3, v60;
	_ =	sdelay $0x2  }
0x133: {  	s24 =	simm.s32 $0x4;
	[tilespmem:v63+s25+$0x0] =	vst.idx.msk $0xffff, v6  }
.LBB2_5:
0x134: {  	p0 =	sne.s32 s24, $0x7C  }
0x135: {  	[tilespmem:v5+s25+$0x0] =	vst.idx.msk $0xffff, v4;
	s1 =	sadd.s32 $0x100, s1;
	s26 =	smov.u32 s24;
	s24 =	sadd.s32 $0x4, s24  }
0x136: {  	v4 =	vld [tilespmem:s1+$0x70]  }
0x137: {  	v6 =	vld [tilespmem:s1+$0x60]  }
0x138: {  	v7 =	vld [tilespmem:s1+$0x50]  }
0x139: {  	v8 =	vld [tilespmem:s1+$0x40]  }
0x13a: {  	v9 =	vld [tilespmem:s1+$0x30]  }
0x13b: {  	v5 =	vld [tilespmem:s1+$0x20]  }
0x13c: {  	v10 =	vld [tilespmem:s1+$0x10]  }
0x13d: {  	v11 =	vld [tilespmem:s1+$0x0]  }
0x13e: {  	v12 =	vld [tilespmem:s1+$0xFFFFFFF0]  }
0x13f: {  	v13 =	vmov s26;
	v14 =	vld [tilespmem:s1+$0xFFFFFFE0]  }
0x140: {  	v13 =	vand.u32 $0x7C, v13;
	v15 =	vld [tilespmem:s1+$0xFFFFFFD0]  }
0x141: {  	v17 =	vadd.s32 v0, v13;
	v16 =	vld [tilespmem:s1+$0xFFFFFF80]  }
0x142: {  	s28 =	sadd.s32 $0x1, s26;
	v19 =	vadd.s32 v1, v13;
	v18 =	vld [tilespmem:s1+$0xFFFFFF90]  }
0x143: {  	v21 =	vmov s28;
	v22 =	vadd.s32 v2, v13;
	v20 =	vld [tilespmem:s1+$0xFFFFFFA0]  }
0x144: {  	v13 =	vadd.s32 v3, v13;
	v21 =	vand.u32 $0x7D, v21;
	v23 =	vld [tilespmem:s1+$0xFFFFFFB0]  }
0x145: {  	v25 =	vadd.s32 v0, v21;
	v24 =	vld [tilespmem:s1+$0xFFFFFFC0]  }
0x146: {  	s28 =	sadd.s32 $0x2, s26;
	[tilespmem:v17+s25+$0x0] =	vst.idx.msk $0xffff, v16;
	v16 =	vadd.s32 v1, v21  }
0x147: {  	v17 =	vmov s28;
	[tilespmem:v19+s25+$0x0] =	vst.idx.msk $0xffff, v18;
	v18 =	vadd.s32 v2, v21  }
0x148: {  	v19 =	vadd.s32 v3, v21;
	v17 =	vand.u32 $0x7E, v17;
	[tilespmem:v22+s25+$0x0] =	vst.idx.msk $0xffff, v20  }
0x149: {  	[tilespmem:v13+s25+$0x0] =	vst.idx.msk $0xffff, v23;
	v13 =	vadd.s32 v0, v17  }
0x14a: {  	s26 =	sadd.s32 $0x3, s26;
	v20 =	vadd.s32 v1, v17;
	[tilespmem:v25+s25+$0x0] =	vst.idx.msk $0xffff, v24  }
0x14b: {  	v21 =	vmov s26;
	[tilespmem:v16+s25+$0x0] =	vst.idx.msk $0xffff, v15;
	v15 =	vadd.s32 v2, v17  }
0x14c: {  	v16 =	vand.u32 $0x7F, v21;
	[tilespmem:v18+s25+$0x0] =	vst.idx.msk $0xffff, v14;
	v14 =	vadd.s32 v3, v17  }
0x14d: {  	[tilespmem:v19+s25+$0x0] =	vst.idx.msk $0xffff, v12;
	v12 =	vadd.s32 v0, v16  }
0x14e: {  	[tilespmem:v13+s25+$0x0] =	vst.idx.msk $0xffff, v11;
	v11 =	vadd.s32 v1, v16  }
0x14f: {  	[tilespmem:v20+s25+$0x0] =	vst.idx.msk $0xffff, v10;
	v10 =	vadd.s32 v2, v16  }
.Ltmp1:
0x150: {  	[tilespmem:v15+s25+$0x0] =	vst.idx.msk $0xffff, v5;
	v5 =	vadd.s32 v3, v16;
	(pc) =	sbr.rel @p0 .LBB2_5-.Ltmp1, $4  }
0x151: {  	[tilespmem:v14+s25+$0x0] =	vst.idx.msk $0xffff, v9  }
0x152: {  	[tilespmem:v12+s25+$0x0] =	vst.idx.msk $0xffff, v8  }
0x153: {  	[tilespmem:v11+s25+$0x0] =	vst.idx.msk $0xffff, v7  }
0x154: {  	[tilespmem:v10+s25+$0x0] =	vst.idx.msk $0xffff, v6  }
0x155: {  	_ =	sdelay $0x3  }
0x156: {  	[tilespmem:v5+s25+$0x0] =	vst.idx.msk $0xffff, v4;
	s0 =	sadd.s32 @!p1 $0x180, s0;
	s1 =	simm.s32 @!p1 $0x80;
	s24 =	simm.s32 @!p1 $0x8400  }
0x157: {  	[tilespmem:s24], [sflag:$0x2] =	stream.indirect.gather @!p1 [hbm4b:s4+s1], $0x40, s0, s1, $0xb8;
	[tilespmem:$0xE800] =	vst v63  }
0x158: {  	s0 =	sadd.s32 s31, s14  }
0x159: {  	[hbm4b:s0+s3] =	stream.linear.scatter [tilespmem:s25], [sflag:$0x4], $0x80, $0x38;
	[tilespmem:$0xE800] =	vst v63  }
0x15a: {  	s28 =	simm.s32 $0xC688;
	s26 =	sadd.s32 $0x10, s0  }
0x15b: {  	[hbm4b:s26+s3] =	stream.linear.scatter [tilespmem:s28], [sflag:$0x4], $0x80, $0x38;
	[tilespmem:$0xE800] =	vst v63  }
0x15c: {  	s26 =	sadd.s32 $0x20, s0;
	s28 =	simm.s32 $0xC710  }
0x15d: {  	[hbm4b:s26+s3] =	stream.linear.scatter [tilespmem:s28], [sflag:$0x4], $0x80, $0x38;
	[tilespmem:$0xE800] =	vst v63  }
0x15e: {  	s26 =	sadd.s32 $0x30, s0;
	s28 =	simm.s32 $0xC798  }
0x15f: {  	[hbm4b:s26+s3] =	stream.linear.scatter [tilespmem:s28], [sflag:$0x4], $0x80, $0x38;
	[tilespmem:$0xE800] =	vst v63  }
0x160: {  	s26 =	sadd.s32 $0x40, s0;
	s28 =	simm.s32 $0xC820  }
0x161: {  	[hbm4b:s26+s3] =	stream.linear.scatter [tilespmem:s28], [sflag:$0x4], $0x80, $0x38;
	[tilespmem:$0xE800] =	vst v63  }
0x162: {  	s26 =	sadd.s32 $0x50, s0;
	s28 =	simm.s32 $0xC8A8  }
0x163: {  	[hbm4b:s26+s3] =	stream.linear.scatter [tilespmem:s28], [sflag:$0x4], $0x80, $0x38;
	[tilespmem:$0xE800] =	vst v63  }
0x164: {  	s24 =	sadd.s32 $0x60, s0;
	s26 =	simm.s32 $0xC930  }
0x165: {  	[hbm4b:s24+s3] =	stream.linear.scatter [tilespmem:s26], [sflag:$0x4], $0x80, $0x38;
	[tilespmem:$0xE800] =	vst v63  }
0x166: {  	s0 =	sadd.s32 $0x70, s0;
	s28 =	simm.s32 $0xC9B8  }
0x167: {  	[hbm4b:s0+s3] =	stream.linear.scatter [tilespmem:s28], [sflag:$0x4], $0x80, $0x38;
	[tilespmem:$0xE800] =	vst v63  }
0x168: {  	s24 =	simm.s32 $0xCA40;
	s0 =	sadd.s32 s31, s15  }
0x169: {  	[hbm4b:s0+s3] =	stream.linear.scatter [tilespmem:s24], [sflag:$0x4], $0x80, $0x38;
	[tilespmem:$0xE800] =	vst v63  }
0x16a: {  	s28 =	simm.s32 $0xCAC8;
	s26 =	sadd.s32 $0x10, s0  }
0x16b: {  	[hbm4b:s26+s3] =	stream.linear.scatter [tilespmem:s28], [sflag:$0x4], $0x80, $0x38;
	[tilespmem:$0xE800] =	vst v63  }
0x16c: {  	s26 =	sadd.s32 $0x20, s0;
	s28 =	simm.s32 $0xCB50  }
0x16d: {  	[hbm4b:s26+s3] =	stream.linear.scatter [tilespmem:s28], [sflag:$0x4], $0x80, $0x38;
	[tilespmem:$0xE800] =	vst v63  }
0x16e: {  	s26 =	sadd.s32 $0x30, s0;
	s28 =	simm.s32 $0xCBD8  }
0x16f: {  	[hbm4b:s26+s3] =	stream.linear.scatter [tilespmem:s28], [sflag:$0x4], $0x80, $0x38;
	[tilespmem:$0xE800] =	vst v63  }
0x170: {  	s26 =	sadd.s32 $0x40, s0;
	s28 =	simm.s32 $0xCC60  }
0x171: {  	[hbm4b:s26+s3] =	stream.linear.scatter [tilespmem:s28], [sflag:$0x4], $0x80, $0x38;
	[tilespmem:$0xE800] =	vst v63  }
0x172: {  	s26 =	sadd.s32 $0x50, s0;
	s28 =	simm.s32 $0xCCE8  }
0x173: {  	[hbm4b:s26+s3] =	stream.linear.scatter [tilespmem:s28], [sflag:$0x4], $0x80, $0x38;
	[tilespmem:$0xE800] =	vst v63  }
0x174: {  	s24 =	sadd.s32 $0x60, s0;
	s26 =	simm.s32 $0xCD70  }
0x175: {  	[hbm4b:s24+s3] =	stream.linear.scatter [tilespmem:s26], [sflag:$0x4], $0x80, $0x38;
	[tilespmem:$0xE800] =	vst v63  }
0x176: {  	s0 =	sadd.s32 $0x70, s0;
	s28 =	simm.s32 $0xCDF8  }
0x177: {  	[hbm4b:s0+s3] =	stream.linear.scatter [tilespmem:s28], [sflag:$0x4], $0x80, $0x38;
	[tilespmem:$0xE800] =	vst v63  }
0x178: {  	s24 =	simm.s32 $0xCE80;
	s0 =	sadd.s32 s31, s16  }
0x179: {  	[hbm4b:s0+s3] =	stream.linear.scatter [tilespmem:s24], [sflag:$0x4], $0x80, $0x38;
	[tilespmem:$0xE800] =	vst v63  }
0x17a: {  	s28 =	simm.s32 $0xCF08;
	s26 =	sadd.s32 $0x10, s0  }
0x17b: {  	[hbm4b:s26+s3] =	stream.linear.scatter [tilespmem:s28], [sflag:$0x4], $0x80, $0x38;
	[tilespmem:$0xE800] =	vst v63  }
0x17c: {  	s26 =	sadd.s32 $0x20, s0;
	s28 =	simm.s32 $0xCF90  }
0x17d: {  	[hbm4b:s26+s3] =	stream.linear.scatter [tilespmem:s28], [sflag:$0x4], $0x80, $0x38;
	[tilespmem:$0xE800] =	vst v63  }
0x17e: {  	s26 =	sadd.s32 $0x30, s0;
	s28 =	simm.s32 $0xD018  }
0x17f: {  	[hbm4b:s26+s3] =	stream.linear.scatter [tilespmem:s28], [sflag:$0x4], $0x80, $0x38;
	[tilespmem:$0xE800] =	vst v63  }
0x180: {  	s26 =	sadd.s32 $0x40, s0;
	s28 =	simm.s32 $0xD0A0  }
0x181: {  	[hbm4b:s26+s3] =	stream.linear.scatter [tilespmem:s28], [sflag:$0x4], $0x80, $0x38;
	[tilespmem:$0xE800] =	vst v63  }
0x182: {  	s26 =	sadd.s32 $0x50, s0;
	s28 =	simm.s32 $0xD128  }
0x183: {  	[hbm4b:s26+s3] =	stream.linear.scatter [tilespmem:s28], [sflag:$0x4], $0x80, $0x38;
	[tilespmem:$0xE800] =	vst v63  }
0x184: {  	s24 =	sadd.s32 $0x60, s0;
	s26 =	simm.s32 $0xD1B0  }
0x185: {  	[hbm4b:s24+s3] =	stream.linear.scatter [tilespmem:s26], [sflag:$0x4], $0x80, $0x38;
	[tilespmem:$0xE800] =	vst v63  }
0x186: {  	s0 =	sadd.s32 $0x70, s0;
	s28 =	simm.s32 $0xD238  }
0x187: {  	[hbm4b:s0+s3] =	stream.linear.scatter [tilespmem:s28], [sflag:$0x4], $0x80, $0x38;
	[tilespmem:$0xE800] =	vst v63  }
0x188: {  	s24 =	simm.s32 $0xD2C0;
	s0 =	sadd.s32 s31, s17  }
0x189: {  	[hbm4b:s0+s3] =	stream.linear.scatter [tilespmem:s24], [sflag:$0x4], $0x80, $0x38;
	[tilespmem:$0xE800] =	vst v63  }
0x18a: {  	s28 =	simm.s32 $0xD348;
	s26 =	sadd.s32 $0x10, s0  }
0x18b: {  	[hbm4b:s26+s3] =	stream.linear.scatter [tilespmem:s28], [sflag:$0x4], $0x80, $0x38;
	[tilespmem:$0xE800] =	vst v63  }
0x18c: {  	s26 =	sadd.s32 $0x20, s0;
	s28 =	simm.s32 $0xD3D0  }
0x18d: {  	[hbm4b:s26+s3] =	stream.linear.scatter [tilespmem:s28], [sflag:$0x4], $0x80, $0x38;
	[tilespmem:$0xE800] =	vst v63  }
0x18e: {  	s26 =	sadd.s32 $0x30, s0;
	s28 =	simm.s32 $0xD458  }
0x18f: {  	[hbm4b:s26+s3] =	stream.linear.scatter [tilespmem:s28], [sflag:$0x4], $0x80, $0x38;
	[tilespmem:$0xE800] =	vst v63  }
0x190: {  	s26 =	sadd.s32 $0x40, s0;
	s28 =	simm.s32 $0xD4E0  }
0x191: {  	[hbm4b:s26+s3] =	stream.linear.scatter [tilespmem:s28], [sflag:$0x4], $0x80, $0x38;
	[tilespmem:$0xE800] =	vst v63  }
0x192: {  	s26 =	sadd.s32 $0x50, s0;
	s28 =	simm.s32 $0xD568  }
0x193: {  	[hbm4b:s26+s3] =	stream.linear.scatter [tilespmem:s28], [sflag:$0x4], $0x80, $0x38;
	[tilespmem:$0xE800] =	vst v63  }
0x194: {  	s24 =	sadd.s32 $0x60, s0;
	s26 =	simm.s32 $0xD5F0  }
0x195: {  	[hbm4b:s24+s3] =	stream.linear.scatter [tilespmem:s26], [sflag:$0x4], $0x80, $0x38;
	[tilespmem:$0xE800] =	vst v63  }
0x196: {  	s0 =	sadd.s32 $0x70, s0;
	s28 =	simm.s32 $0xD678  }
0x197: {  	[hbm4b:s0+s3] =	stream.linear.scatter [tilespmem:s28], [sflag:$0x4], $0x80, $0x38;
	[tilespmem:$0xE800] =	vst v63  }
0x198: {  	s24 =	simm.s32 $0xD700;
	s0 =	sadd.s32 s31, s18  }
0x199: {  	[hbm4b:s0+s3] =	stream.linear.scatter [tilespmem:s24], [sflag:$0x4], $0x80, $0x38;
	[tilespmem:$0xE800] =	vst v63  }
0x19a: {  	s28 =	simm.s32 $0xD788;
	s26 =	sadd.s32 $0x10, s0  }
0x19b: {  	[hbm4b:s26+s3] =	stream.linear.scatter [tilespmem:s28], [sflag:$0x4], $0x80, $0x38;
	[tilespmem:$0xE800] =	vst v63  }
0x19c: {  	s26 =	sadd.s32 $0x20, s0;
	s28 =	simm.s32 $0xD810  }
0x19d: {  	[hbm4b:s26+s3] =	stream.linear.scatter [tilespmem:s28], [sflag:$0x4], $0x80, $0x38;
	[tilespmem:$0xE800] =	vst v63  }
0x19e: {  	s26 =	sadd.s32 $0x30, s0;
	s28 =	simm.s32 $0xD898  }
0x19f: {  	[hbm4b:s26+s3] =	stream.linear.scatter [tilespmem:s28], [sflag:$0x4], $0x80, $0x38;
	[tilespmem:$0xE800] =	vst v63  }
0x1a0: {  	s26 =	sadd.s32 $0x40, s0;
	s28 =	simm.s32 $0xD920  }
0x1a1: {  	[hbm4b:s26+s3] =	stream.linear.scatter [tilespmem:s28], [sflag:$0x4], $0x80, $0x38;
	[tilespmem:$0xE800] =	vst v63  }
0x1a2: {  	s26 =	sadd.s32 $0x50, s0;
	s28 =	simm.s32 $0xD9A8  }
0x1a3: {  	[hbm4b:s26+s3] =	stream.linear.scatter [tilespmem:s28], [sflag:$0x4], $0x80, $0x38;
	[tilespmem:$0xE800] =	vst v63  }
0x1a4: {  	s24 =	sadd.s32 $0x60, s0;
	s26 =	simm.s32 $0xDA30  }
0x1a5: {  	[hbm4b:s24+s3] =	stream.linear.scatter [tilespmem:s26], [sflag:$0x4], $0x80, $0x38;
	[tilespmem:$0xE800] =	vst v63  }
0x1a6: {  	s0 =	sadd.s32 $0x70, s0;
	s28 =	simm.s32 $0xDAB8  }
0x1a7: {  	[hbm4b:s0+s3] =	stream.linear.scatter [tilespmem:s28], [sflag:$0x4], $0x80, $0x38;
	[tilespmem:$0xE800] =	vst v63  }
0x1a8: {  	s24 =	simm.s32 $0xDB40;
	s0 =	sadd.s32 s31, s19  }
0x1a9: {  	[hbm4b:s0+s3] =	stream.linear.scatter [tilespmem:s24], [sflag:$0x4], $0x80, $0x38;
	[tilespmem:$0xE800] =	vst v63  }
0x1aa: {  	s28 =	simm.s32 $0xDBC8;
	s26 =	sadd.s32 $0x10, s0  }
0x1ab: {  	[hbm4b:s26+s3] =	stream.linear.scatter [tilespmem:s28], [sflag:$0x4], $0x80, $0x38;
	[tilespmem:$0xE800] =	vst v63  }
0x1ac: {  	s26 =	sadd.s32 $0x20, s0;
	s28 =	simm.s32 $0xDC50  }
0x1ad: {  	[hbm4b:s26+s3] =	stream.linear.scatter [tilespmem:s28], [sflag:$0x4], $0x80, $0x38;
	[tilespmem:$0xE800] =	vst v63  }
0x1ae: {  	s26 =	sadd.s32 $0x30, s0;
	s28 =	simm.s32 $0xDCD8  }
0x1af: {  	[hbm4b:s26+s3] =	stream.linear.scatter [tilespmem:s28], [sflag:$0x4], $0x80, $0x38;
	[tilespmem:$0xE800] =	vst v63  }
0x1b0: {  	s26 =	sadd.s32 $0x40, s0;
	s28 =	simm.s32 $0xDD60  }
0x1b1: {  	[hbm4b:s26+s3] =	stream.linear.scatter [tilespmem:s28], [sflag:$0x4], $0x80, $0x38;
	[tilespmem:$0xE800] =	vst v63  }
0x1b2: {  	s26 =	sadd.s32 $0x50, s0;
	s28 =	simm.s32 $0xDDE8  }
0x1b3: {  	[hbm4b:s26+s3] =	stream.linear.scatter [tilespmem:s28], [sflag:$0x4], $0x80, $0x38;
	[tilespmem:$0xE800] =	vst v63  }
0x1b4: {  	s24 =	sadd.s32 $0x60, s0;
	s26 =	simm.s32 $0xDE70  }
0x1b5: {  	[hbm4b:s24+s3] =	stream.linear.scatter [tilespmem:s26], [sflag:$0x4], $0x80, $0x38;
	[tilespmem:$0xE800] =	vst v63  }
0x1b6: {  	s0 =	sadd.s32 $0x70, s0;
	s28 =	simm.s32 $0xDEF8  }
0x1b7: {  	[hbm4b:s0+s3] =	stream.linear.scatter [tilespmem:s28], [sflag:$0x4], $0x80, $0x38;
	[tilespmem:$0xE800] =	vst v63  }
0x1b8: {  	s24 =	simm.s32 $0xDF80;
	s0 =	sadd.s32 s31, s20  }
0x1b9: {  	[hbm4b:s0+s3] =	stream.linear.scatter [tilespmem:s24], [sflag:$0x4], $0x80, $0x38;
	[tilespmem:$0xE800] =	vst v63  }
0x1ba: {  	s28 =	simm.s32 $0xE008;
	s26 =	sadd.s32 $0x10, s0  }
0x1bb: {  	[hbm4b:s26+s3] =	stream.linear.scatter [tilespmem:s28], [sflag:$0x4], $0x80, $0x38;
	[tilespmem:$0xE800] =	vst v63  }
0x1bc: {  	s26 =	sadd.s32 $0x20, s0;
	s28 =	simm.s32 $0xE090  }
0x1bd: {  	[hbm4b:s26+s3] =	stream.linear.scatter [tilespmem:s28], [sflag:$0x4], $0x80, $0x38;
	[tilespmem:$0xE800] =	vst v63  }
0x1be: {  	s26 =	sadd.s32 $0x30, s0;
	s28 =	simm.s32 $0xE118  }
0x1bf: {  	[hbm4b:s26+s3] =	stream.linear.scatter [tilespmem:s28], [sflag:$0x4], $0x80, $0x38;
	[tilespmem:$0xE800] =	vst v63  }
0x1c0: {  	s26 =	sadd.s32 $0x40, s0;
	s28 =	simm.s32 $0xE1A0  }
0x1c1: {  	[hbm4b:s26+s3] =	stream.linear.scatter [tilespmem:s28], [sflag:$0x4], $0x80, $0x38;
	[tilespmem:$0xE800] =	vst v63  }
0x1c2: {  	s26 =	sadd.s32 $0x50, s0;
	s28 =	simm.s32 $0xE228  }
0x1c3: {  	[hbm4b:s26+s3] =	stream.linear.scatter [tilespmem:s28], [sflag:$0x4], $0x80, $0x38;
	[tilespmem:$0xE800] =	vst v63  }
0x1c4: {  	s24 =	sadd.s32 $0x60, s0;
	s26 =	simm.s32 $0xE2B0  }
0x1c5: {  	[hbm4b:s24+s3] =	stream.linear.scatter [tilespmem:s26], [sflag:$0x4], $0x80, $0x38;
	[tilespmem:$0xE800] =	vst v63  }
0x1c6: {  	s0 =	sadd.s32 $0x70, s0;
	s28 =	simm.s32 $0xE338  }
0x1c7: {  	[hbm4b:s0+s3] =	stream.linear.scatter [tilespmem:s28], [sflag:$0x4], $0x80, $0x38;
	[tilespmem:$0xE800] =	vst v63  }
0x1c8: {  	s0 =	sadd.s32 s31, s21;
	s31 =	simm.s32 $0xE3C0  }
0x1c9: {  	[hbm4b:s0+s3] =	stream.linear.scatter [tilespmem:s31], [sflag:$0x4], $0x80, $0x38;
	[tilespmem:$0xE800] =	vst v63  }
0x1ca: {  	s26 =	simm.s32 $0xE448;
	s24 =	sadd.s32 $0x10, s0  }
0x1cb: {  	[hbm4b:s24+s3] =	stream.linear.scatter [tilespmem:s26], [sflag:$0x4], $0x80, $0x38;
	[tilespmem:$0xE800] =	vst v63  }
0x1cc: {  	s28 =	sadd.s32 $0x20, s0;
	s31 =	simm.s32 $0xE4D0  }
0x1cd: {  	[hbm4b:s28+s3] =	stream.linear.scatter [tilespmem:s31], [sflag:$0x4], $0x80, $0x38;
	[tilespmem:$0xE800] =	vst v63  }
0x1ce: {  	s24 =	sadd.s32 $0x30, s0;
	s26 =	simm.s32 $0xE558  }
0x1cf: {  	[hbm4b:s24+s3] =	stream.linear.scatter [tilespmem:s26], [sflag:$0x4], $0x80, $0x38;
	[tilespmem:$0xE800] =	vst v63  }
0x1d0: {  	s2 =	sadd.s32 $0x1, s2;
	s28 =	sadd.s32 $0x40, s0;
	s31 =	simm.s32 $0xE5E0  }
0x1d1: {  	[hbm4b:s28+s3] =	stream.linear.scatter [tilespmem:s31], [sflag:$0x4], $0x80, $0x38;
	[tilespmem:$0xE800] =	vst v63  }
0x1d2: {  	p0 =	sne.s32 s2, $0x64;
	s26 =	sadd.s32 $0x50, s0;
	s28 =	simm.s32 $0xE668  }
0x1d3: {  	[hbm4b:s26+s3] =	stream.linear.scatter [tilespmem:s28], [sflag:$0x4], $0x80, $0x38;
	[tilespmem:$0xE800] =	vst v63  }
.Ltmp2:
0x1d4: {  	_ = 	snop;
	(pc) =	sbr.rel @p0 .LBB2_2-.Ltmp2, $4  }
0x1d5: {  	s31 =	sadd.s32 $0x60, s0  }
0x1d6: {  	[hbm4b:s31+s3] =	stream.linear.scatter [tilespmem:s5], [sflag:$0x4], $0x80, $0x38;
	[tilespmem:$0xE800] =	vst v63  }
0x1d7: {  	s0 =	sadd.s32 $0x70, s0  }
0x1d8: {  	[hbm4b:s0+s3] =	stream.linear.scatter [tilespmem:s22], [sflag:$0x4], $0x80, $0x38;
	[tilespmem:$0xE800] =	vst v63  }
0x1d9: {  	s0 =	simm.s32 $0x3  }
0x1da: {  	_ =	swait.ge [sflag:s0], $0x400  }
0x1db: {  	[sflag:s0] =	ssyncset.done $0x0  }
0x1dc: {  	[sflag:s0] =	ssyncadd.s32 $0xFFFFFC00  }
0x1dd: {  	_ =	swait.ge [sflag:s0], $0x400  }
0x1de: {  	[sflag:s0] =	ssyncset.done $0x0  }
0x1df: {  	[sflag:s0] =	ssyncadd.s32 $0xFFFFFC00  }
0x1e0: {  	_ =	swait.ge [sflag:s0], $0x400  }
0x1e1: {  	[sflag:s0] =	ssyncset.done $0x0  }
0x1e2: {  	[sflag:s0] =	ssyncadd.s32 $0xFFFFFC00  }
0x1e3: {  	_ =	swait.ge [sflag:s0], $0x400  }
0x1e4: {  	[sflag:s0] =	ssyncset.done $0x0  }
0x1e5: {  	[sflag:s0] =	ssyncadd.s32 $0xFFFFFC00  }
0x1e6: {  	_ =	swait.ge [sflag:s0], $0x400  }
0x1e7: {  	[sflag:s0] =	ssyncset.done $0x0  }
0x1e8: {  	[sflag:s0] =	ssyncadd.s32 $0xFFFFFC00  }
0x1e9: {  	_ =	swait.ge [sflag:s0], $0x400  }
0x1ea: {  	[sflag:s0] =	ssyncset.done $0x0  }
0x1eb: {  	[sflag:s0] =	ssyncadd.s32 $0xFFFFFC00  }
0x1ec: {  	_ =	swait.ge [sflag:s0], $0x400  }
0x1ed: {  	[sflag:s0] =	ssyncset.done $0x0  }
0x1ee: {  	[sflag:s0] =	ssyncadd.s32 $0xFFFFFC00  }
0x1ef: {  	_ =	swait.ge [sflag:s0], $0x400  }
0x1f0: {  	[sflag:s0] =	ssyncset.done $0x0  }
0x1f1: {  	s1 =	simm.s32 $0x4;
	[sflag:s0] =	ssyncadd.s32 $0xFFFFFC00  }
0x1f2: {  	_ =	swait.ge [sflag:s1], $0x400  }
0x1f3: {  	[sflag:s1] =	ssyncset.done $0x0  }
0x1f4: {  	[sflag:s1] =	ssyncadd.s32 $0xFFFFFC00  }
0x1f5: {  	_ =	swait.ge [sflag:s1], $0x400  }
0x1f6: {  	[sflag:s1] =	ssyncset.done $0x0  }
0x1f7: {  	[sflag:s1] =	ssyncadd.s32 $0xFFFFFC00  }
0x1f8: {  	_ =	swait.ge [sflag:s1], $0x400  }
0x1f9: {  	[sflag:s1] =	ssyncset.done $0x0  }
0x1fa: {  	[sflag:s1] =	ssyncadd.s32 $0xFFFFFC00  }
0x1fb: {  	_ =	swait.ge [sflag:s1], $0x400  }
0x1fc: {  	[sflag:s1] =	ssyncset.done $0x0  }
0x1fd: {  	[sflag:s1] =	ssyncadd.s32 $0xFFFFFC00  }
0x1fe: {  	_ =	swait.ge [sflag:s1], $0x400  }
0x1ff: {  	[sflag:s1] =	ssyncset.done $0x0  }
0x200: {  	[sflag:s1] =	ssyncadd.s32 $0xFFFFFC00  }
0x201: {  	_ =	swait.ge [sflag:s1], $0x400  }
0x202: {  	[sflag:s1] =	ssyncset.done $0x0  }
0x203: {  	[sflag:s1] =	ssyncadd.s32 $0xFFFFFC00  }
0x204: {  	_ =	swait.ge [sflag:s1], $0x400  }
0x205: {  	[sflag:s1] =	ssyncset.done $0x0  }
0x206: {  	[sflag:s1] =	ssyncadd.s32 $0xFFFFFC00  }
0x207: {  	_ =	swait.ge [sflag:s1], $0x400  }
0x208: {  	s2 =	rddreg [dreg:$0x5]  }
0x209: {  	s31 =	rddreg [dreg:$0x4];
	s2 =	sadd.s32 $0x1, s2  }
0x20a: {  	p0 =	sne.s32 s2, s31  }
.Ltmp3:
0x20b: {  	_ = 	snop;
	(pc) =	sbr.rel @p0 .LBB2_1-.Ltmp3, $3  }
0x20c: {  	_ =	sdelay $0x1  }
0x20d: {  	[sflag:s1] =	ssyncset.done $0x0  }
0x20e: {  	[sflag:s1] =	ssyncadd.s32 $0xFFFFFC00  }
0x20f: {  	_ =	sfence.sel $0x180000  }
0x210: {  	[bflag:$0x0] =	sbarrier.arrive $0xFFFF  }
0x211: {  	_ =	strace $0x9000004A  }
0x212: {  	s0 =	stileid.u32;
	[bflag:$0x2] =	sbarrier.arrive $0xFFFF  }
0x213: {  	p0 =	sne.s32 s0, $0x0;
	s0 =	rddreg [dreg:$0x2]  }
0x214: {  	s0 =	sadd.s32 @!p0 $0x100000, s0  }
0x215: {  	[sflag:s0] =	ssyncadd.tile.s32 @!p0 $0x1;
	_ =	shalt  }
.Lfunc_end2:
_tile_overlayer_lowered:
.L_overlay_start_2:
0x216: {  	(tag) =	ssettag $0x2  }
0x217: {  	s0 =	rddreg [dreg:$0x0];
	s2 =	stileid.u32  }
0x218: {  	s1 =	rddreg [dreg:$0x1];
	p0 =	sne.s32 s2, $0x0  }
0x219: {  	s3 =	rddreg [dreg:$0x2];
	[bflag:$0x3] =	sbarrier.arrive $0xFFFF;
	s2 =	simm.s32 @!p0 $0x1C05  }
0x21a: {  	[timem:s3], [sflag:s2] =	dma.local @!p0 [hbm:s0], s1  }
0x21b: {  	s0 =	simm.s32 @!p0 $0x5  }
0x21c: {  	_ =	swait.ge @!p0 [sflag:s0], s1  }
0x21d: {  	s1 =	ssub.s32 @!p0 $0x0, s1;
	[sflag:s0] =	ssyncset.done @!p0 $0x0  }
0x21e: {  	[sflag:s0] =	ssyncadd.s32 @!p0 s1  }
0x21f: {  	[bflag:$0x3] =	sbarrier.arrive $0xFFFF  }
0x220: {  	_ =	shalt  }

// kernel: sparse-core-data-format-call.cloned.1.call-start
scs
called_computation_lowered:
.L_overlay_start_0:
0x0: {  	s2 =	sld [smem:$0x3FD9]  }
0x1: {  	s3 =	sld [smem:$0x3FFE];
	_ =	sdelay $0x1  }
0x2: {  	s1 =	srdreg.scid  }
0x3: {  	s0 =	sand.u32 $0x1, s1  }
0x4: {  	s18 =	sshll.u32 s0, $0xA;
	s2 =	sadd.s32 s3, s2  }
0x5: {  	s2 =	sadd.s32 s2, s18  }
0x6: {  	[smem:$0x3FC6] =	sst s2  }
0x7: {  	_ = 	snop  }
0x8: {  	s2 =	sld [smem:$0x3FC8];
	(tm) =	ssettm $0x1  }
0x9: {  	s19 =	sld [smem:$0x3FFB];
	_ =	sdelay $0x3  }
0xa: {  	_ =	strace s19  }
0xb: {  	s3 =	sld [smem:$0x3FFC];
	_ =	sdelay $0x3  }
0xc: {  	_ =	strace s3  }
0xd: {  	s3 =	sld [smem:$0x3FFD];
	_ =	sdelay $0x3  }
0xe: {  	_ =	strace s3  }
0xf: {  	_ =	strace $0x8FFFFFFF  }
0x10: {  	s20 =	sld [smem:$0x3FDB];
	_ =	sdelay $0x1  }
0x11: {  	s4 =	simm.s32 $_scs_section_size  }
0x12: {  	s5 =	simm.s32 $_size__tile_overlayer_lowered;
	s6 =	simm.s32 $_tile_overlayer_lowered  }
0x13: {  	s23 =	simm.s32 $0x1BFF;
	s22 =	sshll.u32 s6, $0x1;
	s3 =	sadd.s32 s4, s20  }
0x14: {  	s7 =	simm.s32 $0x0;
	s21 =	sshll.u32 s5, $0x1;
	s5 =	sadd.s32 s22, s3  }
0x15: {  	[timem:s7], [sflag:s23] =	dma.local [hbm:s5], s21  }
0x16: {  	_ =	swait.ge [sflag:s23], s21  }
0x17: {  	s4 =	ssub.s32 $0x0, s21;
	[sflag:s23] =	ssyncset.done $0x0  }
0x18: {  	[sflag:s23] =	ssyncadd.s32 s4;
	_ =	sdelay $0x1  }
0x19: {  	s24 =	simm.s32 $0x1B8B  }
0x1a: {  	_ =	swait.ge [sflag:s24], $0x1  }
0x1b: {  	[sflag:s24] =	ssyncset.done $0x0  }
0x1c: {  	s26 =	simm.s32 $0x1B8E;
	s25 =	sld [smem:$0x3FFE];
	[sflag:s24] =	ssyncadd.s32 $0xFFFFFFFF  }
0x1d: {  	s27 =	simm.s32 $execute0_lowered;
	[smem:$0x3FD2] =	sst s26  }
0x1e: {  	s5 =	sshll.u32 s27, $0x1;
	_ =	strace $0x80000046;
	[dreg:$0x1] =	wrdreg $0xFFFFFFFF  }
0x1f: {  	s28 =	simm.s32 $_size_execute0_lowered;
	s3 =	sadd.s32 s3, s5;
	[dreg:$0x0] =	wrdreg $0x0  }
0x20: {  	s5 =	sshll.u32 s28, $0x1;
	[dreg:$0x2] =	wrdreg s3  }
0x21: {  	[dreg:$0x3] =	wrdreg s5  }
0x22: {  	[dreg:$0x4] =	wrdreg $0xC0  }
0x23: {  	_ =	task [dreg:s7], $0x5FFFF  }
0x24: {  	[dreg:$0x1] =	wrdreg $0xFFFFFFFF  }
0x25: {  	[dreg:$0x0] =	wrdreg $0x60  }
0x26: {  	[dreg:$0x2] =	wrdreg s2  }
0x27: {  	[dreg:$0x3] =	wrdreg s25  }
0x28: {  	[dreg:$0x4] =	wrdreg $0x9  }
0x29: {  	_ =	task.clear_ibuf [dreg:s7], $0x5FFFF;
	_ =	strace $0x90000046  }
0x2a: {  	s29 =	simm.s32 $0x9;
	_ =	strace $0x80000048  }
0x2b: {  	_ =	swait.ge [sflag:s29], $0x1  }
0x2c: {  	[sflag:s29] =	ssyncadd.s32 $0xFFFFFFFF  }
0x2d: {  	_ =	strace $0x90000048  }
0x2e: {  	_ =	sfence  }
0x2f: {  	s30 =	sld [smem:$0x0];
	_ =	sdelay $0x2  }
0x30: {  	s31 =	sshll.u32 s1, $0xD;
	s1 =	sshrl.u32 s1, $0x2  }
0x31: {  	s3 =	sand.u32 $0x4000, s31;
	s1 =	sadd.s32 s1, s30  }
0x32: {  	s0 =	sor.u32 s3, s0;
	s1 =	sshll.u32 s1, $0x11  }
0x33: {  	s0 =	sor.u32 s1, s0  }
0x34: {  	s0 =	sadd.s32 $0x8F2B, s0  }
0x35: {  	[sflag:s0] =	ssyncadd.remote.s32 $0x1  }
0x36: {  	_ =	sfence.sel $0xFFFF  }
0x37: {  	[dreg:$0x0] =	wrdreg $0xFFFFFFFF;
	(pc) =	sbr.abs _section_cstart, $3  }
0x38: {  	[dreg:$0x1] =	wrdreg $0xFFFFFFFF  }
0x39: {  	_ =	task.clear_ibuf [dreg:s7], $0x2FFFF;
	_ =	strace $0x9FFFFFFF  }
0x3a: {  	(tm) =	ssettm $0x7FFFFFFF  }
0x3b: {  	_ =	shalt  }
tec
execute0_lowered:
.L_overlay_start_1:
0x0: {  	(tag) =	ssettag $0x1  }
0x1: {  	s0 =	srdreg.scid;
	s2 =	rddreg [dreg:$0x0]  }
0x2: {  	s5 =	rddreg [dreg:$0x1];
	s1 =	stileid.u32  }
0x3: {  	s4 =	simm.s32 $0x1;
	s6 =	simm.s32 $0x2;
	s15 =	simm.s32 $0x0  }
0x4: {  	p0 =	por $0x0, $0x0;
	s8 =	simm.s32 $0x80;
	s0 =	sshll.u32 s0, $0x4  }
0x5: {  	s14 =	simm.s32 $0x0;
	s9 =	simm.s32 $0x0;
	s3 =	sand.u32 $0x10, s0  }
.Ltmp0:
0x6: {  	s10 =	simm.s32 $0x0;
	s3 =	sor.u32 s1, s3;
	(pc) =	sbr.rel .LBB1_1-.Ltmp0, $4  }
0x7: {  	s0 =	rddreg [dreg:$0x2];
	_ =	strace $0x80000047;
	s3 =	sshll.u32 s3, $0x7  }
0x8: {  	s12 =	simm.s32 $0x0;
	[sflag:s4] =	ssyncpa.u1 $0x0;
	s7 =	ssub.s32 $0xF4200, s3  }
0x9: {  	s13 =	simm.s32 $0x0;
	[sflag:s6] =	ssyncpa.u1 $0x0;
	s6 =	sshrl.u32 s7, $0xC  }
0xa: {  	s5 =	sadd.s32 $0xA00, s5;
	s11 =	smov.u32 s3;
	s7 =	sadd.s32 $0x2, s6  }
.LBB1_5:
0xb: {  	p1 =	slt.u32 s13, $0x2  }
0xc: {  	s17 =	smov.u32 s15;
	p2 =	sgt.s32 @!p1 s15, $0xF41C0;
	s16 =	sshra.s32 @!p1 s15, $0x1F  }
0xd: {  	p3 =	sgt.s32 @!p1 s14, $0x40;
	s18 =	sshra.s32 @!p1 s14, $0x1F;
	p2 =	por !p2, p1  }
0xe: {  	s15 =	sand.u32 @!p1 s16, s15;
	p3 =	por !p3, p1;
	s16 =	smov.u32 s14  }
0xf: {  	s14 =	sand.u32 @!p1 s18, s14;
	s17 =	simm.s32 @p2 $0xF41C0;
	s16 =	simm.s32 @p3 $0x40  }
0x10: {  	s15 =	ssub.s32 @!p1 s17, s15;
	s14 =	ssub.s32 @!p1 s16, s14  }
0x11: {  	s18 =	smov.u32 s12;
	s16 =	sadd.s32 @!p1 $0xFFF0BE40, s15;
	s17 =	sadd.s32 @!p1 $0xFFFFFFC0, s14  }
0x12: {  	s15 =	ssub.s32 @!p1 $0xF4240, s15;
	p2 =	sgt.s32 @!p1 s16, $0x7F;
	p3 =	sgt.s32 @!p1 s17, $0x3F  }
0x13: {  	s14 =	ssub.s32 @!p1 $0x80, s14;
	p2 =	por !p2, p1;
	p3 =	por !p3, p1  }
0x14: {  	s16 =	sadd.s32 $0x1000, s11;
	s15 =	simm.s32 @!p2 $0x0;
	s14 =	simm.s32 @!p3 $0x0  }
0x15: {  	p2 =	sgt.s32 s16, $0xF423F;
	s14 =	smul.u32 @!p1 s14, s15;
	s15 =	sadd.s32 $0x40, s12  }
0x16: {  	s18 =	smov.u32 @p2 s15  }
0x17: {  	s16 =	smov.u32 @p2 s3;
	p2 =	sgt.s32 s18, $0x3F  }
0x18: {  	s18 =	simm.s32 @p2 $0x0;
	p2 =	sne.s32 s13, s7  }
.Ltmp1:
0x19: {  	p0 =	por !p0, !p0;
	s17 =	simm.s32 @!p1 $0x2;
	(pc) =	sbr.rel @!p2 .LBB1_6-.Ltmp1, $4  }
0x1a: {  	s15 =	smov.u32 s9;
	s9 =	smov.u32 s11;
	s14 =	sand.u32 @!p1 $0x3FFFFFFF, s14  }
0x1b: {  	s11 =	smov.u32 s16;
	_ =	swait.ge @!p1 [sflag:s17], s14;
	s19 =	ssub.s32 @!p1 $0x0, s14  }
0x1c: {  	s14 =	smov.u32 s10;
	s13 =	sadd.s32 $0x1, s13;
	[sflag:s17] =	ssyncset.done @!p1 $0x0  }
0x1d: {  	s10 =	smov.u32 s12;
	s12 =	smov.u32 s18;
	[sflag:s17] =	ssyncadd.s32 @!p1 s19  }
.LBB1_1:
0x1e: {  	p1 =	sgt.u32 s13, s6  }
0x1f: {  	s16 =	sshrl.u32 @!p1 s12, $0x3  }
0x20: {  	s17 =	sshll.u32 @!p1 s11, $0x3;
	s16 =	smul.u32 @!p1 $0x7A1400, s16  }
0x21: {  	s18 =	sshll.u32 @!p1 s12, $0x7;
	s17 =	sand.u32 @!p1 $0xFFFFFC00, s17  }
0x22: {  	s16 =	sadd.s32 @!p1 s16, s17;
	s17 =	sand.u32 @!p1 $0x380, s18  }
0x23: {  	s18 =	sand.u32 @!p1 $0x7F, s11;
	s16 =	sor.u32 @!p1 s17, s16  }
0x24: {  	s17 =	sor.u32 @!p1 s18, s16  }
0x25: {  	s18 =	smulhi.u32 @!p1 $0x218D6287, s17;
	_ =	sdelay $0x1  }
0x26: {  	s16 =	smulhi.u32 @!p1 $0x218D6287, s16;
	s18 =	sshrl.u32 @!p1 s18, $0x11  }
0x27: {  	s18 =	smul.u32 @!p1 $0xF4280, s18  }
0x28: {  	s19 =	sxor.u32 @!p1 $0xFFFFFFFF, s13;
	s16 =	sshrl.u32 @!p1 s16, $0x11  }
0x29: {  	s19 =	sshll.u32 @!p1 s19, $0xD;
	s16 =	sand.u32 @!p1 $0x3F, s16;
	s17 =	ssub.s32 @!p1 s17, s18  }
0x2a: {  	s16 =	smul.u32 @!p1 $0x1E850, s16;
	s18 =	sshrl.u32 @!p1 s17, $0x3;
	s17 =	sand.u32 @!p1 $0x7, s17  }
0x2b: {  	s19 =	sand.u32 @!p1 $0x2000, s19;
	s18 =	sadd.s32 @!p1 s2, s18;
	s17 =	sshll.u32 @!p1 s17, $0x12  }
0x2c: {  	s16 =	sadd.s32 @!p1 s16, s18;
	s17 =	sor.u32 @!p1 $0x400, s17;
	s18 =	simm.s32 @!p1 $0x7A1400  }
0x2d: {  	[tilespmem:s19], [sflag:$0x1] =	stream.strided.gather @!p1 [hbm4b:s16+s17], $0x2000, s18, s17, $0x38;
	[tilespmem:$0x8100] =	vst v63  }
0x2e: {  	p1 =	seq.s32 s13, $0x0  }
0x2f: {  	p2 =	sge.u32 @!p1 s13, s7  }
0x30: {  	p1 =	por p1, p2  }
.Ltmp2:
0x31: {  	_ = 	snop;
	(pc) =	sbr.rel @p1 .LBB1_5-.Ltmp2, $1  }
0x32: {  	_ =	sdelay $0x3  }
0x33: {  	s16 =	simm.s32 $0x1  }
0x34: {  	_ =	swait.ge [sflag:s4], $0x2000;
	s16 =	simm.s32 @!p0 $0x0  }
0x35: {  	[sflag:s4] =	ssyncset.done $0x0;
	s17 =	sshll.u32 s16, $0xD  }
0x36: {  	[sflag:s4] =	ssyncadd.s32 $0xFFFFE000;
	s17 =	sor.u32 $0x40, s17  }
0x37: {  	s16 =	smul.u32 $0x8200, s16;
	v0 =	vld [tilespmem:s17+$0x30]  }
0x38: {  	v1 =	vld [tilespmem:s17+$0xFFFFFFD0]  }
0x39: {  	s16 =	sshrl.u32 s16, $0x2;
	v5 =	vld [tilespmem:s17+$0xFFFFFFE0]  }
0x3a: {  	v6 =	vld [tilespmem:s17+$0xFFFFFFF0];
	s19 =	sor.u32 $0x4000, s16  }
0x3b: {  	s31 =	sand.u32 $0x1, s13;
	v4 =	vld [tilespmem:s17+$0x0];
	s18 =	sadd.s32 $0x0, s19  }
0x3c: {  	v3 =	vld [tilespmem:s17+$0x10];
	s16 =	smul.u32 $0x8200, s31;
	[tilespmem:s18+$0x1C70 ss:$0x41] =	vst.msk $0xffff, v0  }
0x3d: {  	v2 =	vld [tilespmem:s17+$0x20];
	[tilespmem:s18+$0x410 ss:$0x41] =	vst.msk $0xffff, v1  }
0x3e: {  	s16 =	sshrl.u32 s16, $0x2;
	v1 =	vld [tilespmem:s17+$0xFFFFFFC0];
	[tilespmem:s18+$0x820 ss:$0x41] =	vst.msk $0xffff, v5;
	s17 =	sadd.s32 $0x80, s17  }
0x3f: {  	s20 =	simm.s32 $0x4;
	s21 =	simm.s32 $0x8;
	s16 =	sor.u32 $0x4000, s16;
	[tilespmem:s18+$0xC30 ss:$0x41] =	vst.msk $0xffff, v6;
	v0 =	vld [tilespmem:s17+$0x30]  }
.LBB1_3:
0x40: {  	p1 =	sne.s32 s21, $0xFC;
	v5 =	vld [tilespmem:s17+$0xFFFFFFD0];
	[tilespmem:s18+$0x1040 ss:$0x41] =	vst.msk $0xffff, v4  }
0x41: {  	v6 =	vld [tilespmem:s17+$0xFFFFFFE0];
	[tilespmem:s18+$0x1450 ss:$0x41] =	vst.msk $0xffff, v3  }
0x42: {  	s22 =	sshra.s32 s20, $0x2;
	s20 =	smov.u32 s21;
	v7 =	vld [tilespmem:s17+$0xFFFFFFF0];
	[tilespmem:s18+$0x1860 ss:$0x41] =	vst.msk $0xffff, v2  }
.Ltmp3:
0x43: {  	v4 =	vld [tilespmem:s17+$0x0];
	[tilespmem:s18+$0x0 ss:$0x41] =	vst.msk $0xffff, v1;
	s18 =	sadd.s32 s22, s19;
	(pc) =	sbr.rel @p1 .LBB1_3-.Ltmp3, $4  }
0x44: {  	v3 =	vld [tilespmem:s17+$0x10];
	[tilespmem:s18+$0x1C70 ss:$0x41] =	vst.msk $0xffff, v0  }
0x45: {  	[tilespmem:s18+$0x410 ss:$0x41] =	vst.msk $0xffff, v5;
	v2 =	vld [tilespmem:s17+$0x20]  }
0x46: {  	v1 =	vld [tilespmem:s17+$0xFFFFFFC0];
	[tilespmem:s18+$0x820 ss:$0x41] =	vst.msk $0xffff, v6;
	s17 =	sadd.s32 $0x80, s17  }
0x47: {  	s21 =	sadd.s32 $0x4, s21;
	v0 =	vld [tilespmem:s17+$0x30];
	[tilespmem:s18+$0xC30 ss:$0x41] =	vst.msk $0xffff, v7  }
0x48: {  	s21 =	sshll.u32 s9, $0x7;
	s22 =	sshll.u32 s10, $0x3;
	s20 =	sshra.s32 s20, $0x2  }
0x49: {  	p1 =	sgt.s32 s9, $0xF41C0;
	s30 =	sshra.s32 s9, $0x1F;
	s25 =	sshra.s32 s10, $0x1F  }
0x4a: {  	v5 =	vld [tilespmem:s17+$0xFFFFFFD0];
	s28 =	sshrl.u32 s10, $0x3;
	s23 =	sand.u32 $0xFFFFFC00, s21;
	s22 =	sand.u32 $0xFFFFFC00, s22  }
0x4b: {  	[tilespmem:s18+$0x1040 ss:$0x41] =	vst.msk $0xffff, v4;
	v58 =	vld [tilespmem:s17+$0xFFFFFFE0];
	s21 =	sand.u32 $0x380, s21;
	s19 =	sadd.s32 s20, s19;
	s22 =	sadd.s32 s22, s23  }
0x4c: {  	v59 =	vld [tilespmem:s17+$0xFFFFFFF0];
	[tilespmem:s18+$0x1450 ss:$0x41] =	vst.msk $0xffff, v3;
	s29 =	sor.u32 s21, s22;
	s21 =	smov.u32 s9;
	s22 =	sand.u32 s30, s9  }
0x4d: {  	v60 =	vld [tilespmem:s17+$0x0];
	[tilespmem:s18+$0x1860 ss:$0x41] =	vst.msk $0xffff, v2;
	s30 =	sand.u32 $0x7, s10;
	s20 =	sshrl.u32 s29, $0x7;
	s21 =	simm.s32 @!p1 $0xF41C0  }
0x4e: {  	v61 =	vld [tilespmem:s17+$0x10];
	[tilespmem:s18+$0x0 ss:$0x41] =	vst.msk $0xffff, v1;
	p1 =	sgt.s32 s10, $0x40;
	s24 =	ssub.s32 s21, s22;
	s21 =	smov.u32 s10  }
0x4f: {  	v62 =	vld [tilespmem:s17+$0x20];
	[tilespmem:s19+$0x1C70 ss:$0x41] =	vst.msk $0xffff, v0;
	s31 =	smulhi.u32 $0x218DEF5, s20;
	s22 =	sand.u32 s25, s10;
	s21 =	simm.s32 @!p1 $0x40  }
0x50: {  	v63 =	vld [tilespmem:s17+$0xFFFFFFC0];
	[tilespmem:s19+$0x410 ss:$0x41] =	vst.msk $0xffff, v5;
	s26 =	sadd.s32 $0xFFF0BE40, s24;
	s17 =	ssub.s32 $0xF4240, s24;
	s21 =	ssub.s32 s21, s22  }
0x51: {  	[tilespmem:s19+$0x820 ss:$0x41] =	vst.msk $0xffff, v58;
	s23 =	sshrl.u32 s31, $0xD;
	p1 =	sgt.s32 s26, $0x7F;
	s27 =	sadd.s32 $0xFFFFFFC0, s21  }
0x52: {  	[tilespmem:s19+$0xC30 ss:$0x41] =	vst.msk $0xffff, v59;
	s23 =	smul.u32 $0xF4240, s23;
	s18 =	ssub.s32 $0x80, s21;
	p2 =	sgt.s32 s27, $0x3F  }
.Ltmp4:
0x53: {  	[tilespmem:s19+$0x1040 ss:$0x41] =	vst.msk $0xffff, v60;
	s17 =	simm.s32 @p1 $0x0;
	s18 =	simm.s32 @p2 $0x0;
	(pc) =	sbr.rel .LBB1_5-.Ltmp4, $4  }
0x54: {  	s29 =	sand.u32 $0xF, s28;
	[tilespmem:s19+$0x1450 ss:$0x41] =	vst.msk $0xffff, v61;
	s20 =	ssub.s32 s20, s23;
	s17 =	smul.u32 s18, s17  }
0x55: {  	[tilespmem:s19+$0x1860 ss:$0x41] =	vst.msk $0xffff, v62;
	s21 =	sshll.u32 s30, $0x12;
	s20 =	sshll.u32 s20, $0x4;
	s18 =	sadd.s32 s5, s29  }
0x56: {  	[tilespmem:s19+$0x0 ss:$0x41] =	vst.msk $0xffff, v63;
	s31 =	sor.u32 $0x40, s21;
	s18 =	sadd.s32 s20, s18;
	s17 =	sand.u32 $0x3FFFFFFF, s17  }
0x57: {  	[hbm4b:s18+s31] =	stream.strided.scatter [tilespmem:s16], [sflag:$0x2], s17, s8, s31, $0x18;
	[tilespmem:$0x8100] =	vst v63  }
.LBB1_6:
0x58: {  	_ =	sfence.sel $0x180000  }
0x59: {  	s2 =	simm.s32 $0x1;
	[bflag:$0x0] =	sbarrier.arrive $0xFFFF  }
0x5a: {  	s31 =	simm.s32 $0x2;
	[sflag:s2] =	ssyncpa.u1 $0x1  }
0x5b: {  	[sflag:s31] =	ssyncpa.u1 $0x1  }
0x5c: {  	p0 =	sne.s32 s1, $0x0;
	_ =	strace $0x90000047  }
0x5d: {  	s0 =	sadd.s32 @!p0 $0x100000, s0;
	[bflag:$0x2] =	sbarrier.arrive $0xFFFF  }
0x5e: {  	[sflag:s0] =	ssyncadd.tile.s32 @!p0 $0x1;
	_ =	shalt  }
.Lfunc_end1:
_tile_overlayer_lowered:
.L_overlay_start_2:
0x5f: {  	(tag) =	ssettag $0x2  }
0x60: {  	s0 =	rddreg [dreg:$0x0];
	s2 =	stileid.u32  }
0x61: {  	s1 =	rddreg [dreg:$0x1];
	p0 =	sne.s32 s2, $0x0  }
0x62: {  	s3 =	rddreg [dreg:$0x2];
	[bflag:$0x3] =	sbarrier.arrive $0xFFFF;
	s2 =	simm.s32 @!p0 $0x1C01  }
0x63: {  	[timem:s3], [sflag:s2] =	dma.local @!p0 [hbm:s0], s1  }
0x64: {  	s0 =	simm.s32 @!p0 $0x1  }
0x65: {  	_ =	swait.ge @!p0 [sflag:s0], s1  }
0x66: {  	s1 =	ssub.s32 @!p0 $0x0, s1;
	[sflag:s0] =	ssyncset.done @!p0 $0x0  }
0x67: {  	[sflag:s0] =	ssyncadd.s32 @!p0 s1  }
0x68: {  	[bflag:$0x3] =	sbarrier.arrive $0xFFFF  }
0x69: {  	_ =	shalt  }

</sc_bundles>
